<compile_context>
chip_gen: v7x
topology: tpu7x:2x2x1
jax: 0.10.2.dev20260603
libtpu: 0.0.44.dev20260713+nightly
codegen_flags: <defaults>
</compile_context>

<pallas_src>
import jax
import jax.numpy as jnp
from jax import lax
from jax.experimental import pallas as pl
from jax.experimental.pallas import tpu as pltpu
from jax.experimental.pallas import tpu_sc as plsc

_N = 1024
_L = 16
_NT = 16
_CPT = _N // _NT
_NG = _CPT // _L
_NCH = _N // _L


def _sc_body(adj_hbm, src_hbm, emb_hbm, nf_out, stats_out,
             blk, dist, newd, myout, srcv, statv, chgidx, chg, mcnt,
             rowbuf, sh_dist):
    c = lax.axis_index("c")
    t = lax.axis_index("s")
    col0 = t * _CPT
    iot = lax.iota(jnp.int32, _L)
    nf = emb_hbm.shape[1]

    pltpu.sync_copy(adj_hbm.at[:, pl.ds(col0, _CPT)], blk)
    pltpu.sync_copy(src_hbm, srcv)

    @pl.when(c == 0)
    def _():
        pltpu.sync_copy(emb_hbm.at[pl.ds(col0, _CPT), :],
                        rowbuf.at[:, pl.ds(0, nf)])
    src_splat = srcv[...]

    inf_v = jnp.full((_L,), jnp.inf, dtype=jnp.float32)

    def diag_body(i, _):
        row = col0 + i
        coff = (i // _L) * _L
        v = blk[row, pl.ds(coff, _L)]
        blk[row, pl.ds(coff, _L)] = jnp.where(iot == i % _L, jnp.inf, v)
        return 0
    lax.fori_loop(0, _CPT, diag_body, 0)

    def init_body(k, _):
        gidx = iot + k * _L
        dist[pl.ds(k * _L, _L)] = jnp.where(gidx == src_splat, 0.0, jnp.inf)
        chgidx[pl.ds(k * _L, _L)] = jnp.zeros((_L,), jnp.int32)
        return 0
    lax.fori_loop(0, _NCH, init_body, 0)
    chgidx[pl.ds(0, _L)] = jnp.where(iot == 0, src_splat, 0)
    mcnt[0] = jnp.int32(1)

    chg[0] = jnp.int32(1)

    def relax_iter():
        nch = (mcnt[0] + (_L - 1)) // _L

        def c_step(ci, accs):
            idxv = chgidx[pl.ds(ci * _L, _L)]
            dv = plsc.load_gather(dist, [idxv])
            out = list(accs)
            for j in range(_L):
                s = idxv[j]
                a = jnp.full((_L,), dv[j])
                for g in range(_NG):
                    cand = blk[s, pl.ds(g * _L, _L)] + a
                    out[g] = jnp.minimum(out[g], cand)
            return tuple(out)
        accs = lax.fori_loop(0, nch, c_step, (inf_v,) * _NG)

        for g in range(_NG):
            cur = dist[pl.ds(col0 + g * _L, _L)]
            myout[pl.ds(g * _L, _L)] = jnp.minimum(accs[g], cur)

        pltpu.sync_copy(myout, sh_dist.at[pl.ds(col0, _CPT)])
        plsc.subcore_barrier()
        pltpu.sync_copy(sh_dist, newd)

        def ch_body(k4, off):
            for u in range(4):
                k = k4 * 4 + u
                o = dist[pl.ds(k * _L, _L)]
                nv = newd[pl.ds(k * _L, _L)]
                dist[pl.ds(k * _L, _L)] = nv
                m = nv < o
                plsc.store_compressed(chgidx.at[pl.ds(off, _L)],
                                      iot + k * _L, mask=m)
                pc = plsc.all_reduce_population_count(m)
                off = off + pc[0]
            return off
        off = lax.fori_loop(0, _NCH // 4, ch_body, jnp.int32(0))
        mcnt[0] = off
        chg[0] = (off > 0).astype(jnp.int32)

        plsc.subcore_barrier()

    def inner_body(i, _):
        @pl.when(chg[0] > 0)
        def _():
            relax_iter()
        return 0

    def outer_body(o, _):
        @pl.when(chg[0] > 0)
        def _():
            lax.fori_loop(0, 16, inner_body, 0)
        return 0

    lax.fori_loop(0, 63, outer_body, 0)

    @pl.when(chg[0] > 0)
    def _():
        lax.fori_loop(0, 15, inner_body, 0)

    @pl.when(c == 0)
    def _():
        col_idx = jnp.full((_L,), nf, dtype=jnp.int32)
        for g in range(_NG):
            vals = dist[pl.ds(col0 + g * _L, _L)]
            plsc.store_scatter(rowbuf, [g * _L + iot, col_idx], vals)
        pltpu.sync_copy(rowbuf, nf_out.at[pl.ds(col0, _CPT), :])

    @pl.when(jnp.logical_and(c == 0, t == 0))
    def _():
        def stat_body(k, acc):
            d = dist[pl.ds(k * _L, _L)]
            gidx = iot + k * _L
            return (jnp.maximum(acc[0], d),
                    acc[1] + jnp.where(gidx == src_splat, d, 0.0))
        dm, ec = lax.fori_loop(
            0, _NCH, stat_body,
            (jnp.full((_L,), -jnp.inf, dtype=jnp.float32),
             jnp.zeros((_L,), jnp.float32)))
        diam = jnp.max(dm)
        ecc = jnp.sum(ec)
        statv[...] = jnp.where(iot == 0, diam, jnp.where(iot == 1, ecc, 0.0))
        pltpu.sync_copy(statv, stats_out)


def _run_sc(adj_matrix, src_arr, emb):
    n = adj_matrix.shape[0]
    nf = emb.shape[1]
    mesh = plsc.VectorSubcoreMesh(core_axis_name="c", subcore_axis_name="s",
                                  num_cores=1)
    sc = pl.kernel(
        _sc_body,
        out_type=(jax.ShapeDtypeStruct((n, nf + 1), jnp.float32),
                  jax.ShapeDtypeStruct((_L,), jnp.float32)),
        mesh=mesh,
        scratch_types=[
            pltpu.VMEM((n, _CPT), jnp.float32),
            pltpu.VMEM((n,), jnp.float32),
            pltpu.VMEM((n,), jnp.float32),
            pltpu.VMEM((_CPT,), jnp.float32),
            pltpu.VMEM((_L,), jnp.int32),
            pltpu.VMEM((_L,), jnp.float32),
            pltpu.VMEM((n,), jnp.int32),
            pltpu.SMEM((1,), jnp.int32),
            pltpu.SMEM((1,), jnp.int32),
            pltpu.VMEM((_CPT, nf + 1), jnp.float32),
            pltpu.VMEM_SHARED((n,), jnp.float32),
        ],
        compiler_params=pltpu.CompilerParams(use_tc_tiling_on_sc=False,
                                             needs_layout_passes=False),
    )
    return sc(adj_matrix, src_arr, emb)


def kernel(adj_matrix, source_node, emb, edge_weights):
    src_arr = jnp.full((_L,), source_node, dtype=jnp.int32)
    node_features, stats = _run_sc(adj_matrix, src_arr, emb)
    return node_features, stats[0], stats[1]

# --- scband reference (transcript-rebuilt; emitter-appended) ---
"""Pipeline reference for scband-bellman-ford-layer-modified-22754736734767 (READ-ONLY COPY).

The authoritative reference and input builder live on the scoring server;
editing this copy changes nothing except your own understanding.
"""

import jax, jax.numpy as jnp
import numpy as np

NUM_NODES = 1024
NUM_FEATURES = 128


def setup_inputs(seed: int = 0) -> dict:
    key = jax.random.key(seed)
    k1, k2, k3 = jax.random.split(key, 3)
    adj_matrix = jax.random.uniform(k1, (NUM_NODES, NUM_NODES), dtype=jnp.float32)
    # learned parameters sized per init_kwargs
    emb = jax.random.normal(k2, (NUM_NODES, NUM_FEATURES), dtype=jnp.float32)
    edge_weights = jax.random.uniform(k3, (NUM_NODES, NUM_NODES), dtype=jnp.float32)  # declared in __init__ but never used in forward; kept for parity
    return {"adj_matrix": adj_matrix, "source_node": 0, "emb": emb, "edge_weights": edge_weights}


def reference(adj_matrix, source_node, emb, edge_weights):
    N = adj_matrix.shape[0]
    dist0 = jnp.full((N,), jnp.inf, dtype=adj_matrix.dtype).at[source_node].set(0.0)
    # s != d exclusion and finite-edge check from the original inner-loop condition
    valid = (~jnp.eye(N, dtype=bool)) & (adj_matrix != jnp.inf)

    def body(dist, _):
        # distances[d] = min(distances[d], min_s distances[s] + adj[s, d])
        cand = dist[:, None] + adj_matrix
        cand = jnp.where(valid, cand, jnp.inf)
        new = jnp.minimum(dist, jnp.min(cand, axis=0))
        return new, None

    dist, _ = jax.lax.scan(body, dist0, None, length=N - 1)

    graph_diameter = jnp.max(dist)
    graph_eccentricity = dist[source_node]  # torch.max over a 0-d tensor is identity

    node_features = jnp.take(emb, jnp.arange(N), axis=0)  # embedding lookup
    node_features = jnp.concatenate([node_features, dist[:, None]], axis=1)
    return (node_features, graph_diameter, graph_eccentricity)

if __name__ == "__main__":
    import jax
    _d = setup_inputs()
    print(jax.jit(kernel)(*tuple(_d.values())))

</pallas_src>

<mosaic_0001>
#map = affine_map<(d0, d1) -> (0, 0)>
#map1 = affine_map<(d0, d1) -> (0)>
module attributes {stable_mosaic.version = 14 : i64} {
  func.func @_sc_body(%arg0: i32, %arg1: i32, %arg2: memref<1024x1024xf32, #tpu.memory_space<hbm>>, %arg3: memref<16xi32, #tpu.memory_space<hbm>>, %arg4: memref<1024x128xf32, #tpu.memory_space<hbm>>, %arg5: memref<1024x129xf32, #tpu.memory_space<hbm>>, %arg6: memref<16xf32, #tpu.memory_space<hbm>>, %arg7: memref<1024x64xf32, #tpu.memory_space<vmem>>, %arg8: memref<1024xf32, #tpu.memory_space<vmem>>, %arg9: memref<1024xf32, #tpu.memory_space<vmem>>, %arg10: memref<64xf32, #tpu.memory_space<vmem>>, %arg11: memref<16xi32, #tpu.memory_space<vmem>>, %arg12: memref<16xf32, #tpu.memory_space<vmem>>, %arg13: memref<1024xi32, #tpu.memory_space<vmem>>, %arg14: memref<1xi32, #tpu.memory_space<smem>>, %arg15: memref<1xi32, #tpu.memory_space<smem>>, %arg16: memref<64x129xf32, #tpu.memory_space<vmem>>, %arg17: memref<1024xf32, #tpu.memory_space<vmem_shared>>) attributes {dimension_semantics = [#tpu.dimension_semantics<core_parallel>, #tpu.dimension_semantics<subcore_parallel>], iteration_bounds = array<i64: 1, 16>, scalar_prefetch = 0 : i64, scratch_operands = 11 : i64, tpu.core_type = #tpu.core_type<sc_vector_subcore>, window_params = [{transform_indices = #map}, {transform_indices = #map1}, {transform_indices = #map}, {transform_indices = #map}, {transform_indices = #map1}]} {
    %mul3A = arith.constant 64 : i32
    %mul3A_0 = arith.muli %arg1, %mul3A : i32
    %iota3A = tpu.iota {dimensions = array<i32: 0>} : vector<16xi32>
    "tpu.region"() ({
      %run_scoped3A = tpu.sem_alloc : memref<!tpu.dma_semaphore, #tpu.memory_space<semaphore_mem>>
      %dma_start3A = arith.constant 0 : i32
      %dma_start3A_57 = tpu.memref_slice %arg2[%dma_start3A, %mul3A_0] : memref<1024x1024xf32, #tpu.memory_space<hbm>> -> memref<1024x64xf32, #tpu.memory_space<hbm>>
      %dma_start3A_58 = arith.constant 0 : i32
      %dma_start3A_59 = tpu.memref_slice %arg2[%dma_start3A_58, %mul3A_0] : memref<1024x1024xf32, #tpu.memory_space<hbm>> -> memref<1024x64xf32, #tpu.memory_space<hbm>>
      tpu.enqueue_dma source(%dma_start3A_59 : memref<1024x64xf32, #tpu.memory_space<hbm>>) target(%arg7 : memref<1024x64xf32, #tpu.memory_space<vmem>>) target_semaphore(%run_scoped3A : memref<!tpu.dma_semaphore, #tpu.memory_space<semaphore_mem>>)
      %dma_wait3A = arith.constant 0 : i32
      %dma_wait3A_60 = tpu.memref_slice %arg2[%dma_wait3A, %mul3A_0] : memref<1024x1024xf32, #tpu.memory_space<hbm>> -> memref<1024x64xf32, #tpu.memory_space<hbm>>
      %dma_wait3A_61 = arith.constant 0 : i32
      %dma_wait3A_62 = tpu.memref_slice %arg2[%dma_wait3A_61, %mul3A_0] : memref<1024x1024xf32, #tpu.memory_space<hbm>> -> memref<1024x64xf32, #tpu.memory_space<hbm>>
      tpu.wait_dma2 semaphore(%run_scoped3A : memref<!tpu.dma_semaphore, #tpu.memory_space<semaphore_mem>>) src(%dma_wait3A_62 : memref<1024x64xf32, #tpu.memory_space<hbm>>) dst(%arg7 : memref<1024x64xf32, #tpu.memory_space<vmem>>)
      tpu.yield
    }) : () -> ()
    "tpu.region"() ({
      %run_scoped3A = tpu.sem_alloc : memref<!tpu.dma_semaphore, #tpu.memory_space<semaphore_mem>>
      tpu.enqueue_dma source(%arg3 : memref<16xi32, #tpu.memory_space<hbm>>) target(%arg11 : memref<16xi32, #tpu.memory_space<vmem>>) target_semaphore(%run_scoped3A : memref<!tpu.dma_semaphore, #tpu.memory_space<semaphore_mem>>)
      tpu.wait_dma2 semaphore(%run_scoped3A : memref<!tpu.dma_semaphore, #tpu.memory_space<semaphore_mem>>) src(%arg3 : memref<16xi32, #tpu.memory_space<hbm>>) dst(%arg11 : memref<16xi32, #tpu.memory_space<vmem>>)
      tpu.yield
    }) : () -> ()
    %eq3A = arith.constant 0 : i32
    %eq3A_1 = arith.cmpi eq, %arg0, %eq3A : i32
    %convert_element_type3A = arith.extui %eq3A_1 : i1 to i32
    %cond3A = arith.constant 0 : i32
    %cond3A_2 = arith.cmpi ne, %convert_element_type3A, %cond3A : i32
    scf.if %cond3A_2 {
      "tpu.region"() ({
        %run_scoped3A = tpu.sem_alloc : memref<!tpu.dma_semaphore, #tpu.memory_space<semaphore_mem>>
        %dma_start3A = arith.constant 0 : i32
        %dma_start3A_57 = arith.constant 0 : i32
        %dma_start3A_58 = tpu.memref_slice %arg16[%dma_start3A, %dma_start3A_57] : memref<64x129xf32, #tpu.memory_space<vmem>> -> memref<64x128xf32, #tpu.memory_space<vmem>>
        %dma_start3A_59 = arith.constant 0 : i32
        %dma_start3A_60 = tpu.memref_slice %arg4[%mul3A_0, %dma_start3A_59] : memref<1024x128xf32, #tpu.memory_space<hbm>> -> memref<64x128xf32, #tpu.memory_space<hbm>>
        %dma_start3A_61 = arith.constant 0 : i32
        %dma_start3A_62 = arith.constant 0 : i32
        %dma_start3A_63 = tpu.memref_slice %arg16[%dma_start3A_61, %dma_start3A_62] : memref<64x129xf32, #tpu.memory_space<vmem>> -> memref<64x128xf32, #tpu.memory_space<vmem>>
        %dma_start3A_64 = arith.constant 0 : i32
        %dma_start3A_65 = tpu.memref_slice %arg4[%mul3A_0, %dma_start3A_64] : memref<1024x128xf32, #tpu.memory_space<hbm>> -> memref<64x128xf32, #tpu.memory_space<hbm>>
        tpu.enqueue_dma source(%dma_start3A_65 : memref<64x128xf32, #tpu.memory_space<hbm>>) target(%dma_start3A_63 : memref<64x128xf32, #tpu.memory_space<vmem>>) target_semaphore(%run_scoped3A : memref<!tpu.dma_semaphore, #tpu.memory_space<semaphore_mem>>)
        %dma_wait3A = arith.constant 0 : i32
        %dma_wait3A_66 = arith.constant 0 : i32
        %dma_wait3A_67 = tpu.memref_slice %arg16[%dma_wait3A, %dma_wait3A_66] : memref<64x129xf32, #tpu.memory_space<vmem>> -> memref<64x128xf32, #tpu.memory_space<vmem>>
        %dma_wait3A_68 = arith.constant 0 : i32
        %dma_wait3A_69 = tpu.memref_slice %arg4[%mul3A_0, %dma_wait3A_68] : memref<1024x128xf32, #tpu.memory_space<hbm>> -> memref<64x128xf32, #tpu.memory_space<hbm>>
        %dma_wait3A_70 = arith.constant 0 : i32
        %dma_wait3A_71 = arith.constant 0 : i32
        %dma_wait3A_72 = tpu.memref_slice %arg16[%dma_wait3A_70, %dma_wait3A_71] : memref<64x129xf32, #tpu.memory_space<vmem>> -> memref<64x128xf32, #tpu.memory_space<vmem>>
        %dma_wait3A_73 = arith.constant 0 : i32
        %dma_wait3A_74 = tpu.memref_slice %arg4[%mul3A_0, %dma_wait3A_73] : memref<1024x128xf32, #tpu.memory_space<hbm>> -> memref<64x128xf32, #tpu.memory_space<hbm>>
        tpu.wait_dma2 semaphore(%run_scoped3A : memref<!tpu.dma_semaphore, #tpu.memory_space<semaphore_mem>>) src(%dma_wait3A_74 : memref<64x128xf32, #tpu.memory_space<hbm>>) dst(%dma_wait3A_72 : memref<64x128xf32, #tpu.memory_space<vmem>>)
        tpu.yield
      }) : () -> ()
    } else {
    }
    %get3A = arith.constant 0 : index
    %get3A_3 = tpu.vector_load %arg11[%get3A] {strides = array<i32>} : memref<16xi32, #tpu.memory_space<vmem>>, vector<16xi32>,
    %broadcast_in_dim3A = arith.constant 0x7F800000 : f32
    %broadcast_in_dim3A_4 = vector.broadcast %broadcast_in_dim3A : f32 to vector<16xf32>
    %scan3A = arith.constant 0 : i32
    %scan3A_5 = arith.constant 0 : i32
    %scan3A_6 = arith.constant 64 : i32
    %scan3A_7 = arith.addi %scan3A_5, %scan3A_6 : i32
    %scan3A_8 = arith.constant 1 : i32
    %scan3A_9 = scf.for %scan3A_57 = %scan3A_5 to %scan3A_7 step %scan3A_8 iter_args(%scan3A_58 = %scan3A) -> (i32)  : i32 {
      %add3A = arith.addi %mul3A_0, %scan3A_57 : i32
      %jit3A_59 = arith.constant 16 : i32
      %div3A = arith.divsi %scan3A_57, %jit3A_59 : i32
      %sign3A = arith.constant 0 : i32
      %sign3A_60 = arith.cmpi sgt, %scan3A_57, %sign3A : i32
      %sign3A_61 = arith.extui %sign3A_60 : i1 to i32
      %sign3A_62 = arith.constant 0 : i32
      %sign3A_63 = arith.cmpi slt, %scan3A_57, %sign3A_62 : i32
      %sign3A_64 = arith.extui %sign3A_63 : i1 to i32
      %sign3A_65 = arith.subi %sign3A_61, %sign3A_64 : i32
      %sign3A_66 = arith.constant 0 : i32
      %sign3A_67 = arith.cmpi sgt, %jit3A_59, %sign3A_66 : i32
      %sign3A_68 = arith.extui %sign3A_67 : i1 to i32
      %sign3A_69 = arith.constant 0 : i32
      %sign3A_70 = arith.cmpi slt, %jit3A_59, %sign3A_69 : i32
      %sign3A_71 = arith.extui %sign3A_70 : i1 to i32
      %sign3A_72 = arith.subi %sign3A_68, %sign3A_71 : i32
      %ne3A = arith.cmpi ne, %sign3A_65, %sign3A_72 : i32
      %rem3A = arith.remsi %scan3A_57, %jit3A_59 : i32
      %ne3A_73 = arith.constant 0 : i32
      %ne3A_74 = arith.cmpi ne, %rem3A, %ne3A_73 : i32
      %and3A_75 = arith.andi %ne3A, %ne3A_74 : i1
      %sub3A = arith.constant 1 : i32
      %sub3A_76 = arith.subi %div3A, %sub3A : i32
      %select_n3A_77 = arith.select %and3A_75, %sub3A_76, %div3A : i32
      %mul3A_78 = arith.constant 16 : i32
      %mul3A_79 = arith.muli %select_n3A_77, %mul3A_78 : i32
      %get3A_80 = arith.index_cast %add3A : i32 to index
      %get3A_81 = arith.index_cast %mul3A_79 : i32 to index
      %get3A_82 = tpu.vector_load %arg7[%get3A_80, %get3A_81] {strides = array<i32>} : memref<1024x64xf32, #tpu.memory_space<vmem>>, vector<16xf32>,
      %jit3A_83 = arith.constant 16 : i32
      %eq3A_84 = arith.constant 0 : i32
      %eq3A_85 = arith.cmpi eq, %jit3A_83, %eq3A_84 : i32
      %jit3A_86 = arith.constant 1 : i32
      %select_n3A_87 = arith.select %eq3A_85, %jit3A_86, %jit3A_83 : i32
      %rem3A_88 = arith.remsi %scan3A_57, %select_n3A_87 : i32
      %ne3A_89 = arith.constant 0 : i32
      %ne3A_90 = arith.cmpi ne, %rem3A_88, %ne3A_89 : i32
      %lt3A = arith.constant 0 : i32
      %lt3A_91 = arith.cmpi slt, %rem3A_88, %lt3A : i32
      %lt3A_92 = arith.constant 0 : i32
      %lt3A_93 = arith.cmpi slt, %select_n3A_87, %lt3A_92 : i32
      %ne3A_94 = arith.xori %lt3A_91, %lt3A_93 : i1
      %and3A_95 = arith.andi %ne3A_94, %ne3A_90 : i1
      %add3A_96 = arith.addi %rem3A_88, %select_n3A_87 : i32
      %select_n3A_97 = arith.select %and3A_95, %add3A_96, %rem3A_88 : i32
      %eq3A_98 = vector.broadcast %select_n3A_97 : i32 to vector<16xi32>
      %eq3A_99 = arith.cmpi eq, %iota3A, %eq3A_98 : vector<16xi32>
      %jit3A_100 = arith.constant 0x7F800000 : f32
      %broadcast_in_dim3A_101 = vector.broadcast %jit3A_100 : f32 to vector<16xf32>
      %select_n3A_102 = arith.select %eq3A_99, %broadcast_in_dim3A_101, %get3A_82 : vector<16xi1>, vector<16xf32>
      %swap3A_103 = arith.index_cast %add3A : i32 to index
      %swap3A_104 = arith.index_cast %mul3A_79 : i32 to index
      %swap3A_105 = tpu.vector_load %arg7[%swap3A_103, %swap3A_104] {strides = array<i32>} : memref<1024x64xf32, #tpu.memory_space<vmem>>, vector<16xf32>,
      tpu.vector_store %arg7[%swap3A_103, %swap3A_104], %select_n3A_102 {strides = array<i32>} : memref<1024x64xf32, #tpu.memory_space<vmem>>, vector<16xf32>,
      %scan3A_106 = arith.constant 0 : i32
      scf.yield %scan3A_106 : i32
    }
    %scan3A_10 = arith.constant 64 : i32
    %scan3A_11 = arith.constant 0 : i32
    %scan3A_12 = arith.constant 0 : i32
    %scan3A_13 = arith.constant 64 : i32
    %scan3A_14 = arith.addi %scan3A_12, %scan3A_13 : i32
    %scan3A_15 = arith.constant 1 : i32
    %scan3A_16 = scf.for %scan3A_57 = %scan3A_12 to %scan3A_14 step %scan3A_15 iter_args(%scan3A_58 = %scan3A_11) -> (i32)  : i32 {
      %mul3A_59 = arith.constant 16 : i32
      %mul3A_60 = arith.muli %scan3A_57, %mul3A_59 : i32
      %add3A = vector.broadcast %mul3A_60 : i32 to vector<16xi32>
      %add3A_61 = arith.addi %iota3A, %add3A : vector<16xi32>
      %eq3A_62 = arith.cmpi eq, %add3A_61, %get3A_3 : vector<16xi32>
      %jit3A_63 = arith.constant 0.000000e+00 : f32
      %jit3A_64 = arith.constant 0x7F800000 : f32
      %broadcast_in_dim3A_65 = vector.broadcast %jit3A_63 : f32 to vector<16xf32>
      %broadcast_in_dim3A_66 = vector.broadcast %jit3A_64 : f32 to vector<16xf32>
      %select_n3A_67 = arith.select %eq3A_62, %broadcast_in_dim3A_65, %broadcast_in_dim3A_66 : vector<16xi1>, vector<16xf32>
      %mul3A_68 = arith.constant 16 : i32
      %mul3A_69 = arith.muli %scan3A_57, %mul3A_68 : i32
      %swap3A_70 = arith.index_cast %mul3A_69 : i32 to index
      %swap3A_71 = tpu.vector_load %arg8[%swap3A_70] {strides = array<i32>} : memref<1024xf32, #tpu.memory_space<vmem>>, vector<16xf32>,
      tpu.vector_store %arg8[%swap3A_70], %select_n3A_67 {strides = array<i32>} : memref<1024xf32, #tpu.memory_space<vmem>>, vector<16xf32>,
      %broadcast_in_dim3A_72 = arith.constant 0 : i32
      %broadcast_in_dim3A_73 = vector.broadcast %broadcast_in_dim3A_72 : i32 to vector<16xi32>
      %mul3A_74 = arith.constant 16 : i32
      %mul3A_75 = arith.muli %scan3A_57, %mul3A_74 : i32
      %swap3A_76 = arith.index_cast %mul3A_75 : i32 to index
      %swap3A_77 = tpu.vector_load %arg13[%swap3A_76] {strides = array<i32>} : memref<1024xi32, #tpu.memory_space<vmem>>, vector<16xi32>,
      tpu.vector_store %arg13[%swap3A_76], %broadcast_in_dim3A_73 {strides = array<i32>} : memref<1024xi32, #tpu.memory_space<vmem>>, vector<16xi32>,
      %scan3A_78 = arith.constant 0 : i32
      scf.yield %scan3A_78 : i32
    }
    %scan3A_17 = arith.constant 64 : i32
    %eq3A_18 = arith.constant 0 : i32
    %eq3A_19 = vector.broadcast %eq3A_18 : i32 to vector<16xi32>
    %eq3A_20 = arith.cmpi eq, %iota3A, %eq3A_19 : vector<16xi32>
    %jit3A = arith.constant 0 : i32
    %broadcast_in_dim3A_21 = vector.broadcast %jit3A : i32 to vector<16xi32>
    %select_n3A = arith.select %eq3A_20, %get3A_3, %broadcast_in_dim3A_21 : vector<16xi1>, vector<16xi32>
    %swap3A = arith.constant 0 : index
    %swap3A_22 = tpu.vector_load %arg13[%swap3A] {strides = array<i32>} : memref<1024xi32, #tpu.memory_space<vmem>>, vector<16xi32>,
    tpu.vector_store %arg13[%swap3A], %select_n3A {strides = array<i32>} : memref<1024xi32, #tpu.memory_space<vmem>>, vector<16xi32>,
    %swap3A_23 = arith.constant 1 : i32
    %swap3A_24 = arith.constant 0 : i32
    %swap3A_25 = arith.index_cast %swap3A_24 : i32 to index
    %swap3A_26 = memref.load %arg15[%swap3A_25] : memref<1xi32, #tpu.memory_space<smem>>
    memref.store %swap3A_23, %arg15[%swap3A_25] : memref<1xi32, #tpu.memory_space<smem>>
    %swap3A_27 = arith.constant 1 : i32
    %swap3A_28 = arith.constant 0 : i32
    %swap3A_29 = arith.index_cast %swap3A_28 : i32 to index
    %swap3A_30 = memref.load %arg14[%swap3A_29] : memref<1xi32, #tpu.memory_space<smem>>
    memref.store %swap3A_27, %arg14[%swap3A_29] : memref<1xi32, #tpu.memory_space<smem>>
    %scan3A_31 = arith.constant 0 : i32
    %scan3A_32 = arith.constant 0 : i32
    %scan3A_33 = arith.constant 63 : i32
    %scan3A_34 = arith.addi %scan3A_32, %scan3A_33 : i32
    %scan3A_35 = arith.constant 1 : i32
    %scan3A_36 = scf.for %scan3A_57 = %scan3A_32 to %scan3A_34 step %scan3A_35 iter_args(%scan3A_58 = %scan3A_31) -> (i32)  : i32 {
      %get3A_59 = arith.constant 0 : i32
      %get3A_60 = arith.index_cast %get3A_59 : i32 to index
      %get3A_61 = memref.load %arg14[%get3A_60] : memref<1xi32, #tpu.memory_space<smem>>
      %gt3A_62 = arith.constant 0 : i32
      %gt3A_63 = arith.cmpi sgt, %get3A_61, %gt3A_62 : i32
      %convert_element_type3A_64 = arith.extui %gt3A_63 : i1 to i32
      %cond3A_65 = arith.constant 0 : i32
      %cond3A_66 = arith.cmpi ne, %convert_element_type3A_64, %cond3A_65 : i32
      scf.if %cond3A_66 {
        %scan3A_68 = arith.constant 0 : i32
        %scan3A_69 = arith.constant 0 : i32
        %scan3A_70 = arith.constant 16 : i32
        %scan3A_71 = arith.addi %scan3A_69, %scan3A_70 : i32
        %scan3A_72 = arith.constant 1 : i32
        %scan3A_73 = scf.for %scan3A_75 = %scan3A_69 to %scan3A_71 step %scan3A_72 iter_args(%scan3A_76 = %scan3A_68) -> (i32)  : i32 {
          %get3A_77 = arith.constant 0 : i32
          %get3A_78 = arith.index_cast %get3A_77 : i32 to index
          %get3A_79 = memref.load %arg14[%get3A_78] : memref<1xi32, #tpu.memory_space<smem>>
          %gt3A_80 = arith.constant 0 : i32
          %gt3A_81 = arith.cmpi sgt, %get3A_79, %gt3A_80 : i32
          %convert_element_type3A_82 = arith.extui %gt3A_81 : i1 to i32
          %cond3A_83 = arith.constant 0 : i32
          %cond3A_84 = arith.cmpi ne, %convert_element_type3A_82, %cond3A_83 : i32
          scf.if %cond3A_84 {
            %get3A_86 = arith.constant 0 : i32
            %get3A_87 = arith.index_cast %get3A_86 : i32 to index
            %get3A_88 = memref.load %arg15[%get3A_87] : memref<1xi32, #tpu.memory_space<smem>>
            %add3A = arith.constant 15 : i32
            %add3A_89 = arith.addi %get3A_88, %add3A : i32
            %jit3A_90 = arith.constant 16 : i32
            %div3A = arith.divsi %add3A_89, %jit3A_90 : i32
            %sign3A = arith.constant 0 : i32
            %sign3A_91 = arith.cmpi sgt, %add3A_89, %sign3A : i32
            %sign3A_92 = arith.extui %sign3A_91 : i1 to i32
            %sign3A_93 = arith.constant 0 : i32
            %sign3A_94 = arith.cmpi slt, %add3A_89, %sign3A_93 : i32
            %sign3A_95 = arith.extui %sign3A_94 : i1 to i32
            %sign3A_96 = arith.subi %sign3A_92, %sign3A_95 : i32
            %sign3A_97 = arith.constant 0 : i32
            %sign3A_98 = arith.cmpi sgt, %jit3A_90, %sign3A_97 : i32
            %sign3A_99 = arith.extui %sign3A_98 : i1 to i32
            %sign3A_100 = arith.constant 0 : i32
            %sign3A_101 = arith.cmpi slt, %jit3A_90, %sign3A_100 : i32
            %sign3A_102 = arith.extui %sign3A_101 : i1 to i32
            %sign3A_103 = arith.subi %sign3A_99, %sign3A_102 : i32
            %ne3A = arith.cmpi ne, %sign3A_96, %sign3A_103 : i32
            %rem3A = arith.remsi %add3A_89, %jit3A_90 : i32
            %ne3A_104 = arith.constant 0 : i32
            %ne3A_105 = arith.cmpi ne, %rem3A, %ne3A_104 : i32
            %and3A_106 = arith.andi %ne3A, %ne3A_105 : i1
            %sub3A = arith.constant 1 : i32
            %sub3A_107 = arith.subi %div3A, %sub3A : i32
            %select_n3A_108 = arith.select %and3A_106, %sub3A_107, %div3A : i32
            %while3A = arith.constant 0 : i32
            %while3A_109 = arith.subi %select_n3A_108, %while3A : i32
            %while3A_110 = arith.addi %while3A, %while3A_109 : i32
            %while3A_111 = arith.constant 1 : i32
            %while3A_112 = arith.divsi %while3A_109, %while3A_111 : i32
            %while3A_113 = arith.muli %while3A_112, %while3A_111 : i32
            %while3A_114 = arith.addi %while3A, %while3A_113 : i32
            %while3A_115 = arith.constant 1 : i32
            %while3A_116:4 = scf.for %while3A_163 = %while3A to %while3A_114 step %while3A_115 iter_args(%while3A_164 = %broadcast_in_dim3A_4, %while3A_165 = %broadcast_in_dim3A_4, %while3A_166 = %broadcast_in_dim3A_4, %while3A_167 = %broadcast_in_dim3A_4) -> (vector<16xf32>, vector<16xf32>, vector<16xf32>, vector<16xf32>)  : i32 {
              %mul3A_168 = arith.constant 16 : i32
              %mul3A_169 = arith.muli %while3A_163, %mul3A_168 : i32
              %get3A_170 = arith.index_cast %mul3A_169 : i32 to index
              %get3A_171 = tpu.vector_load %arg13[%get3A_170] {strides = array<i32>} : memref<1024xi32, #tpu.memory_space<vmem>>, vector<16xi32>,
              %gather3A = tpu.vector_load_idx %arg8[%get3A_171] : memref<1024xf32, #tpu.memory_space<vmem>>[vector<16xi32>], vector<16xf32>,
              %slice3A = vector.extract_strided_slice %get3A_171 {offsets = [0], sizes = [1], strides = [1]} : vector<16xi32> to vector<1xi32>
              %squeeze3A = vector.extract %slice3A[0] : i32 from vector<1xi32>
              %slice3A_172 = vector.extract_strided_slice %gather3A {offsets = [0], sizes = [1], strides = [1]} : vector<16xf32> to vector<1xf32>
              %squeeze3A_173 = vector.extract %slice3A_172[0] : f32 from vector<1xf32>
              %broadcast_in_dim3A_174 = vector.broadcast %squeeze3A_173 : f32 to vector<16xf32>
              %get3A_175 = arith.index_cast %squeeze3A : i32 to index
              %get3A_176 = arith.constant 0 : index
              %get3A_177 = tpu.vector_load %arg7[%get3A_175, %get3A_176] {strides = array<i32>} : memref<1024x64xf32, #tpu.memory_space<vmem>>, vector<16xf32>,
              %add3A_178 = arith.addf %get3A_177, %broadcast_in_dim3A_174 : vector<16xf32>
              %min3A_179 = arith.minimumf %while3A_164, %add3A_178 : vector<16xf32>
              %get3A_180 = arith.index_cast %squeeze3A : i32 to index
              %get3A_181 = arith.constant 16 : index
              %get3A_182 = tpu.vector_load %arg7[%get3A_180, %get3A_181] {strides = array<i32>} : memref<1024x64xf32, #tpu.memory_space<vmem>>, vector<16xf32>,
              %add3A_183 = arith.addf %get3A_182, %broadcast_in_dim3A_174 : vector<16xf32>
              %min3A_184 = arith.minimumf %while3A_165, %add3A_183 : vector<16xf32>
              %get3A_185 = arith.index_cast %squeeze3A : i32 to index
              %get3A_186 = arith.constant 32 : index
              %get3A_187 = tpu.vector_load %arg7[%get3A_185, %get3A_186] {strides = array<i32>} : memref<1024x64xf32, #tpu.memory_space<vmem>>, vector<16xf32>,
              %add3A_188 = arith.addf %get3A_187, %broadcast_in_dim3A_174 : vector<16xf32>
              %min3A_189 = arith.minimumf %while3A_166, %add3A_188 : vector<16xf32>
              %get3A_190 = arith.index_cast %squeeze3A : i32 to index
              %get3A_191 = arith.constant 48 : index
              %get3A_192 = tpu.vector_load %arg7[%get3A_190, %get3A_191] {strides = array<i32>} : memref<1024x64xf32, #tpu.memory_space<vmem>>, vector<16xf32>,
              %add3A_193 = arith.addf %get3A_192, %broadcast_in_dim3A_174 : vector<16xf32>
              %min3A_194 = arith.minimumf %while3A_167, %add3A_193 : vector<16xf32>
              %slice3A_195 = vector.extract_strided_slice %get3A_171 {offsets = [1], sizes = [1], strides = [1]} : vector<16xi32> to vector<1xi32>
              %squeeze3A_196 = vector.extract %slice3A_195[0] : i32 from vector<1xi32>
              %slice3A_197 = vector.extract_strided_slice %gather3A {offsets = [1], sizes = [1], strides = [1]} : vector<16xf32> to vector<1xf32>
              %squeeze3A_198 = vector.extract %slice3A_197[0] : f32 from vector<1xf32>
              %broadcast_in_dim3A_199 = vector.broadcast %squeeze3A_198 : f32 to vector<16xf32>
              %get3A_200 = arith.index_cast %squeeze3A_196 : i32 to index
              %get3A_201 = arith.constant 0 : index
              %get3A_202 = tpu.vector_load %arg7[%get3A_200, %get3A_201] {strides = array<i32>} : memref<1024x64xf32, #tpu.memory_space<vmem>>, vector<16xf32>,
              %add3A_203 = arith.addf %get3A_202, %broadcast_in_dim3A_199 : vector<16xf32>
              %min3A_204 = arith.minimumf %min3A_179, %add3A_203 : vector<16xf32>
              %get3A_205 = arith.index_cast %squeeze3A_196 : i32 to index
              %get3A_206 = arith.constant 16 : index
              %get3A_207 = tpu.vector_load %arg7[%get3A_205, %get3A_206] {strides = array<i32>} : memref<1024x64xf32, #tpu.memory_space<vmem>>, vector<16xf32>,
              %add3A_208 = arith.addf %get3A_207, %broadcast_in_dim3A_199 : vector<16xf32>
              %min3A_209 = arith.minimumf %min3A_184, %add3A_208 : vector<16xf32>
              %get3A_210 = arith.index_cast %squeeze3A_196 : i32 to index
              %get3A_211 = arith.constant 32 : index
              %get3A_212 = tpu.vector_load %arg7[%get3A_210, %get3A_211] {strides = array<i32>} : memref<1024x64xf32, #tpu.memory_space<vmem>>, vector<16xf32>,
              %add3A_213 = arith.addf %get3A_212, %broadcast_in_dim3A_199 : vector<16xf32>
              %min3A_214 = arith.minimumf %min3A_189, %add3A_213 : vector<16xf32>
              %get3A_215 = arith.index_cast %squeeze3A_196 : i32 to index
              %get3A_216 = arith.constant 48 : index
              %get3A_217 = tpu.vector_load %arg7[%get3A_215, %get3A_216] {strides = array<i32>} : memref<1024x64xf32, #tpu.memory_space<vmem>>, vector<16xf32>,
              %add3A_218 = arith.addf %get3A_217, %broadcast_in_dim3A_199 : vector<16xf32>
              %min3A_219 = arith.minimumf %min3A_194, %add3A_218 : vector<16xf32>
              %slice3A_220 = vector.extract_strided_slice %get3A_171 {offsets = [2], sizes = [1], strides = [1]} : vector<16xi32> to vector<1xi32>
              %squeeze3A_221 = vector.extract %slice3A_220[0] : i32 from vector<1xi32>
              %slice3A_222 = vector.extract_strided_slice %gather3A {offsets = [2], sizes = [1], strides = [1]} : vector<16xf32> to vector<1xf32>
              %squeeze3A_223 = vector.extract %slice3A_222[0] : f32 from vector<1xf32>
              %broadcast_in_dim3A_224 = vector.broadcast %squeeze3A_223 : f32 to vector<16xf32>
              %get3A_225 = arith.index_cast %squeeze3A_221 : i32 to index
              %get3A_226 = arith.constant 0 : index
              %get3A_227 = tpu.vector_load %arg7[%get3A_225, %get3A_226] {strides = array<i32>} : memref<1024x64xf32, #tpu.memory_space<vmem>>, vector<16xf32>,
              %add3A_228 = arith.addf %get3A_227, %broadcast_in_dim3A_224 : vector<16xf32>
              %min3A_229 = arith.minimumf %min3A_204, %add3A_228 : vector<16xf32>
              %get3A_230 = arith.index_cast %squeeze3A_221 : i32 to index
              %get3A_231 = arith.constant 16 : index
              %get3A_232 = tpu.vector_load %arg7[%get3A_230, %get3A_231] {strides = array<i32>} : memref<1024x64xf32, #tpu.memory_space<vmem>>, vector<16xf32>,
              %add3A_233 = arith.addf %get3A_232, %broadcast_in_dim3A_224 : vector<16xf32>
              %min3A_234 = arith.minimumf %min3A_209, %add3A_233 : vector<16xf32>
              %get3A_235 = arith.index_cast %squeeze3A_221 : i32 to index
              %get3A_236 = arith.constant 32 : index
              %get3A_237 = tpu.vector_load %arg7[%get3A_235, %get3A_236] {strides = array<i32>} : memref<1024x64xf32, #tpu.memory_space<vmem>>, vector<16xf32>,
              %add3A_238 = arith.addf %get3A_237, %broadcast_in_dim3A_224 : vector<16xf32>
              %min3A_239 = arith.minimumf %min3A_214, %add3A_238 : vector<16xf32>
              %get3A_240 = arith.index_cast %squeeze3A_221 : i32 to index
              %get3A_241 = arith.constant 48 : index
              %get3A_242 = tpu.vector_load %arg7[%get3A_240, %get3A_241] {strides = array<i32>} : memref<1024x64xf32, #tpu.memory_space<vmem>>, vector<16xf32>,
              %add3A_243 = arith.addf %get3A_242, %broadcast_in_dim3A_224 : vector<16xf32>
              %min3A_244 = arith.minimumf %min3A_219, %add3A_243 : vector<16xf32>
              %slice3A_245 = vector.extract_strided_slice %get3A_171 {offsets = [3], sizes = [1], strides = [1]} : vector<16xi32> to vector<1xi32>
              %squeeze3A_246 = vector.extract %slice3A_245[0] : i32 from vector<1xi32>
              %slice3A_247 = vector.extract_strided_slice %gather3A {offsets = [3], sizes = [1], strides = [1]} : vector<16xf32> to vector<1xf32>
              %squeeze3A_248 = vector.extract %slice3A_247[0] : f32 from vector<1xf32>
              %broadcast_in_dim3A_249 = vector.broadcast %squeeze3A_248 : f32 to vector<16xf32>
              %get3A_250 = arith.index_cast %squeeze3A_246 : i32 to index
              %get3A_251 = arith.constant 0 : index
              %get3A_252 = tpu.vector_load %arg7[%get3A_250, %get3A_251] {strides = array<i32>} : memref<1024x64xf32, #tpu.memory_space<vmem>>, vector<16xf32>,
              %add3A_253 = arith.addf %get3A_252, %broadcast_in_dim3A_249 : vector<16xf32>
              %min3A_254 = arith.minimumf %min3A_229, %add3A_253 : vector<16xf32>
              %get3A_255 = arith.index_cast %squeeze3A_246 : i32 to index
              %get3A_256 = arith.constant 16 : index
              %get3A_257 = tpu.vector_load %arg7[%get3A_255, %get3A_256] {strides = array<i32>} : memref<1024x64xf32, #tpu.memory_space<vmem>>, vector<16xf32>,
              %add3A_258 = arith.addf %get3A_257, %broadcast_in_dim3A_249 : vector<16xf32>
              %min3A_259 = arith.minimumf %min3A_234, %add3A_258 : vector<16xf32>
              %get3A_260 = arith.index_cast %squeeze3A_246 : i32 to index
              %get3A_261 = arith.constant 32 : index
              %get3A_262 = tpu.vector_load %arg7[%get3A_260, %get3A_261] {strides = array<i32>} : memref<1024x64xf32, #tpu.memory_space<vmem>>, vector<16xf32>,
              %add3A_263 = arith.addf %get3A_262, %broadcast_in_dim3A_249 : vector<16xf32>
              %min3A_264 = arith.minimumf %min3A_239, %add3A_263 : vector<16xf32>
              %get3A_265 = arith.index_cast %squeeze3A_246 : i32 to index
              %get3A_266 = arith.constant 48 : index
              %get3A_267 = tpu.vector_load %arg7[%get3A_265, %get3A_266] {strides = array<i32>} : memref<1024x64xf32, #tpu.memory_space<vmem>>, vector<16xf32>,
              %add3A_268 = arith.addf %get3A_267, %broadcast_in_dim3A_249 : vector<16xf32>
              %min3A_269 = arith.minimumf %min3A_244, %add3A_268 : vector<16xf32>
              %slice3A_270 = vector.extract_strided_slice %get3A_171 {offsets = [4], sizes = [1], strides = [1]} : vector<16xi32> to vector<1xi32>
              %squeeze3A_271 = vector.extract %slice3A_270[0] : i32 from vector<1xi32>
              %slice3A_272 = vector.extract_strided_slice %gather3A {offsets = [4], sizes = [1], strides = [1]} : vector<16xf32> to vector<1xf32>
              %squeeze3A_273 = vector.extract %slice3A_272[0] : f32 from vector<1xf32>
              %broadcast_in_dim3A_274 = vector.broadcast %squeeze3A_273 : f32 to vector<16xf32>
              %get3A_275 = arith.index_cast %squeeze3A_271 : i32 to index
              %get3A_276 = arith.constant 0 : index
              %get3A_277 = tpu.vector_load %arg7[%get3A_275, %get3A_276] {strides = array<i32>} : memref<1024x64xf32, #tpu.memory_space<vmem>>, vector<16xf32>,
              %add3A_278 = arith.addf %get3A_277, %broadcast_in_dim3A_274 : vector<16xf32>
              %min3A_279 = arith.minimumf %min3A_254, %add3A_278 : vector<16xf32>
              %get3A_280 = arith.index_cast %squeeze3A_271 : i32 to index
              %get3A_281 = arith.constant 16 : index
              %get3A_282 = tpu.vector_load %arg7[%get3A_280, %get3A_281] {strides = array<i32>} : memref<1024x64xf32, #tpu.memory_space<vmem>>, vector<16xf32>,
              %add3A_283 = arith.addf %get3A_282, %broadcast_in_dim3A_274 : vector<16xf32>
              %min3A_284 = arith.minimumf %min3A_259, %add3A_283 : vector<16xf32>
              %get3A_285 = arith.index_cast %squeeze3A_271 : i32 to index
              %get3A_286 = arith.constant 32 : index
              %get3A_287 = tpu.vector_load %arg7[%get3A_285, %get3A_286] {strides = array<i32>} : memref<1024x64xf32, #tpu.memory_space<vmem>>, vector<16xf32>,
              %add3A_288 = arith.addf %get3A_287, %broadcast_in_dim3A_274 : vector<16xf32>
              %min3A_289 = arith.minimumf %min3A_264, %add3A_288 : vector<16xf32>
              %get3A_290 = arith.index_cast %squeeze3A_271 : i32 to index
              %get3A_291 = arith.constant 48 : index
              %get3A_292 = tpu.vector_load %arg7[%get3A_290, %get3A_291] {strides = array<i32>} : memref<1024x64xf32, #tpu.memory_space<vmem>>, vector<16xf32>,
              %add3A_293 = arith.addf %get3A_292, %broadcast_in_dim3A_274 : vector<16xf32>
              %min3A_294 = arith.minimumf %min3A_269, %add3A_293 : vector<16xf32>
              %slice3A_295 = vector.extract_strided_slice %get3A_171 {offsets = [5], sizes = [1], strides = [1]} : vector<16xi32> to vector<1xi32>
              %squeeze3A_296 = vector.extract %slice3A_295[0] : i32 from vector<1xi32>
              %slice3A_297 = vector.extract_strided_slice %gather3A {offsets = [5], sizes = [1], strides = [1]} : vector<16xf32> to vector<1xf32>
              %squeeze3A_298 = vector.extract %slice3A_297[0] : f32 from vector<1xf32>
              %broadcast_in_dim3A_299 = vector.broadcast %squeeze3A_298 : f32 to vector<16xf32>
              %get3A_300 = arith.index_cast %squeeze3A_296 : i32 to index
              %get3A_301 = arith.constant 0 : index
              %get3A_302 = tpu.vector_load %arg7[%get3A_300, %get3A_301] {strides = array<i32>} : memref<1024x64xf32, #tpu.memory_space<vmem>>, vector<16xf32>,
              %add3A_303 = arith.addf %get3A_302, %broadcast_in_dim3A_299 : vector<16xf32>
              %min3A_304 = arith.minimumf %min3A_279, %add3A_303 : vector<16xf32>
              %get3A_305 = arith.index_cast %squeeze3A_296 : i32 to index
              %get3A_306 = arith.constant 16 : index
              %get3A_307 = tpu.vector_load %arg7[%get3A_305, %get3A_306] {strides = array<i32>} : memref<1024x64xf32, #tpu.memory_space<vmem>>, vector<16xf32>,
              %add3A_308 = arith.addf %get3A_307, %broadcast_in_dim3A_299 : vector<16xf32>
              %min3A_309 = arith.minimumf %min3A_284, %add3A_308 : vector<16xf32>
              %get3A_310 = arith.index_cast %squeeze3A_296 : i32 to index
              %get3A_311 = arith.constant 32 : index
              %get3A_312 = tpu.vector_load %arg7[%get3A_310, %get3A_311] {strides = array<i32>} : memref<1024x64xf32, #tpu.memory_space<vmem>>, vector<16xf32>,
              %add3A_313 = arith.addf %get3A_312, %broadcast_in_dim3A_299 : vector<16xf32>
              %min3A_314 = arith.minimumf %min3A_289, %add3A_313 : vector<16xf32>
              %get3A_315 = arith.index_cast %squeeze3A_296 : i32 to index
              %get3A_316 = arith.constant 48 : index
              %get3A_317 = tpu.vector_load %arg7[%get3A_315, %get3A_316] {strides = array<i32>} : memref<1024x64xf32, #tpu.memory_space<vmem>>, vector<16xf32>,
              %add3A_318 = arith.addf %get3A_317, %broadcast_in_dim3A_299 : vector<16xf32>
              %min3A_319 = arith.minimumf %min3A_294, %add3A_318 : vector<16xf32>
              %slice3A_320 = vector.extract_strided_slice %get3A_171 {offsets = [6], sizes = [1], strides = [1]} : vector<16xi32> to vector<1xi32>
              %squeeze3A_321 = vector.extract %slice3A_320[0] : i32 from vector<1xi32>
              %slice3A_322 = vector.extract_strided_slice %gather3A {offsets = [6], sizes = [1], strides = [1]} : vector<16xf32> to vector<1xf32>
              %squeeze3A_323 = vector.extract %slice3A_322[0] : f32 from vector<1xf32>
              %broadcast_in_dim3A_324 = vector.broadcast %squeeze3A_323 : f32 to vector<16xf32>
              %get3A_325 = arith.index_cast %squeeze3A_321 : i32 to index
              %get3A_326 = arith.constant 0 : index
              %get3A_327 = tpu.vector_load %arg7[%get3A_325, %get3A_326] {strides = array<i32>} : memref<1024x64xf32, #tpu.memory_space<vmem>>, vector<16xf32>,
              %add3A_328 = arith.addf %get3A_327, %broadcast_in_dim3A_324 : vector<16xf32>
              %min3A_329 = arith.minimumf %min3A_304, %add3A_328 : vector<16xf32>
              %get3A_330 = arith.index_cast %squeeze3A_321 : i32 to index
              %get3A_331 = arith.constant 16 : index
              %get3A_332 = tpu.vector_load %arg7[%get3A_330, %get3A_331] {strides = array<i32>} : memref<1024x64xf32, #tpu.memory_space<vmem>>, vector<16xf32>,
              %add3A_333 = arith.addf %get3A_332, %broadcast_in_dim3A_324 : vector<16xf32>
              %min3A_334 = arith.minimumf %min3A_309, %add3A_333 : vector<16xf32>
              %get3A_335 = arith.index_cast %squeeze3A_321 : i32 to index
              %get3A_336 = arith.constant 32 : index
              %get3A_337 = tpu.vector_load %arg7[%get3A_335, %get3A_336] {strides = array<i32>} : memref<1024x64xf32, #tpu.memory_space<vmem>>, vector<16xf32>,
              %add3A_338 = arith.addf %get3A_337, %broadcast_in_dim3A_324 : vector<16xf32>
              %min3A_339 = arith.minimumf %min3A_314, %add3A_338 : vector<16xf32>
              %get3A_340 = arith.index_cast %squeeze3A_321 : i32 to index
              %get3A_341 = arith.constant 48 : index
              %get3A_342 = tpu.vector_load %arg7[%get3A_340, %get3A_341] {strides = array<i32>} : memref<1024x64xf32, #tpu.memory_space<vmem>>, vector<16xf32>,
              %add3A_343 = arith.addf %get3A_342, %broadcast_in_dim3A_324 : vector<16xf32>
              %min3A_344 = arith.minimumf %min3A_319, %add3A_343 : vector<16xf32>
              %slice3A_345 = vector.extract_strided_slice %get3A_171 {offsets = [7], sizes = [1], strides = [1]} : vector<16xi32> to vector<1xi32>
              %squeeze3A_346 = vector.extract %slice3A_345[0] : i32 from vector<1xi32>
              %slice3A_347 = vector.extract_strided_slice %gather3A {offsets = [7], sizes = [1], strides = [1]} : vector<16xf32> to vector<1xf32>
              %squeeze3A_348 = vector.extract %slice3A_347[0] : f32 from vector<1xf32>
              %broadcast_in_dim3A_349 = vector.broadcast %squeeze3A_348 : f32 to vector<16xf32>
              %get3A_350 = arith.index_cast %squeeze3A_346 : i32 to index
              %get3A_351 = arith.constant 0 : index
              %get3A_352 = tpu.vector_load %arg7[%get3A_350, %get3A_351] {strides = array<i32>} : memref<1024x64xf32, #tpu.memory_space<vmem>>, vector<16xf32>,
              %add3A_353 = arith.addf %get3A_352, %broadcast_in_dim3A_349 : vector<16xf32>
              %min3A_354 = arith.minimumf %min3A_329, %add3A_353 : vector<16xf32>
              %get3A_355 = arith.index_cast %squeeze3A_346 : i32 to index
              %get3A_356 = arith.constant 16 : index
              %get3A_357 = tpu.vector_load %arg7[%get3A_355, %get3A_356] {strides = array<i32>} : memref<1024x64xf32, #tpu.memory_space<vmem>>, vector<16xf32>,
              %add3A_358 = arith.addf %get3A_357, %broadcast_in_dim3A_349 : vector<16xf32>
              %min3A_359 = arith.minimumf %min3A_334, %add3A_358 : vector<16xf32>
              %get3A_360 = arith.index_cast %squeeze3A_346 : i32 to index
              %get3A_361 = arith.constant 32 : index
              %get3A_362 = tpu.vector_load %arg7[%get3A_360, %get3A_361] {strides = array<i32>} : memref<1024x64xf32, #tpu.memory_space<vmem>>, vector<16xf32>,
              %add3A_363 = arith.addf %get3A_362, %broadcast_in_dim3A_349 : vector<16xf32>
              %min3A_364 = arith.minimumf %min3A_339, %add3A_363 : vector<16xf32>
              %get3A_365 = arith.index_cast %squeeze3A_346 : i32 to index
              %get3A_366 = arith.constant 48 : index
              %get3A_367 = tpu.vector_load %arg7[%get3A_365, %get3A_366] {strides = array<i32>} : memref<1024x64xf32, #tpu.memory_space<vmem>>, vector<16xf32>,
              %add3A_368 = arith.addf %get3A_367, %broadcast_in_dim3A_349 : vector<16xf32>
              %min3A_369 = arith.minimumf %min3A_344, %add3A_368 : vector<16xf32>
              %slice3A_370 = vector.extract_strided_slice %get3A_171 {offsets = [8], sizes = [1], strides = [1]} : vector<16xi32> to vector<1xi32>
              %squeeze3A_371 = vector.extract %slice3A_370[0] : i32 from vector<1xi32>
              %slice3A_372 = vector.extract_strided_slice %gather3A {offsets = [8], sizes = [1], strides = [1]} : vector<16xf32> to vector<1xf32>
              %squeeze3A_373 = vector.extract %slice3A_372[0] : f32 from vector<1xf32>
              %broadcast_in_dim3A_374 = vector.broadcast %squeeze3A_373 : f32 to vector<16xf32>
              %get3A_375 = arith.index_cast %squeeze3A_371 : i32 to index
              %get3A_376 = arith.constant 0 : index
              %get3A_377 = tpu.vector_load %arg7[%get3A_375, %get3A_376] {strides = array<i32>} : memref<1024x64xf32, #tpu.memory_space<vmem>>, vector<16xf32>,
              %add3A_378 = arith.addf %get3A_377, %broadcast_in_dim3A_374 : vector<16xf32>
              %min3A_379 = arith.minimumf %min3A_354, %add3A_378 : vector<16xf32>
              %get3A_380 = arith.index_cast %squeeze3A_371 : i32 to index
              %get3A_381 = arith.constant 16 : index
              %get3A_382 = tpu.vector_load %arg7[%get3A_380, %get3A_381] {strides = array<i32>} : memref<1024x64xf32, #tpu.memory_space<vmem>>, vector<16xf32>,
              %add3A_383 = arith.addf %get3A_382, %broadcast_in_dim3A_374 : vector<16xf32>
              %min3A_384 = arith.minimumf %min3A_359, %add3A_383 : vector<16xf32>
              %get3A_385 = arith.index_cast %squeeze3A_371 : i32 to index
              %get3A_386 = arith.constant 32 : index
              %get3A_387 = tpu.vector_load %arg7[%get3A_385, %get3A_386] {strides = array<i32>} : memref<1024x64xf32, #tpu.memory_space<vmem>>, vector<16xf32>,
              %add3A_388 = arith.addf %get3A_387, %broadcast_in_dim3A_374 : vector<16xf32>
              %min3A_389 = arith.minimumf %min3A_364, %add3A_388 : vector<16xf32>
              %get3A_390 = arith.index_cast %squeeze3A_371 : i32 to index
              %get3A_391 = arith.constant 48 : index
              %get3A_392 = tpu.vector_load %arg7[%get3A_390, %get3A_391] {strides = array<i32>} : memref<1024x64xf32, #tpu.memory_space<vmem>>, vector<16xf32>,
              %add3A_393 = arith.addf %get3A_392, %broadcast_in_dim3A_374 : vector<16xf32>
              %min3A_394 = arith.minimumf %min3A_369, %add3A_393 : vector<16xf32>
              %slice3A_395 = vector.extract_strided_slice %get3A_171 {offsets = [9], sizes = [1], strides = [1]} : vector<16xi32> to vector<1xi32>
              %squeeze3A_396 = vector.extract %slice3A_395[0] : i32 from vector<1xi32>
              %slice3A_397 = vector.extract_strided_slice %gather3A {offsets = [9], sizes = [1], strides = [1]} : vector<16xf32> to vector<1xf32>
              %squeeze3A_398 = vector.extract %slice3A_397[0] : f32 from vector<1xf32>
              %broadcast_in_dim3A_399 = vector.broadcast %squeeze3A_398 : f32 to vector<16xf32>
              %get3A_400 = arith.index_cast %squeeze3A_396 : i32 to index
              %get3A_401 = arith.constant 0 : index
              %get3A_402 = tpu.vector_load %arg7[%get3A_400, %get3A_401] {strides = array<i32>} : memref<1024x64xf32, #tpu.memory_space<vmem>>, vector<16xf32>,
              %add3A_403 = arith.addf %get3A_402, %broadcast_in_dim3A_399 : vector<16xf32>
              %min3A_404 = arith.minimumf %min3A_379, %add3A_403 : vector<16xf32>
              %get3A_405 = arith.index_cast %squeeze3A_396 : i32 to index
              %get3A_406 = arith.constant 16 : index
              %get3A_407 = tpu.vector_load %arg7[%get3A_405, %get3A_406] {strides = array<i32>} : memref<1024x64xf32, #tpu.memory_space<vmem>>, vector<16xf32>,
              %add3A_408 = arith.addf %get3A_407, %broadcast_in_dim3A_399 : vector<16xf32>
              %min3A_409 = arith.minimumf %min3A_384, %add3A_408 : vector<16xf32>
              %get3A_410 = arith.index_cast %squeeze3A_396 : i32 to index
              %get3A_411 = arith.constant 32 : index
              %get3A_412 = tpu.vector_load %arg7[%get3A_410, %get3A_411] {strides = array<i32>} : memref<1024x64xf32, #tpu.memory_space<vmem>>, vector<16xf32>,
              %add3A_413 = arith.addf %get3A_412, %broadcast_in_dim3A_399 : vector<16xf32>
              %min3A_414 = arith.minimumf %min3A_389, %add3A_413 : vector<16xf32>
              %get3A_415 = arith.index_cast %squeeze3A_396 : i32 to index
              %get3A_416 = arith.constant 48 : index
              %get3A_417 = tpu.vector_load %arg7[%get3A_415, %get3A_416] {strides = array<i32>} : memref<1024x64xf32, #tpu.memory_space<vmem>>, vector<16xf32>,
              %add3A_418 = arith.addf %get3A_417, %broadcast_in_dim3A_399 : vector<16xf32>
              %min3A_419 = arith.minimumf %min3A_394, %add3A_418 : vector<16xf32>
              %slice3A_420 = vector.extract_strided_slice %get3A_171 {offsets = [10], sizes = [1], strides = [1]} : vector<16xi32> to vector<1xi32>
              %squeeze3A_421 = vector.extract %slice3A_420[0] : i32 from vector<1xi32>
              %slice3A_422 = vector.extract_strided_slice %gather3A {offsets = [10], sizes = [1], strides = [1]} : vector<16xf32> to vector<1xf32>
              %squeeze3A_423 = vector.extract %slice3A_422[0] : f32 from vector<1xf32>
              %broadcast_in_dim3A_424 = vector.broadcast %squeeze3A_423 : f32 to vector<16xf32>
              %get3A_425 = arith.index_cast %squeeze3A_421 : i32 to index
              %get3A_426 = arith.constant 0 : index
              %get3A_427 = tpu.vector_load %arg7[%get3A_425, %get3A_426] {strides = array<i32>} : memref<1024x64xf32, #tpu.memory_space<vmem>>, vector<16xf32>,
              %add3A_428 = arith.addf %get3A_427, %broadcast_in_dim3A_424 : vector<16xf32>
              %min3A_429 = arith.minimumf %min3A_404, %add3A_428 : vector<16xf32>
              %get3A_430 = arith.index_cast %squeeze3A_421 : i32 to index
              %get3A_431 = arith.constant 16 : index
              %get3A_432 = tpu.vector_load %arg7[%get3A_430, %get3A_431] {strides = array<i32>} : memref<1024x64xf32, #tpu.memory_space<vmem>>, vector<16xf32>,
              %add3A_433 = arith.addf %get3A_432, %broadcast_in_dim3A_424 : vector<16xf32>
              %min3A_434 = arith.minimumf %min3A_409, %add3A_433 : vector<16xf32>
              %get3A_435 = arith.index_cast %squeeze3A_421 : i32 to index
              %get3A_436 = arith.constant 32 : index
              %get3A_437 = tpu.vector_load %arg7[%get3A_435, %get3A_436] {strides = array<i32>} : memref<1024x64xf32, #tpu.memory_space<vmem>>, vector<16xf32>,
              %add3A_438 = arith.addf %get3A_437, %broadcast_in_dim3A_424 : vector<16xf32>
              %min3A_439 = arith.minimumf %min3A_414, %add3A_438 : vector<16xf32>
              %get3A_440 = arith.index_cast %squeeze3A_421 : i32 to index
              %get3A_441 = arith.constant 48 : index
              %get3A_442 = tpu.vector_load %arg7[%get3A_440, %get3A_441] {strides = array<i32>} : memref<1024x64xf32, #tpu.memory_space<vmem>>, vector<16xf32>,
              %add3A_443 = arith.addf %get3A_442, %broadcast_in_dim3A_424 : vector<16xf32>
              %min3A_444 = arith.minimumf %min3A_419, %add3A_443 : vector<16xf32>
              %slice3A_445 = vector.extract_strided_slice %get3A_171 {offsets = [11], sizes = [1], strides = [1]} : vector<16xi32> to vector<1xi32>
              %squeeze3A_446 = vector.extract %slice3A_445[0] : i32 from vector<1xi32>
              %slice3A_447 = vector.extract_strided_slice %gather3A {offsets = [11], sizes = [1], strides = [1]} : vector<16xf32> to vector<1xf32>
              %squeeze3A_448 = vector.extract %slice3A_447[0] : f32 from vector<1xf32>
              %broadcast_in_dim3A_449 = vector.broadcast %squeeze3A_448 : f32 to vector<16xf32>
              %get3A_450 = arith.index_cast %squeeze3A_446 : i32 to index
              %get3A_451 = arith.constant 0 : index
              %get3A_452 = tpu.vector_load %arg7[%get3A_450, %get3A_451] {strides = array<i32>} : memref<1024x64xf32, #tpu.memory_space<vmem>>, vector<16xf32>,
              %add3A_453 = arith.addf %get3A_452, %broadcast_in_dim3A_449 : vector<16xf32>
              %min3A_454 = arith.minimumf %min3A_429, %add3A_453 : vector<16xf32>
              %get3A_455 = arith.index_cast %squeeze3A_446 : i32 to index
              %get3A_456 = arith.constant 16 : index
              %get3A_457 = tpu.vector_load %arg7[%get3A_455, %get3A_456] {strides = array<i32>} : memref<1024x64xf32, #tpu.memory_space<vmem>>, vector<16xf32>,
              %add3A_458 = arith.addf %get3A_457, %broadcast_in_dim3A_449 : vector<16xf32>
              %min3A_459 = arith.minimumf %min3A_434, %add3A_458 : vector<16xf32>
              %get3A_460 = arith.index_cast %squeeze3A_446 : i32 to index
              %get3A_461 = arith.constant 32 : index
              %get3A_462 = tpu.vector_load %arg7[%get3A_460, %get3A_461] {strides = array<i32>} : memref<1024x64xf32, #tpu.memory_space<vmem>>, vector<16xf32>,
              %add3A_463 = arith.addf %get3A_462, %broadcast_in_dim3A_449 : vector<16xf32>
              %min3A_464 = arith.minimumf %min3A_439, %add3A_463 : vector<16xf32>
              %get3A_465 = arith.index_cast %squeeze3A_446 : i32 to index
              %get3A_466 = arith.constant 48 : index
              %get3A_467 = tpu.vector_load %arg7[%get3A_465, %get3A_466] {strides = array<i32>} : memref<1024x64xf32, #tpu.memory_space<vmem>>, vector<16xf32>,
              %add3A_468 = arith.addf %get3A_467, %broadcast_in_dim3A_449 : vector<16xf32>
              %min3A_469 = arith.minimumf %min3A_444, %add3A_468 : vector<16xf32>
              %slice3A_470 = vector.extract_strided_slice %get3A_171 {offsets = [12], sizes = [1], strides = [1]} : vector<16xi32> to vector<1xi32>
              %squeeze3A_471 = vector.extract %slice3A_470[0] : i32 from vector<1xi32>
              %slice3A_472 = vector.extract_strided_slice %gather3A {offsets = [12], sizes = [1], strides = [1]} : vector<16xf32> to vector<1xf32>
              %squeeze3A_473 = vector.extract %slice3A_472[0] : f32 from vector<1xf32>
              %broadcast_in_dim3A_474 = vector.broadcast %squeeze3A_473 : f32 to vector<16xf32>
              %get3A_475 = arith.index_cast %squeeze3A_471 : i32 to index
              %get3A_476 = arith.constant 0 : index
              %get3A_477 = tpu.vector_load %arg7[%get3A_475, %get3A_476] {strides = array<i32>} : memref<1024x64xf32, #tpu.memory_space<vmem>>, vector<16xf32>,
              %add3A_478 = arith.addf %get3A_477, %broadcast_in_dim3A_474 : vector<16xf32>
              %min3A_479 = arith.minimumf %min3A_454, %add3A_478 : vector<16xf32>
              %get3A_480 = arith.index_cast %squeeze3A_471 : i32 to index
              %get3A_481 = arith.constant 16 : index
              %get3A_482 = tpu.vector_load %arg7[%get3A_480, %get3A_481] {strides = array<i32>} : memref<1024x64xf32, #tpu.memory_space<vmem>>, vector<16xf32>,
              %add3A_483 = arith.addf %get3A_482, %broadcast_in_dim3A_474 : vector<16xf32>
              %min3A_484 = arith.minimumf %min3A_459, %add3A_483 : vector<16xf32>
              %get3A_485 = arith.index_cast %squeeze3A_471 : i32 to index
              %get3A_486 = arith.constant 32 : index
              %get3A_487 = tpu.vector_load %arg7[%get3A_485, %get3A_486] {strides = array<i32>} : memref<1024x64xf32, #tpu.memory_space<vmem>>, vector<16xf32>,
              %add3A_488 = arith.addf %get3A_487, %broadcast_in_dim3A_474 : vector<16xf32>
              %min3A_489 = arith.minimumf %min3A_464, %add3A_488 : vector<16xf32>
              %get3A_490 = arith.index_cast %squeeze3A_471 : i32 to index
              %get3A_491 = arith.constant 48 : index
              %get3A_492 = tpu.vector_load %arg7[%get3A_490, %get3A_491] {strides = array<i32>} : memref<1024x64xf32, #tpu.memory_space<vmem>>, vector<16xf32>,
              %add3A_493 = arith.addf %get3A_492, %broadcast_in_dim3A_474 : vector<16xf32>
              %min3A_494 = arith.minimumf %min3A_469, %add3A_493 : vector<16xf32>
              %slice3A_495 = vector.extract_strided_slice %get3A_171 {offsets = [13], sizes = [1], strides = [1]} : vector<16xi32> to vector<1xi32>
              %squeeze3A_496 = vector.extract %slice3A_495[0] : i32 from vector<1xi32>
              %slice3A_497 = vector.extract_strided_slice %gather3A {offsets = [13], sizes = [1], strides = [1]} : vector<16xf32> to vector<1xf32>
              %squeeze3A_498 = vector.extract %slice3A_497[0] : f32 from vector<1xf32>
              %broadcast_in_dim3A_499 = vector.broadcast %squeeze3A_498 : f32 to vector<16xf32>
              %get3A_500 = arith.index_cast %squeeze3A_496 : i32 to index
              %get3A_501 = arith.constant 0 : index
              %get3A_502 = tpu.vector_load %arg7[%get3A_500, %get3A_501] {strides = array<i32>} : memref<1024x64xf32, #tpu.memory_space<vmem>>, vector<16xf32>,
              %add3A_503 = arith.addf %get3A_502, %broadcast_in_dim3A_499 : vector<16xf32>
              %min3A_504 = arith.minimumf %min3A_479, %add3A_503 : vector<16xf32>
              %get3A_505 = arith.index_cast %squeeze3A_496 : i32 to index
              %get3A_506 = arith.constant 16 : index
              %get3A_507 = tpu.vector_load %arg7[%get3A_505, %get3A_506] {strides = array<i32>} : memref<1024x64xf32, #tpu.memory_space<vmem>>, vector<16xf32>,
              %add3A_508 = arith.addf %get3A_507, %broadcast_in_dim3A_499 : vector<16xf32>
              %min3A_509 = arith.minimumf %min3A_484, %add3A_508 : vector<16xf32>
              %get3A_510 = arith.index_cast %squeeze3A_496 : i32 to index
              %get3A_511 = arith.constant 32 : index
              %get3A_512 = tpu.vector_load %arg7[%get3A_510, %get3A_511] {strides = array<i32>} : memref<1024x64xf32, #tpu.memory_space<vmem>>, vector<16xf32>,
              %add3A_513 = arith.addf %get3A_512, %broadcast_in_dim3A_499 : vector<16xf32>
              %min3A_514 = arith.minimumf %min3A_489, %add3A_513 : vector<16xf32>
              %get3A_515 = arith.index_cast %squeeze3A_496 : i32 to index
              %get3A_516 = arith.constant 48 : index
              %get3A_517 = tpu.vector_load %arg7[%get3A_515, %get3A_516] {strides = array<i32>} : memref<1024x64xf32, #tpu.memory_space<vmem>>, vector<16xf32>,
              %add3A_518 = arith.addf %get3A_517, %broadcast_in_dim3A_499 : vector<16xf32>
              %min3A_519 = arith.minimumf %min3A_494, %add3A_518 : vector<16xf32>
              %slice3A_520 = vector.extract_strided_slice %get3A_171 {offsets = [14], sizes = [1], strides = [1]} : vector<16xi32> to vector<1xi32>
              %squeeze3A_521 = vector.extract %slice3A_520[0] : i32 from vector<1xi32>
              %slice3A_522 = vector.extract_strided_slice %gather3A {offsets = [14], sizes = [1], strides = [1]} : vector<16xf32> to vector<1xf32>
              %squeeze3A_523 = vector.extract %slice3A_522[0] : f32 from vector<1xf32>
              %broadcast_in_dim3A_524 = vector.broadcast %squeeze3A_523 : f32 to vector<16xf32>
              %get3A_525 = arith.index_cast %squeeze3A_521 : i32 to index
              %get3A_526 = arith.constant 0 : index
              %get3A_527 = tpu.vector_load %arg7[%get3A_525, %get3A_526] {strides = array<i32>} : memref<1024x64xf32, #tpu.memory_space<vmem>>, vector<16xf32>,
              %add3A_528 = arith.addf %get3A_527, %broadcast_in_dim3A_524 : vector<16xf32>
              %min3A_529 = arith.minimumf %min3A_504, %add3A_528 : vector<16xf32>
              %get3A_530 = arith.index_cast %squeeze3A_521 : i32 to index
              %get3A_531 = arith.constant 16 : index
              %get3A_532 = tpu.vector_load %arg7[%get3A_530, %get3A_531] {strides = array<i32>} : memref<1024x64xf32, #tpu.memory_space<vmem>>, vector<16xf32>,
              %add3A_533 = arith.addf %get3A_532, %broadcast_in_dim3A_524 : vector<16xf32>
              %min3A_534 = arith.minimumf %min3A_509, %add3A_533 : vector<16xf32>
              %get3A_535 = arith.index_cast %squeeze3A_521 : i32 to index
              %get3A_536 = arith.constant 32 : index
              %get3A_537 = tpu.vector_load %arg7[%get3A_535, %get3A_536] {strides = array<i32>} : memref<1024x64xf32, #tpu.memory_space<vmem>>, vector<16xf32>,
              %add3A_538 = arith.addf %get3A_537, %broadcast_in_dim3A_524 : vector<16xf32>
              %min3A_539 = arith.minimumf %min3A_514, %add3A_538 : vector<16xf32>
              %get3A_540 = arith.index_cast %squeeze3A_521 : i32 to index
              %get3A_541 = arith.constant 48 : index
              %get3A_542 = tpu.vector_load %arg7[%get3A_540, %get3A_541] {strides = array<i32>} : memref<1024x64xf32, #tpu.memory_space<vmem>>, vector<16xf32>,
              %add3A_543 = arith.addf %get3A_542, %broadcast_in_dim3A_524 : vector<16xf32>
              %min3A_544 = arith.minimumf %min3A_519, %add3A_543 : vector<16xf32>
              %slice3A_545 = vector.extract_strided_slice %get3A_171 {offsets = [15], sizes = [1], strides = [1]} : vector<16xi32> to vector<1xi32>
              %squeeze3A_546 = vector.extract %slice3A_545[0] : i32 from vector<1xi32>
              %slice3A_547 = vector.extract_strided_slice %gather3A {offsets = [15], sizes = [1], strides = [1]} : vector<16xf32> to vector<1xf32>
              %squeeze3A_548 = vector.extract %slice3A_547[0] : f32 from vector<1xf32>
              %broadcast_in_dim3A_549 = vector.broadcast %squeeze3A_548 : f32 to vector<16xf32>
              %get3A_550 = arith.index_cast %squeeze3A_546 : i32 to index
              %get3A_551 = arith.constant 0 : index
              %get3A_552 = tpu.vector_load %arg7[%get3A_550, %get3A_551] {strides = array<i32>} : memref<1024x64xf32, #tpu.memory_space<vmem>>, vector<16xf32>,
              %add3A_553 = arith.addf %get3A_552, %broadcast_in_dim3A_549 : vector<16xf32>
              %min3A_554 = arith.minimumf %min3A_529, %add3A_553 : vector<16xf32>
              %get3A_555 = arith.index_cast %squeeze3A_546 : i32 to index
              %get3A_556 = arith.constant 16 : index
              %get3A_557 = tpu.vector_load %arg7[%get3A_555, %get3A_556] {strides = array<i32>} : memref<1024x64xf32, #tpu.memory_space<vmem>>, vector<16xf32>,
              %add3A_558 = arith.addf %get3A_557, %broadcast_in_dim3A_549 : vector<16xf32>
              %min3A_559 = arith.minimumf %min3A_534, %add3A_558 : vector<16xf32>
              %get3A_560 = arith.index_cast %squeeze3A_546 : i32 to index
              %get3A_561 = arith.constant 32 : index
              %get3A_562 = tpu.vector_load %arg7[%get3A_560, %get3A_561] {strides = array<i32>} : memref<1024x64xf32, #tpu.memory_space<vmem>>, vector<16xf32>,
              %add3A_563 = arith.addf %get3A_562, %broadcast_in_dim3A_549 : vector<16xf32>
              %min3A_564 = arith.minimumf %min3A_539, %add3A_563 : vector<16xf32>
              %get3A_565 = arith.index_cast %squeeze3A_546 : i32 to index
              %get3A_566 = arith.constant 48 : index
              %get3A_567 = tpu.vector_load %arg7[%get3A_565, %get3A_566] {strides = array<i32>} : memref<1024x64xf32, #tpu.memory_space<vmem>>, vector<16xf32>,
              %add3A_568 = arith.addf %get3A_567, %broadcast_in_dim3A_549 : vector<16xf32>
              %min3A_569 = arith.minimumf %min3A_544, %add3A_568 : vector<16xf32>
              scf.yield %min3A_554, %min3A_559, %min3A_564, %min3A_569 : vector<16xf32>, vector<16xf32>, vector<16xf32>, vector<16xf32>
            }
            %while3A_117 = arith.constant 1 : i32
            %while3A_118:4 = scf.for %while3A_163 = %while3A_114 to %while3A_110 step %while3A_117 iter_args(%while3A_164 = %while3A_116#0, %while3A_165 = %while3A_116#1, %while3A_166 = %while3A_116#2, %while3A_167 = %while3A_116#3) -> (vector<16xf32>, vector<16xf32>, vector<16xf32>, vector<16xf32>)  : i32 {
              %mul3A_168 = arith.constant 16 : i32
              %mul3A_169 = arith.muli %while3A_163, %mul3A_168 : i32
              %get3A_170 = arith.index_cast %mul3A_169 : i32 to index
              %get3A_171 = tpu.vector_load %arg13[%get3A_170] {strides = array<i32>} : memref<1024xi32, #tpu.memory_space<vmem>>, vector<16xi32>,
              %gather3A = tpu.vector_load_idx %arg8[%get3A_171] : memref<1024xf32, #tpu.memory_space<vmem>>[vector<16xi32>], vector<16xf32>,
              %slice3A = vector.extract_strided_slice %get3A_171 {offsets = [0], sizes = [1], strides = [1]} : vector<16xi32> to vector<1xi32>
              %squeeze3A = vector.extract %slice3A[0] : i32 from vector<1xi32>
              %slice3A_172 = vector.extract_strided_slice %gather3A {offsets = [0], sizes = [1], strides = [1]} : vector<16xf32> to vector<1xf32>
              %squeeze3A_173 = vector.extract %slice3A_172[0] : f32 from vector<1xf32>
              %broadcast_in_dim3A_174 = vector.broadcast %squeeze3A_173 : f32 to vector<16xf32>
              %get3A_175 = arith.index_cast %squeeze3A : i32 to index
              %get3A_176 = arith.constant 0 : index
              %get3A_177 = tpu.vector_load %arg7[%get3A_175, %get3A_176] {strides = array<i32>} : memref<1024x64xf32, #tpu.memory_space<vmem>>, vector<16xf32>,
              %add3A_178 = arith.addf %get3A_177, %broadcast_in_dim3A_174 : vector<16xf32>
              %min3A_179 = arith.minimumf %while3A_164, %add3A_178 : vector<16xf32>
              %get3A_180 = arith.index_cast %squeeze3A : i32 to index
              %get3A_181 = arith.constant 16 : index
              %get3A_182 = tpu.vector_load %arg7[%get3A_180, %get3A_181] {strides = array<i32>} : memref<1024x64xf32, #tpu.memory_space<vmem>>, vector<16xf32>,
              %add3A_183 = arith.addf %get3A_182, %broadcast_in_dim3A_174 : vector<16xf32>
              %min3A_184 = arith.minimumf %while3A_165, %add3A_183 : vector<16xf32>
              %get3A_185 = arith.index_cast %squeeze3A : i32 to index
              %get3A_186 = arith.constant 32 : index
              %get3A_187 = tpu.vector_load %arg7[%get3A_185, %get3A_186] {strides = array<i32>} : memref<1024x64xf32, #tpu.memory_space<vmem>>, vector<16xf32>,
              %add3A_188 = arith.addf %get3A_187, %broadcast_in_dim3A_174 : vector<16xf32>
              %min3A_189 = arith.minimumf %while3A_166, %add3A_188 : vector<16xf32>
              %get3A_190 = arith.index_cast %squeeze3A : i32 to index
              %get3A_191 = arith.constant 48 : index
              %get3A_192 = tpu.vector_load %arg7[%get3A_190, %get3A_191] {strides = array<i32>} : memref<1024x64xf32, #tpu.memory_space<vmem>>, vector<16xf32>,
              %add3A_193 = arith.addf %get3A_192, %broadcast_in_dim3A_174 : vector<16xf32>
              %min3A_194 = arith.minimumf %while3A_167, %add3A_193 : vector<16xf32>
              %slice3A_195 = vector.extract_strided_slice %get3A_171 {offsets = [1], sizes = [1], strides = [1]} : vector<16xi32> to vector<1xi32>
              %squeeze3A_196 = vector.extract %slice3A_195[0] : i32 from vector<1xi32>
              %slice3A_197 = vector.extract_strided_slice %gather3A {offsets = [1], sizes = [1], strides = [1]} : vector<16xf32> to vector<1xf32>
              %squeeze3A_198 = vector.extract %slice3A_197[0] : f32 from vector<1xf32>
              %broadcast_in_dim3A_199 = vector.broadcast %squeeze3A_198 : f32 to vector<16xf32>
              %get3A_200 = arith.index_cast %squeeze3A_196 : i32 to index
              %get3A_201 = arith.constant 0 : index
              %get3A_202 = tpu.vector_load %arg7[%get3A_200, %get3A_201] {strides = array<i32>} : memref<1024x64xf32, #tpu.memory_space<vmem>>, vector<16xf32>,
              %add3A_203 = arith.addf %get3A_202, %broadcast_in_dim3A_199 : vector<16xf32>
              %min3A_204 = arith.minimumf %min3A_179, %add3A_203 : vector<16xf32>
              %get3A_205 = arith.index_cast %squeeze3A_196 : i32 to index
              %get3A_206 = arith.constant 16 : index
              %get3A_207 = tpu.vector_load %arg7[%get3A_205, %get3A_206] {strides = array<i32>} : memref<1024x64xf32, #tpu.memory_space<vmem>>, vector<16xf32>,
              %add3A_208 = arith.addf %get3A_207, %broadcast_in_dim3A_199 : vector<16xf32>
              %min3A_209 = arith.minimumf %min3A_184, %add3A_208 : vector<16xf32>
              %get3A_210 = arith.index_cast %squeeze3A_196 : i32 to index
              %get3A_211 = arith.constant 32 : index
              %get3A_212 = tpu.vector_load %arg7[%get3A_210, %get3A_211] {strides = array<i32>} : memref<1024x64xf32, #tpu.memory_space<vmem>>, vector<16xf32>,
              %add3A_213 = arith.addf %get3A_212, %broadcast_in_dim3A_199 : vector<16xf32>
              %min3A_214 = arith.minimumf %min3A_189, %add3A_213 : vector<16xf32>
              %get3A_215 = arith.index_cast %squeeze3A_196 : i32 to index
              %get3A_216 = arith.constant 48 : index
              %get3A_217 = tpu.vector_load %arg7[%get3A_215, %get3A_216] {strides = array<i32>} : memref<1024x64xf32, #tpu.memory_space<vmem>>, vector<16xf32>,
              %add3A_218 = arith.addf %get3A_217, %broadcast_in_dim3A_199 : vector<16xf32>
              %min3A_219 = arith.minimumf %min3A_194, %add3A_218 : vector<16xf32>
              %slice3A_220 = vector.extract_strided_slice %get3A_171 {offsets = [2], sizes = [1], strides = [1]} : vector<16xi32> to vector<1xi32>
              %squeeze3A_221 = vector.extract %slice3A_220[0] : i32 from vector<1xi32>
              %slice3A_222 = vector.extract_strided_slice %gather3A {offsets = [2], sizes = [1], strides = [1]} : vector<16xf32> to vector<1xf32>
              %squeeze3A_223 = vector.extract %slice3A_222[0] : f32 from vector<1xf32>
              %broadcast_in_dim3A_224 = vector.broadcast %squeeze3A_223 : f32 to vector<16xf32>
              %get3A_225 = arith.index_cast %squeeze3A_221 : i32 to index
              %get3A_226 = arith.constant 0 : index
              %get3A_227 = tpu.vector_load %arg7[%get3A_225, %get3A_226] {strides = array<i32>} : memref<1024x64xf32, #tpu.memory_space<vmem>>, vector<16xf32>,
              %add3A_228 = arith.addf %get3A_227, %broadcast_in_dim3A_224 : vector<16xf32>
              %min3A_229 = arith.minimumf %min3A_204, %add3A_228 : vector<16xf32>
              %get3A_230 = arith.index_cast %squeeze3A_221 : i32 to index
              %get3A_231 = arith.constant 16 : index
              %get3A_232 = tpu.vector_load %arg7[%get3A_230, %get3A_231] {strides = array<i32>} : memref<1024x64xf32, #tpu.memory_space<vmem>>, vector<16xf32>,
              %add3A_233 = arith.addf %get3A_232, %broadcast_in_dim3A_224 : vector<16xf32>
              %min3A_234 = arith.minimumf %min3A_209, %add3A_233 : vector<16xf32>
              %get3A_235 = arith.index_cast %squeeze3A_221 : i32 to index
              %get3A_236 = arith.constant 32 : index
              %get3A_237 = tpu.vector_load %arg7[%get3A_235, %get3A_236] {strides = array<i32>} : memref<1024x64xf32, #tpu.memory_space<vmem>>, vector<16xf32>,
              %add3A_238 = arith.addf %get3A_237, %broadcast_in_dim3A_224 : vector<16xf32>
              %min3A_239 = arith.minimumf %min3A_214, %add3A_238 : vector<16xf32>
              %get3A_240 = arith.index_cast %squeeze3A_221 : i32 to index
              %get3A_241 = arith.constant 48 : index
              %get3A_242 = tpu.vector_load %arg7[%get3A_240, %get3A_241] {strides = array<i32>} : memref<1024x64xf32, #tpu.memory_space<vmem>>, vector<16xf32>,
              %add3A_243 = arith.addf %get3A_242, %broadcast_in_dim3A_224 : vector<16xf32>
              %min3A_244 = arith.minimumf %min3A_219, %add3A_243 : vector<16xf32>
              %slice3A_245 = vector.extract_strided_slice %get3A_171 {offsets = [3], sizes = [1], strides = [1]} : vector<16xi32> to vector<1xi32>
              %squeeze3A_246 = vector.extract %slice3A_245[0] : i32 from vector<1xi32>
              %slice3A_247 = vector.extract_strided_slice %gather3A {offsets = [3], sizes = [1], strides = [1]} : vector<16xf32> to vector<1xf32>
              %squeeze3A_248 = vector.extract %slice3A_247[0] : f32 from vector<1xf32>
              %broadcast_in_dim3A_249 = vector.broadcast %squeeze3A_248 : f32 to vector<16xf32>
              %get3A_250 = arith.index_cast %squeeze3A_246 : i32 to index
              %get3A_251 = arith.constant 0 : index
              %get3A_252 = tpu.vector_load %arg7[%get3A_250, %get3A_251] {strides = array<i32>} : memref<1024x64xf32, #tpu.memory_space<vmem>>, vector<16xf32>,
              %add3A_253 = arith.addf %get3A_252, %broadcast_in_dim3A_249 : vector<16xf32>
              %min3A_254 = arith.minimumf %min3A_229, %add3A_253 : vector<16xf32>
              %get3A_255 = arith.index_cast %squeeze3A_246 : i32 to index
              %get3A_256 = arith.constant 16 : index
              %get3A_257 = tpu.vector_load %arg7[%get3A_255, %get3A_256] {strides = array<i32>} : memref<1024x64xf32, #tpu.memory_space<vmem>>, vector<16xf32>,
              %add3A_258 = arith.addf %get3A_257, %broadcast_in_dim3A_249 : vector<16xf32>
              %min3A_259 = arith.minimumf %min3A_234, %add3A_258 : vector<16xf32>
              %get3A_260 = arith.index_cast %squeeze3A_246 : i32 to index
              %get3A_261 = arith.constant 32 : index
              %get3A_262 = tpu.vector_load %arg7[%get3A_260, %get3A_261] {strides = array<i32>} : memref<1024x64xf32, #tpu.memory_space<vmem>>, vector<16xf32>,
              %add3A_263 = arith.addf %get3A_262, %broadcast_in_dim3A_249 : vector<16xf32>
              %min3A_264 = arith.minimumf %min3A_239, %add3A_263 : vector<16xf32>
              %get3A_265 = arith.index_cast %squeeze3A_246 : i32 to index
              %get3A_266 = arith.constant 48 : index
              %get3A_267 = tpu.vector_load %arg7[%get3A_265, %get3A_266] {strides = array<i32>} : memref<1024x64xf32, #tpu.memory_space<vmem>>, vector<16xf32>,
              %add3A_268 = arith.addf %get3A_267, %broadcast_in_dim3A_249 : vector<16xf32>
              %min3A_269 = arith.minimumf %min3A_244, %add3A_268 : vector<16xf32>
              %slice3A_270 = vector.extract_strided_slice %get3A_171 {offsets = [4], sizes = [1], strides = [1]} : vector<16xi32> to vector<1xi32>
              %squeeze3A_271 = vector.extract %slice3A_270[0] : i32 from vector<1xi32>
              %slice3A_272 = vector.extract_strided_slice %gather3A {offsets = [4], sizes = [1], strides = [1]} : vector<16xf32> to vector<1xf32>
              %squeeze3A_273 = vector.extract %slice3A_272[0] : f32 from vector<1xf32>
              %broadcast_in_dim3A_274 = vector.broadcast %squeeze3A_273 : f32 to vector<16xf32>
              %get3A_275 = arith.index_cast %squeeze3A_271 : i32 to index
              %get3A_276 = arith.constant 0 : index
              %get3A_277 = tpu.vector_load %arg7[%get3A_275, %get3A_276] {strides = array<i32>} : memref<1024x64xf32, #tpu.memory_space<vmem>>, vector<16xf32>,
              %add3A_278 = arith.addf %get3A_277, %broadcast_in_dim3A_274 : vector<16xf32>
              %min3A_279 = arith.minimumf %min3A_254, %add3A_278 : vector<16xf32>
              %get3A_280 = arith.index_cast %squeeze3A_271 : i32 to index
              %get3A_281 = arith.constant 16 : index
              %get3A_282 = tpu.vector_load %arg7[%get3A_280, %get3A_281] {strides = array<i32>} : memref<1024x64xf32, #tpu.memory_space<vmem>>, vector<16xf32>,
              %add3A_283 = arith.addf %get3A_282, %broadcast_in_dim3A_274 : vector<16xf32>
              %min3A_284 = arith.minimumf %min3A_259, %add3A_283 : vector<16xf32>
              %get3A_285 = arith.index_cast %squeeze3A_271 : i32 to index
              %get3A_286 = arith.constant 32 : index
              %get3A_287 = tpu.vector_load %arg7[%get3A_285, %get3A_286] {strides = array<i32>} : memref<1024x64xf32, #tpu.memory_space<vmem>>, vector<16xf32>,
              %add3A_288 = arith.addf %get3A_287, %broadcast_in_dim3A_274 : vector<16xf32>
              %min3A_289 = arith.minimumf %min3A_264, %add3A_288 : vector<16xf32>
              %get3A_290 = arith.index_cast %squeeze3A_271 : i32 to index
              %get3A_291 = arith.constant 48 : index
              %get3A_292 = tpu.vector_load %arg7[%get3A_290, %get3A_291] {strides = array<i32>} : memref<1024x64xf32, #tpu.memory_space<vmem>>, vector<16xf32>,
              %add3A_293 = arith.addf %get3A_292, %broadcast_in_dim3A_274 : vector<16xf32>
              %min3A_294 = arith.minimumf %min3A_269, %add3A_293 : vector<16xf32>
              %slice3A_295 = vector.extract_strided_slice %get3A_171 {offsets = [5], sizes = [1], strides = [1]} : vector<16xi32> to vector<1xi32>
              %squeeze3A_296 = vector.extract %slice3A_295[0] : i32 from vector<1xi32>
              %slice3A_297 = vector.extract_strided_slice %gather3A {offsets = [5], sizes = [1], strides = [1]} : vector<16xf32> to vector<1xf32>
              %squeeze3A_298 = vector.extract %slice3A_297[0] : f32 from vector<1xf32>
              %broadcast_in_dim3A_299 = vector.broadcast %squeeze3A_298 : f32 to vector<16xf32>
              %get3A_300 = arith.index_cast %squeeze3A_296 : i32 to index
              %get3A_301 = arith.constant 0 : index
              %get3A_302 = tpu.vector_load %arg7[%get3A_300, %get3A_301] {strides = array<i32>} : memref<1024x64xf32, #tpu.memory_space<vmem>>, vector<16xf32>,
              %add3A_303 = arith.addf %get3A_302, %broadcast_in_dim3A_299 : vector<16xf32>
              %min3A_304 = arith.minimumf %min3A_279, %add3A_303 : vector<16xf32>
              %get3A_305 = arith.index_cast %squeeze3A_296 : i32 to index
              %get3A_306 = arith.constant 16 : index
              %get3A_307 = tpu.vector_load %arg7[%get3A_305, %get3A_306] {strides = array<i32>} : memref<1024x64xf32, #tpu.memory_space<vmem>>, vector<16xf32>,
              %add3A_308 = arith.addf %get3A_307, %broadcast_in_dim3A_299 : vector<16xf32>
              %min3A_309 = arith.minimumf %min3A_284, %add3A_308 : vector<16xf32>
              %get3A_310 = arith.index_cast %squeeze3A_296 : i32 to index
              %get3A_311 = arith.constant 32 : index
              %get3A_312 = tpu.vector_load %arg7[%get3A_310, %get3A_311] {strides = array<i32>} : memref<1024x64xf32, #tpu.memory_space<vmem>>, vector<16xf32>,
              %add3A_313 = arith.addf %get3A_312, %broadcast_in_dim3A_299 : vector<16xf32>
              %min3A_314 = arith.minimumf %min3A_289, %add3A_313 : vector<16xf32>
              %get3A_315 = arith.index_cast %squeeze3A_296 : i32 to index
              %get3A_316 = arith.constant 48 : index
              %get3A_317 = tpu.vector_load %arg7[%get3A_315, %get3A_316] {strides = array<i32>} : memref<1024x64xf32, #tpu.memory_space<vmem>>, vector<16xf32>,
              %add3A_318 = arith.addf %get3A_317, %broadcast_in_dim3A_299 : vector<16xf32>
              %min3A_319 = arith.minimumf %min3A_294, %add3A_318 : vector<16xf32>
              %slice3A_320 = vector.extract_strided_slice %get3A_171 {offsets = [6], sizes = [1], strides = [1]} : vector<16xi32> to vector<1xi32>
              %squeeze3A_321 = vector.extract %slice3A_320[0] : i32 from vector<1xi32>
              %slice3A_322 = vector.extract_strided_slice %gather3A {offsets = [6], sizes = [1], strides = [1]} : vector<16xf32> to vector<1xf32>
              %squeeze3A_323 = vector.extract %slice3A_322[0] : f32 from vector<1xf32>
              %broadcast_in_dim3A_324 = vector.broadcast %squeeze3A_323 : f32 to vector<16xf32>
              %get3A_325 = arith.index_cast %squeeze3A_321 : i32 to index
              %get3A_326 = arith.constant 0 : index
              %get3A_327 = tpu.vector_load %arg7[%get3A_325, %get3A_326] {strides = array<i32>} : memref<1024x64xf32, #tpu.memory_space<vmem>>, vector<16xf32>,
              %add3A_328 = arith.addf %get3A_327, %broadcast_in_dim3A_324 : vector<16xf32>
              %min3A_329 = arith.minimumf %min3A_304, %add3A_328 : vector<16xf32>
              %get3A_330 = arith.index_cast %squeeze3A_321 : i32 to index
              %get3A_331 = arith.constant 16 : index
              %get3A_332 = tpu.vector_load %arg7[%get3A_330, %get3A_331] {strides = array<i32>} : memref<1024x64xf32, #tpu.memory_space<vmem>>, vector<16xf32>,
              %add3A_333 = arith.addf %get3A_332, %broadcast_in_dim3A_324 : vector<16xf32>
              %min3A_334 = arith.minimumf %min3A_309, %add3A_333 : vector<16xf32>
              %get3A_335 = arith.index_cast %squeeze3A_321 : i32 to index
              %get3A_336 = arith.constant 32 : index
              %get3A_337 = tpu.vector_load %arg7[%get3A_335, %get3A_336] {strides = array<i32>} : memref<1024x64xf32, #tpu.memory_space<vmem>>, vector<16xf32>,
              %add3A_338 = arith.addf %get3A_337, %broadcast_in_dim3A_324 : vector<16xf32>
              %min3A_339 = arith.minimumf %min3A_314, %add3A_338 : vector<16xf32>
              %get3A_340 = arith.index_cast %squeeze3A_321 : i32 to index
              %get3A_341 = arith.constant 48 : index
              %get3A_342 = tpu.vector_load %arg7[%get3A_340, %get3A_341] {strides = array<i32>} : memref<1024x64xf32, #tpu.memory_space<vmem>>, vector<16xf32>,
              %add3A_343 = arith.addf %get3A_342, %broadcast_in_dim3A_324 : vector<16xf32>
              %min3A_344 = arith.minimumf %min3A_319, %add3A_343 : vector<16xf32>
              %slice3A_345 = vector.extract_strided_slice %get3A_171 {offsets = [7], sizes = [1], strides = [1]} : vector<16xi32> to vector<1xi32>
              %squeeze3A_346 = vector.extract %slice3A_345[0] : i32 from vector<1xi32>
              %slice3A_347 = vector.extract_strided_slice %gather3A {offsets = [7], sizes = [1], strides = [1]} : vector<16xf32> to vector<1xf32>
              %squeeze3A_348 = vector.extract %slice3A_347[0] : f32 from vector<1xf32>
              %broadcast_in_dim3A_349 = vector.broadcast %squeeze3A_348 : f32 to vector<16xf32>
              %get3A_350 = arith.index_cast %squeeze3A_346 : i32 to index
              %get3A_351 = arith.constant 0 : index
              %get3A_352 = tpu.vector_load %arg7[%get3A_350, %get3A_351] {strides = array<i32>} : memref<1024x64xf32, #tpu.memory_space<vmem>>, vector<16xf32>,
              %add3A_353 = arith.addf %get3A_352, %broadcast_in_dim3A_349 : vector<16xf32>
              %min3A_354 = arith.minimumf %min3A_329, %add3A_353 : vector<16xf32>
              %get3A_355 = arith.index_cast %squeeze3A_346 : i32 to index
              %get3A_356 = arith.constant 16 : index
              %get3A_357 = tpu.vector_load %arg7[%get3A_355, %get3A_356] {strides = array<i32>} : memref<1024x64xf32, #tpu.memory_space<vmem>>, vector<16xf32>,
              %add3A_358 = arith.addf %get3A_357, %broadcast_in_dim3A_349 : vector<16xf32>
              %min3A_359 = arith.minimumf %min3A_334, %add3A_358 : vector<16xf32>
              %get3A_360 = arith.index_cast %squeeze3A_346 : i32 to index
              %get3A_361 = arith.constant 32 : index
              %get3A_362 = tpu.vector_load %arg7[%get3A_360, %get3A_361] {strides = array<i32>} : memref<1024x64xf32, #tpu.memory_space<vmem>>, vector<16xf32>,
              %add3A_363 = arith.addf %get3A_362, %broadcast_in_dim3A_349 : vector<16xf32>
              %min3A_364 = arith.minimumf %min3A_339, %add3A_363 : vector<16xf32>
              %get3A_365 = arith.index_cast %squeeze3A_346 : i32 to index
              %get3A_366 = arith.constant 48 : index
              %get3A_367 = tpu.vector_load %arg7[%get3A_365, %get3A_366] {strides = array<i32>} : memref<1024x64xf32, #tpu.memory_space<vmem>>, vector<16xf32>,
              %add3A_368 = arith.addf %get3A_367, %broadcast_in_dim3A_349 : vector<16xf32>
              %min3A_369 = arith.minimumf %min3A_344, %add3A_368 : vector<16xf32>
              %slice3A_370 = vector.extract_strided_slice %get3A_171 {offsets = [8], sizes = [1], strides = [1]} : vector<16xi32> to vector<1xi32>
              %squeeze3A_371 = vector.extract %slice3A_370[0] : i32 from vector<1xi32>
              %slice3A_372 = vector.extract_strided_slice %gather3A {offsets = [8], sizes = [1], strides = [1]} : vector<16xf32> to vector<1xf32>
              %squeeze3A_373 = vector.extract %slice3A_372[0] : f32 from vector<1xf32>
              %broadcast_in_dim3A_374 = vector.broadcast %squeeze3A_373 : f32 to vector<16xf32>
              %get3A_375 = arith.index_cast %squeeze3A_371 : i32 to index
              %get3A_376 = arith.constant 0 : index
              %get3A_377 = tpu.vector_load %arg7[%get3A_375, %get3A_376] {strides = array<i32>} : memref<1024x64xf32, #tpu.memory_space<vmem>>, vector<16xf32>,
              %add3A_378 = arith.addf %get3A_377, %broadcast_in_dim3A_374 : vector<16xf32>
              %min3A_379 = arith.minimumf %min3A_354, %add3A_378 : vector<16xf32>
              %get3A_380 = arith.index_cast %squeeze3A_371 : i32 to index
              %get3A_381 = arith.constant 16 : index
              %get3A_382 = tpu.vector_load %arg7[%get3A_380, %get3A_381] {strides = array<i32>} : memref<1024x64xf32, #tpu.memory_space<vmem>>, vector<16xf32>,
              %add3A_383 = arith.addf %get3A_382, %broadcast_in_dim3A_374 : vector<16xf32>
              %min3A_384 = arith.minimumf %min3A_359, %add3A_383 : vector<16xf32>
              %get3A_385 = arith.index_cast %squeeze3A_371 : i32 to index
              %get3A_386 = arith.constant 32 : index
              %get3A_387 = tpu.vector_load %arg7[%get3A_385, %get3A_386] {strides = array<i32>} : memref<1024x64xf32, #tpu.memory_space<vmem>>, vector<16xf32>,
              %add3A_388 = arith.addf %get3A_387, %broadcast_in_dim3A_374 : vector<16xf32>
              %min3A_389 = arith.minimumf %min3A_364, %add3A_388 : vector<16xf32>
              %get3A_390 = arith.index_cast %squeeze3A_371 : i32 to index
              %get3A_391 = arith.constant 48 : index
              %get3A_392 = tpu.vector_load %arg7[%get3A_390, %get3A_391] {strides = array<i32>} : memref<1024x64xf32, #tpu.memory_space<vmem>>, vector<16xf32>,
              %add3A_393 = arith.addf %get3A_392, %broadcast_in_dim3A_374 : vector<16xf32>
              %min3A_394 = arith.minimumf %min3A_369, %add3A_393 : vector<16xf32>
              %slice3A_395 = vector.extract_strided_slice %get3A_171 {offsets = [9], sizes = [1], strides = [1]} : vector<16xi32> to vector<1xi32>
              %squeeze3A_396 = vector.extract %slice3A_395[0] : i32 from vector<1xi32>
              %slice3A_397 = vector.extract_strided_slice %gather3A {offsets = [9], sizes = [1], strides = [1]} : vector<16xf32> to vector<1xf32>
              %squeeze3A_398 = vector.extract %slice3A_397[0] : f32 from vector<1xf32>
              %broadcast_in_dim3A_399 = vector.broadcast %squeeze3A_398 : f32 to vector<16xf32>
              %get3A_400 = arith.index_cast %squeeze3A_396 : i32 to index
              %get3A_401 = arith.constant 0 : index
              %get3A_402 = tpu.vector_load %arg7[%get3A_400, %get3A_401] {strides = array<i32>} : memref<1024x64xf32, #tpu.memory_space<vmem>>, vector<16xf32>,
              %add3A_403 = arith.addf %get3A_402, %broadcast_in_dim3A_399 : vector<16xf32>
              %min3A_404 = arith.minimumf %min3A_379, %add3A_403 : vector<16xf32>
              %get3A_405 = arith.index_cast %squeeze3A_396 : i32 to index
              %get3A_406 = arith.constant 16 : index
              %get3A_407 = tpu.vector_load %arg7[%get3A_405, %get3A_406] {strides = array<i32>} : memref<1024x64xf32, #tpu.memory_space<vmem>>, vector<16xf32>,
              %add3A_408 = arith.addf %get3A_407, %broadcast_in_dim3A_399 : vector<16xf32>
              %min3A_409 = arith.minimumf %min3A_384, %add3A_408 : vector<16xf32>
              %get3A_410 = arith.index_cast %squeeze3A_396 : i32 to index
              %get3A_411 = arith.constant 32 : index
              %get3A_412 = tpu.vector_load %arg7[%get3A_410, %get3A_411] {strides = array<i32>} : memref<1024x64xf32, #tpu.memory_space<vmem>>, vector<16xf32>,
              %add3A_413 = arith.addf %get3A_412, %broadcast_in_dim3A_399 : vector<16xf32>
              %min3A_414 = arith.minimumf %min3A_389, %add3A_413 : vector<16xf32>
              %get3A_415 = arith.index_cast %squeeze3A_396 : i32 to index
              %get3A_416 = arith.constant 48 : index
              %get3A_417 = tpu.vector_load %arg7[%get3A_415, %get3A_416] {strides = array<i32>} : memref<1024x64xf32, #tpu.memory_space<vmem>>, vector<16xf32>,
              %add3A_418 = arith.addf %get3A_417, %broadcast_in_dim3A_399 : vector<16xf32>
              %min3A_419 = arith.minimumf %min3A_394, %add3A_418 : vector<16xf32>
              %slice3A_420 = vector.extract_strided_slice %get3A_171 {offsets = [10], sizes = [1], strides = [1]} : vector<16xi32> to vector<1xi32>
              %squeeze3A_421 = vector.extract %slice3A_420[0] : i32 from vector<1xi32>
              %slice3A_422 = vector.extract_strided_slice %gather3A {offsets = [10], sizes = [1], strides = [1]} : vector<16xf32> to vector<1xf32>
              %squeeze3A_423 = vector.extract %slice3A_422[0] : f32 from vector<1xf32>
              %broadcast_in_dim3A_424 = vector.broadcast %squeeze3A_423 : f32 to vector<16xf32>
              %get3A_425 = arith.index_cast %squeeze3A_421 : i32 to index
              %get3A_426 = arith.constant 0 : index
              %get3A_427 = tpu.vector_load %arg7[%get3A_425, %get3A_426] {strides = array<i32>} : memref<1024x64xf32, #tpu.memory_space<vmem>>, vector<16xf32>,
              %add3A_428 = arith.addf %get3A_427, %broadcast_in_dim3A_424 : vector<16xf32>
              %min3A_429 = arith.minimumf %min3A_404, %add3A_428 : vector<16xf32>
              %get3A_430 = arith.index_cast %squeeze3A_421 : i32 to index
              %get3A_431 = arith.constant 16 : index
              %get3A_432 = tpu.vector_load %arg7[%get3A_430, %get3A_431] {strides = array<i32>} : memref<1024x64xf32, #tpu.memory_space<vmem>>, vector<16xf32>,
              %add3A_433 = arith.addf %get3A_432, %broadcast_in_dim3A_424 : vector<16xf32>
              %min3A_434 = arith.minimumf %min3A_409, %add3A_433 : vector<16xf32>
              %get3A_435 = arith.index_cast %squeeze3A_421 : i32 to index
              %get3A_436 = arith.constant 32 : index
              %get3A_437 = tpu.vector_load %arg7[%get3A_435, %get3A_436] {strides = array<i32>} : memref<1024x64xf32, #tpu.memory_space<vmem>>, vector<16xf32>,
              %add3A_438 = arith.addf %get3A_437, %broadcast_in_dim3A_424 : vector<16xf32>
              %min3A_439 = arith.minimumf %min3A_414, %add3A_438 : vector<16xf32>
              %get3A_440 = arith.index_cast %squeeze3A_421 : i32 to index
              %get3A_441 = arith.constant 48 : index
              %get3A_442 = tpu.vector_load %arg7[%get3A_440, %get3A_441] {strides = array<i32>} : memref<1024x64xf32, #tpu.memory_space<vmem>>, vector<16xf32>,
              %add3A_443 = arith.addf %get3A_442, %broadcast_in_dim3A_424 : vector<16xf32>
              %min3A_444 = arith.minimumf %min3A_419, %add3A_443 : vector<16xf32>
              %slice3A_445 = vector.extract_strided_slice %get3A_171 {offsets = [11], sizes = [1], strides = [1]} : vector<16xi32> to vector<1xi32>
              %squeeze3A_446 = vector.extract %slice3A_445[0] : i32 from vector<1xi32>
              %slice3A_447 = vector.extract_strided_slice %gather3A {offsets = [11], sizes = [1], strides = [1]} : vector<16xf32> to vector<1xf32>
              %squeeze3A_448 = vector.extract %slice3A_447[0] : f32 from vector<1xf32>
              %broadcast_in_dim3A_449 = vector.broadcast %squeeze3A_448 : f32 to vector<16xf32>
              %get3A_450 = arith.index_cast %squeeze3A_446 : i32 to index
              %get3A_451 = arith.constant 0 : index
              %get3A_452 = tpu.vector_load %arg7[%get3A_450, %get3A_451] {strides = array<i32>} : memref<1024x64xf32, #tpu.memory_space<vmem>>, vector<16xf32>,
              %add3A_453 = arith.addf %get3A_452, %broadcast_in_dim3A_449 : vector<16xf32>
              %min3A_454 = arith.minimumf %min3A_429, %add3A_453 : vector<16xf32>
              %get3A_455 = arith.index_cast %squeeze3A_446 : i32 to index
              %get3A_456 = arith.constant 16 : index
              %get3A_457 = tpu.vector_load %arg7[%get3A_455, %get3A_456] {strides = array<i32>} : memref<1024x64xf32, #tpu.memory_space<vmem>>, vector<16xf32>,
              %add3A_458 = arith.addf %get3A_457, %broadcast_in_dim3A_449 : vector<16xf32>
              %min3A_459 = arith.minimumf %min3A_434, %add3A_458 : vector<16xf32>
              %get3A_460 = arith.index_cast %squeeze3A_446 : i32 to index
              %get3A_461 = arith.constant 32 : index
              %get3A_462 = tpu.vector_load %arg7[%get3A_460, %get3A_461] {strides = array<i32>} : memref<1024x64xf32, #tpu.memory_space<vmem>>, vector<16xf32>,
              %add3A_463 = arith.addf %get3A_462, %broadcast_in_dim3A_449 : vector<16xf32>
              %min3A_464 = arith.minimumf %min3A_439, %add3A_463 : vector<16xf32>
              %get3A_465 = arith.index_cast %squeeze3A_446 : i32 to index
              %get3A_466 = arith.constant 48 : index
              %get3A_467 = tpu.vector_load %arg7[%get3A_465, %get3A_466] {strides = array<i32>} : memref<1024x64xf32, #tpu.memory_space<vmem>>, vector<16xf32>,
              %add3A_468 = arith.addf %get3A_467, %broadcast_in_dim3A_449 : vector<16xf32>
              %min3A_469 = arith.minimumf %min3A_444, %add3A_468 : vector<16xf32>
              %slice3A_470 = vector.extract_strided_slice %get3A_171 {offsets = [12], sizes = [1], strides = [1]} : vector<16xi32> to vector<1xi32>
              %squeeze3A_471 = vector.extract %slice3A_470[0] : i32 from vector<1xi32>
              %slice3A_472 = vector.extract_strided_slice %gather3A {offsets = [12], sizes = [1], strides = [1]} : vector<16xf32> to vector<1xf32>
              %squeeze3A_473 = vector.extract %slice3A_472[0] : f32 from vector<1xf32>
              %broadcast_in_dim3A_474 = vector.broadcast %squeeze3A_473 : f32 to vector<16xf32>
              %get3A_475 = arith.index_cast %squeeze3A_471 : i32 to index
              %get3A_476 = arith.constant 0 : index
              %get3A_477 = tpu.vector_load %arg7[%get3A_475, %get3A_476] {strides = array<i32>} : memref<1024x64xf32, #tpu.memory_space<vmem>>, vector<16xf32>,
              %add3A_478 = arith.addf %get3A_477, %broadcast_in_dim3A_474 : vector<16xf32>
              %min3A_479 = arith.minimumf %min3A_454, %add3A_478 : vector<16xf32>
              %get3A_480 = arith.index_cast %squeeze3A_471 : i32 to index
              %get3A_481 = arith.constant 16 : index
              %get3A_482 = tpu.vector_load %arg7[%get3A_480, %get3A_481] {strides = array<i32>} : memref<1024x64xf32, #tpu.memory_space<vmem>>, vector<16xf32>,
              %add3A_483 = arith.addf %get3A_482, %broadcast_in_dim3A_474 : vector<16xf32>
              %min3A_484 = arith.minimumf %min3A_459, %add3A_483 : vector<16xf32>
              %get3A_485 = arith.index_cast %squeeze3A_471 : i32 to index
              %get3A_486 = arith.constant 32 : index
              %get3A_487 = tpu.vector_load %arg7[%get3A_485, %get3A_486] {strides = array<i32>} : memref<1024x64xf32, #tpu.memory_space<vmem>>, vector<16xf32>,
              %add3A_488 = arith.addf %get3A_487, %broadcast_in_dim3A_474 : vector<16xf32>
              %min3A_489 = arith.minimumf %min3A_464, %add3A_488 : vector<16xf32>
              %get3A_490 = arith.index_cast %squeeze3A_471 : i32 to index
              %get3A_491 = arith.constant 48 : index
              %get3A_492 = tpu.vector_load %arg7[%get3A_490, %get3A_491] {strides = array<i32>} : memref<1024x64xf32, #tpu.memory_space<vmem>>, vector<16xf32>,
              %add3A_493 = arith.addf %get3A_492, %broadcast_in_dim3A_474 : vector<16xf32>
              %min3A_494 = arith.minimumf %min3A_469, %add3A_493 : vector<16xf32>
              %slice3A_495 = vector.extract_strided_slice %get3A_171 {offsets = [13], sizes = [1], strides = [1]} : vector<16xi32> to vector<1xi32>
              %squeeze3A_496 = vector.extract %slice3A_495[0] : i32 from vector<1xi32>
              %slice3A_497 = vector.extract_strided_slice %gather3A {offsets = [13], sizes = [1], strides = [1]} : vector<16xf32> to vector<1xf32>
              %squeeze3A_498 = vector.extract %slice3A_497[0] : f32 from vector<1xf32>
              %broadcast_in_dim3A_499 = vector.broadcast %squeeze3A_498 : f32 to vector<16xf32>
              %get3A_500 = arith.index_cast %squeeze3A_496 : i32 to index
              %get3A_501 = arith.constant 0 : index
              %get3A_502 = tpu.vector_load %arg7[%get3A_500, %get3A_501] {strides = array<i32>} : memref<1024x64xf32, #tpu.memory_space<vmem>>, vector<16xf32>,
              %add3A_503 = arith.addf %get3A_502, %broadcast_in_dim3A_499 : vector<16xf32>
              %min3A_504 = arith.minimumf %min3A_479, %add3A_503 : vector<16xf32>
              %get3A_505 = arith.index_cast %squeeze3A_496 : i32 to index
              %get3A_506 = arith.constant 16 : index
              %get3A_507 = tpu.vector_load %arg7[%get3A_505, %get3A_506] {strides = array<i32>} : memref<1024x64xf32, #tpu.memory_space<vmem>>, vector<16xf32>,
              %add3A_508 = arith.addf %get3A_507, %broadcast_in_dim3A_499 : vector<16xf32>
              %min3A_509 = arith.minimumf %min3A_484, %add3A_508 : vector<16xf32>
              %get3A_510 = arith.index_cast %squeeze3A_496 : i32 to index
              %get3A_511 = arith.constant 32 : index
              %get3A_512 = tpu.vector_load %arg7[%get3A_510, %get3A_511] {strides = array<i32>} : memref<1024x64xf32, #tpu.memory_space<vmem>>, vector<16xf32>,
              %add3A_513 = arith.addf %get3A_512, %broadcast_in_dim3A_499 : vector<16xf32>
              %min3A_514 = arith.minimumf %min3A_489, %add3A_513 : vector<16xf32>
              %get3A_515 = arith.index_cast %squeeze3A_496 : i32 to index
              %get3A_516 = arith.constant 48 : index
              %get3A_517 = tpu.vector_load %arg7[%get3A_515, %get3A_516] {strides = array<i32>} : memref<1024x64xf32, #tpu.memory_space<vmem>>, vector<16xf32>,
              %add3A_518 = arith.addf %get3A_517, %broadcast_in_dim3A_499 : vector<16xf32>
              %min3A_519 = arith.minimumf %min3A_494, %add3A_518 : vector<16xf32>
              %slice3A_520 = vector.extract_strided_slice %get3A_171 {offsets = [14], sizes = [1], strides = [1]} : vector<16xi32> to vector<1xi32>
              %squeeze3A_521 = vector.extract %slice3A_520[0] : i32 from vector<1xi32>
              %slice3A_522 = vector.extract_strided_slice %gather3A {offsets = [14], sizes = [1], strides = [1]} : vector<16xf32> to vector<1xf32>
              %squeeze3A_523 = vector.extract %slice3A_522[0] : f32 from vector<1xf32>
              %broadcast_in_dim3A_524 = vector.broadcast %squeeze3A_523 : f32 to vector<16xf32>
              %get3A_525 = arith.index_cast %squeeze3A_521 : i32 to index
              %get3A_526 = arith.constant 0 : index
              %get3A_527 = tpu.vector_load %arg7[%get3A_525, %get3A_526] {strides = array<i32>} : memref<1024x64xf32, #tpu.memory_space<vmem>>, vector<16xf32>,
              %add3A_528 = arith.addf %get3A_527, %broadcast_in_dim3A_524 : vector<16xf32>
              %min3A_529 = arith.minimumf %min3A_504, %add3A_528 : vector<16xf32>
              %get3A_530 = arith.index_cast %squeeze3A_521 : i32 to index
              %get3A_531 = arith.constant 16 : index
              %get3A_532 = tpu.vector_load %arg7[%get3A_530, %get3A_531] {strides = array<i32>} : memref<1024x64xf32, #tpu.memory_space<vmem>>, vector<16xf32>,
              %add3A_533 = arith.addf %get3A_532, %broadcast_in_dim3A_524 : vector<16xf32>
              %min3A_534 = arith.minimumf %min3A_509, %add3A_533 : vector<16xf32>
              %get3A_535 = arith.index_cast %squeeze3A_521 : i32 to index
              %get3A_536 = arith.constant 32 : index
              %get3A_537 = tpu.vector_load %arg7[%get3A_535, %get3A_536] {strides = array<i32>} : memref<1024x64xf32, #tpu.memory_space<vmem>>, vector<16xf32>,
              %add3A_538 = arith.addf %get3A_537, %broadcast_in_dim3A_524 : vector<16xf32>
              %min3A_539 = arith.minimumf %min3A_514, %add3A_538 : vector<16xf32>
              %get3A_540 = arith.index_cast %squeeze3A_521 : i32 to index
              %get3A_541 = arith.constant 48 : index
              %get3A_542 = tpu.vector_load %arg7[%get3A_540, %get3A_541] {strides = array<i32>} : memref<1024x64xf32, #tpu.memory_space<vmem>>, vector<16xf32>,
              %add3A_543 = arith.addf %get3A_542, %broadcast_in_dim3A_524 : vector<16xf32>
              %min3A_544 = arith.minimumf %min3A_519, %add3A_543 : vector<16xf32>
              %slice3A_545 = vector.extract_strided_slice %get3A_171 {offsets = [15], sizes = [1], strides = [1]} : vector<16xi32> to vector<1xi32>
              %squeeze3A_546 = vector.extract %slice3A_545[0] : i32 from vector<1xi32>
              %slice3A_547 = vector.extract_strided_slice %gather3A {offsets = [15], sizes = [1], strides = [1]} : vector<16xf32> to vector<1xf32>
              %squeeze3A_548 = vector.extract %slice3A_547[0] : f32 from vector<1xf32>
              %broadcast_in_dim3A_549 = vector.broadcast %squeeze3A_548 : f32 to vector<16xf32>
              %get3A_550 = arith.index_cast %squeeze3A_546 : i32 to index
              %get3A_551 = arith.constant 0 : index
              %get3A_552 = tpu.vector_load %arg7[%get3A_550, %get3A_551] {strides = array<i32>} : memref<1024x64xf32, #tpu.memory_space<vmem>>, vector<16xf32>,
              %add3A_553 = arith.addf %get3A_552, %broadcast_in_dim3A_549 : vector<16xf32>
              %min3A_554 = arith.minimumf %min3A_529, %add3A_553 : vector<16xf32>
              %get3A_555 = arith.index_cast %squeeze3A_546 : i32 to index
              %get3A_556 = arith.constant 16 : index
              %get3A_557 = tpu.vector_load %arg7[%get3A_555, %get3A_556] {strides = array<i32>} : memref<1024x64xf32, #tpu.memory_space<vmem>>, vector<16xf32>,
              %add3A_558 = arith.addf %get3A_557, %broadcast_in_dim3A_549 : vector<16xf32>
              %min3A_559 = arith.minimumf %min3A_534, %add3A_558 : vector<16xf32>
              %get3A_560 = arith.index_cast %squeeze3A_546 : i32 to index
              %get3A_561 = arith.constant 32 : index
              %get3A_562 = tpu.vector_load %arg7[%get3A_560, %get3A_561] {strides = array<i32>} : memref<1024x64xf32, #tpu.memory_space<vmem>>, vector<16xf32>,
              %add3A_563 = arith.addf %get3A_562, %broadcast_in_dim3A_549 : vector<16xf32>
              %min3A_564 = arith.minimumf %min3A_539, %add3A_563 : vector<16xf32>
              %get3A_565 = arith.index_cast %squeeze3A_546 : i32 to index
              %get3A_566 = arith.constant 48 : index
              %get3A_567 = tpu.vector_load %arg7[%get3A_565, %get3A_566] {strides = array<i32>} : memref<1024x64xf32, #tpu.memory_space<vmem>>, vector<16xf32>,
              %add3A_568 = arith.addf %get3A_567, %broadcast_in_dim3A_549 : vector<16xf32>
              %min3A_569 = arith.minimumf %min3A_544, %add3A_568 : vector<16xf32>
              scf.yield %min3A_554, %min3A_559, %min3A_564, %min3A_569 : vector<16xf32>, vector<16xf32>, vector<16xf32>, vector<16xf32>
            }
            %add3A_119 = arith.constant 0 : i32
            %add3A_120 = arith.addi %mul3A_0, %add3A_119 : i32
            %get3A_121 = arith.index_cast %add3A_120 : i32 to index
            %get3A_122 = tpu.vector_load %arg8[%get3A_121] {strides = array<i32>} : memref<1024xf32, #tpu.memory_space<vmem>>, vector<16xf32>,
            %min3A = arith.minimumf %while3A_118#0, %get3A_122 : vector<16xf32>
            %swap3A_123 = arith.constant 0 : index
            %swap3A_124 = tpu.vector_load %arg10[%swap3A_123] {strides = array<i32>} : memref<64xf32, #tpu.memory_space<vmem>>, vector<16xf32>,
            tpu.vector_store %arg10[%swap3A_123], %min3A {strides = array<i32>} : memref<64xf32, #tpu.memory_space<vmem>>, vector<16xf32>,
            %add3A_125 = arith.constant 16 : i32
            %add3A_126 = arith.addi %mul3A_0, %add3A_125 : i32
            %get3A_127 = arith.index_cast %add3A_126 : i32 to index
            %get3A_128 = tpu.vector_load %arg8[%get3A_127] {strides = array<i32>} : memref<1024xf32, #tpu.memory_space<vmem>>, vector<16xf32>,
            %min3A_129 = arith.minimumf %while3A_118#1, %get3A_128 : vector<16xf32>
            %swap3A_130 = arith.constant 16 : index
            %swap3A_131 = tpu.vector_load %arg10[%swap3A_130] {strides = array<i32>} : memref<64xf32, #tpu.memory_space<vmem>>, vector<16xf32>,
            tpu.vector_store %arg10[%swap3A_130], %min3A_129 {strides = array<i32>} : memref<64xf32, #tpu.memory_space<vmem>>, vector<16xf32>,
            %add3A_132 = arith.constant 32 : i32
            %add3A_133 = arith.addi %mul3A_0, %add3A_132 : i32
            %get3A_134 = arith.index_cast %add3A_133 : i32 to index
            %get3A_135 = tpu.vector_load %arg8[%get3A_134] {strides = array<i32>} : memref<1024xf32, #tpu.memory_space<vmem>>, vector<16xf32>,
            %min3A_136 = arith.minimumf %while3A_118#2, %get3A_135 : vector<16xf32>
            %swap3A_137 = arith.constant 32 : index
            %swap3A_138 = tpu.vector_load %arg10[%swap3A_137] {strides = array<i32>} : memref<64xf32, #tpu.memory_space<vmem>>, vector<16xf32>,
            tpu.vector_store %arg10[%swap3A_137], %min3A_136 {strides = array<i32>} : memref<64xf32, #tpu.memory_space<vmem>>, vector<16xf32>,
            %add3A_139 = arith.constant 48 : i32
            %add3A_140 = arith.addi %mul3A_0, %add3A_139 : i32
            %get3A_141 = arith.index_cast %add3A_140 : i32 to index
            %get3A_142 = tpu.vector_load %arg8[%get3A_141] {strides = array<i32>} : memref<1024xf32, #tpu.memory_space<vmem>>, vector<16xf32>,
            %min3A_143 = arith.minimumf %while3A_118#3, %get3A_142 : vector<16xf32>
            %swap3A_144 = arith.constant 48 : index
            %swap3A_145 = tpu.vector_load %arg10[%swap3A_144] {strides = array<i32>} : memref<64xf32, #tpu.memory_space<vmem>>, vector<16xf32>,
            tpu.vector_store %arg10[%swap3A_144], %min3A_143 {strides = array<i32>} : memref<64xf32, #tpu.memory_space<vmem>>, vector<16xf32>,
            "tpu.region"() ({
              %run_scoped3A = tpu.sem_alloc : memref<!tpu.dma_semaphore, #tpu.memory_space<semaphore_mem>>
              %dma_start3A = tpu.memref_slice %arg17[%mul3A_0] : memref<1024xf32, #tpu.memory_space<vmem_shared>> -> memref<64xf32, #tpu.memory_space<vmem_shared>>
              %dma_start3A_163 = tpu.memref_slice %arg17[%mul3A_0] : memref<1024xf32, #tpu.memory_space<vmem_shared>> -> memref<64xf32, #tpu.memory_space<vmem_shared>>
              tpu.enqueue_dma source(%arg10 : memref<64xf32, #tpu.memory_space<vmem>>) target(%dma_start3A_163 : memref<64xf32, #tpu.memory_space<vmem_shared>>) target_semaphore(%run_scoped3A : memref<!tpu.dma_semaphore, #tpu.memory_space<semaphore_mem>>)
              %dma_wait3A = tpu.memref_slice %arg17[%mul3A_0] : memref<1024xf32, #tpu.memory_space<vmem_shared>> -> memref<64xf32, #tpu.memory_space<vmem_shared>>
              %dma_wait3A_164 = tpu.memref_slice %arg17[%mul3A_0] : memref<1024xf32, #tpu.memory_space<vmem_shared>> -> memref<64xf32, #tpu.memory_space<vmem_shared>>
              tpu.wait_dma2 semaphore(%run_scoped3A : memref<!tpu.dma_semaphore, #tpu.memory_space<semaphore_mem>>) src(%arg10 : memref<64xf32, #tpu.memory_space<vmem>>) dst(%dma_wait3A_164 : memref<64xf32, #tpu.memory_space<vmem_shared>>)
              tpu.yield
            }) : () -> ()
            %barrier3A = arith.constant 0 : index
            tpu.barrier barrier_id(%barrier3A)
            "tpu.region"() ({
              %run_scoped3A = tpu.sem_alloc : memref<!tpu.dma_semaphore, #tpu.memory_space<semaphore_mem>>
              tpu.enqueue_dma source(%arg17 : memref<1024xf32, #tpu.memory_space<vmem_shared>>) target(%arg9 : memref<1024xf32, #tpu.memory_space<vmem>>) target_semaphore(%run_scoped3A : memref<!tpu.dma_semaphore, #tpu.memory_space<semaphore_mem>>)
              tpu.wait_dma2 semaphore(%run_scoped3A : memref<!tpu.dma_semaphore, #tpu.memory_space<semaphore_mem>>) src(%arg17 : memref<1024xf32, #tpu.memory_space<vmem_shared>>) dst(%arg9 : memref<1024xf32, #tpu.memory_space<vmem>>)
              tpu.yield
            }) : () -> ()
            %scan3A_146 = arith.constant 0 : i32
            %scan3A_147 = arith.constant 0 : i32
            %scan3A_148 = arith.constant 16 : i32
            %scan3A_149 = arith.addi %scan3A_147, %scan3A_148 : i32
            %scan3A_150 = arith.constant 1 : i32
            %scan3A_151 = scf.for %scan3A_163 = %scan3A_147 to %scan3A_149 step %scan3A_150 iter_args(%scan3A_164 = %scan3A_146) -> (i32)  : i32 {
              %mul3A_165 = arith.constant 4 : i32
              %mul3A_166 = arith.muli %scan3A_163, %mul3A_165 : i32
              %add3A_167 = arith.constant 0 : i32
              %add3A_168 = arith.addi %mul3A_166, %add3A_167 : i32
              %mul3A_169 = arith.constant 16 : i32
              %mul3A_170 = arith.muli %add3A_168, %mul3A_169 : i32
              %get3A_171 = arith.index_cast %mul3A_170 : i32 to index
              %get3A_172 = tpu.vector_load %arg8[%get3A_171] {strides = array<i32>} : memref<1024xf32, #tpu.memory_space<vmem>>, vector<16xf32>,
              %mul3A_173 = arith.constant 16 : i32
              %mul3A_174 = arith.muli %add3A_168, %mul3A_173 : i32
              %get3A_175 = arith.index_cast %mul3A_174 : i32 to index
              %get3A_176 = tpu.vector_load %arg9[%get3A_175] {strides = array<i32>} : memref<1024xf32, #tpu.memory_space<vmem>>, vector<16xf32>,
              %mul3A_177 = arith.constant 16 : i32
              %mul3A_178 = arith.muli %add3A_168, %mul3A_177 : i32
              %swap3A_179 = arith.index_cast %mul3A_178 : i32 to index
              %swap3A_180 = tpu.vector_load %arg8[%swap3A_179] {strides = array<i32>} : memref<1024xf32, #tpu.memory_space<vmem>>, vector<16xf32>,
              tpu.vector_store %arg8[%swap3A_179], %get3A_176 {strides = array<i32>} : memref<1024xf32, #tpu.memory_space<vmem>>, vector<16xf32>,
              %lt3A = arith.cmpf olt, %get3A_176, %get3A_172 : vector<16xf32>
              %mul3A_181 = arith.constant 16 : i32
              %mul3A_182 = arith.muli %add3A_168, %mul3A_181 : i32
              %add3A_183 = vector.broadcast %mul3A_182 : i32 to vector<16xi32>
              %add3A_184 = arith.addi %iota3A, %add3A_183 : vector<16xi32>
              %swap3A_185 = arith.index_cast %scan3A_164 : i32 to index
              %swap3A_186 = tpu.vector_load %arg13[%swap3A_185] masked %lt3A {strides = array<i32>} : memref<1024xi32, #tpu.memory_space<vmem>>, vector<16xi32>, vector<16xi1>
              tpu.vector_store %arg13[%swap3A_185], %add3A_184 masked %lt3A {strides = array<i32>} : memref<1024xi32, #tpu.memory_space<vmem>>, vector<16xi32>, vector<16xi1>
              %all_reduce_population_count3A = tpu.all_reduce %lt3A {dim = 0 : i64, kind = #tpu.reduction_kind<sum>} : vector<16xi1> -> vector<16xi32>
              %slice3A = vector.extract_strided_slice %all_reduce_population_count3A {offsets = [0], sizes = [1], strides = [1]} : vector<16xi32> to vector<1xi32>
              %squeeze3A = vector.extract %slice3A[0] : i32 from vector<1xi32>
              %add3A_187 = arith.addi %scan3A_164, %squeeze3A : i32
              %mul3A_188 = arith.constant 4 : i32
              %mul3A_189 = arith.muli %scan3A_163, %mul3A_188 : i32
              %add3A_190 = arith.constant 1 : i32
              %add3A_191 = arith.addi %mul3A_189, %add3A_190 : i32
              %mul3A_192 = arith.constant 16 : i32
              %mul3A_193 = arith.muli %add3A_191, %mul3A_192 : i32
              %get3A_194 = arith.index_cast %mul3A_193 : i32 to index
              %get3A_195 = tpu.vector_load %arg8[%get3A_194] {strides = array<i32>} : memref<1024xf32, #tpu.memory_space<vmem>>, vector<16xf32>,
              %mul3A_196 = arith.constant 16 : i32
              %mul3A_197 = arith.muli %add3A_191, %mul3A_196 : i32
              %get3A_198 = arith.index_cast %mul3A_197 : i32 to index
              %get3A_199 = tpu.vector_load %arg9[%get3A_198] {strides = array<i32>} : memref<1024xf32, #tpu.memory_space<vmem>>, vector<16xf32>,
              %mul3A_200 = arith.constant 16 : i32
              %mul3A_201 = arith.muli %add3A_191, %mul3A_200 : i32
              %swap3A_202 = arith.index_cast %mul3A_201 : i32 to index
              %swap3A_203 = tpu.vector_load %arg8[%swap3A_202] {strides = array<i32>} : memref<1024xf32, #tpu.memory_space<vmem>>, vector<16xf32>,
              tpu.vector_store %arg8[%swap3A_202], %get3A_199 {strides = array<i32>} : memref<1024xf32, #tpu.memory_space<vmem>>, vector<16xf32>,
              %lt3A_204 = arith.cmpf olt, %get3A_199, %get3A_195 : vector<16xf32>
              %mul3A_205 = arith.constant 16 : i32
              %mul3A_206 = arith.muli %add3A_191, %mul3A_205 : i32
              %add3A_207 = vector.broadcast %mul3A_206 : i32 to vector<16xi32>
              %add3A_208 = arith.addi %iota3A, %add3A_207 : vector<16xi32>
              %swap3A_209 = arith.index_cast %add3A_187 : i32 to index
              %swap3A_210 = tpu.vector_load %arg13[%swap3A_209] masked %lt3A_204 {strides = array<i32>} : memref<1024xi32, #tpu.memory_space<vmem>>, vector<16xi32>, vector<16xi1>
              tpu.vector_store %arg13[%swap3A_209], %add3A_208 masked %lt3A_204 {strides = array<i32>} : memref<1024xi32, #tpu.memory_space<vmem>>, vector<16xi32>, vector<16xi1>
              %all_reduce_population_count3A_211 = tpu.all_reduce %lt3A_204 {dim = 0 : i64, kind = #tpu.reduction_kind<sum>} : vector<16xi1> -> vector<16xi32>
              %slice3A_212 = vector.extract_strided_slice %all_reduce_population_count3A_211 {offsets = [0], sizes = [1], strides = [1]} : vector<16xi32> to vector<1xi32>
              %squeeze3A_213 = vector.extract %slice3A_212[0] : i32 from vector<1xi32>
              %add3A_214 = arith.addi %add3A_187, %squeeze3A_213 : i32
              %mul3A_215 = arith.constant 4 : i32
              %mul3A_216 = arith.muli %scan3A_163, %mul3A_215 : i32
              %add3A_217 = arith.constant 2 : i32
              %add3A_218 = arith.addi %mul3A_216, %add3A_217 : i32
              %mul3A_219 = arith.constant 16 : i32
              %mul3A_220 = arith.muli %add3A_218, %mul3A_219 : i32
              %get3A_221 = arith.index_cast %mul3A_220 : i32 to index
              %get3A_222 = tpu.vector_load %arg8[%get3A_221] {strides = array<i32>} : memref<1024xf32, #tpu.memory_space<vmem>>, vector<16xf32>,
              %mul3A_223 = arith.constant 16 : i32
              %mul3A_224 = arith.muli %add3A_218, %mul3A_223 : i32
              %get3A_225 = arith.index_cast %mul3A_224 : i32 to index
              %get3A_226 = tpu.vector_load %arg9[%get3A_225] {strides = array<i32>} : memref<1024xf32, #tpu.memory_space<vmem>>, vector<16xf32>,
              %mul3A_227 = arith.constant 16 : i32
              %mul3A_228 = arith.muli %add3A_218, %mul3A_227 : i32
              %swap3A_229 = arith.index_cast %mul3A_228 : i32 to index
              %swap3A_230 = tpu.vector_load %arg8[%swap3A_229] {strides = array<i32>} : memref<1024xf32, #tpu.memory_space<vmem>>, vector<16xf32>,
              tpu.vector_store %arg8[%swap3A_229], %get3A_226 {strides = array<i32>} : memref<1024xf32, #tpu.memory_space<vmem>>, vector<16xf32>,
              %lt3A_231 = arith.cmpf olt, %get3A_226, %get3A_222 : vector<16xf32>
              %mul3A_232 = arith.constant 16 : i32
              %mul3A_233 = arith.muli %add3A_218, %mul3A_232 : i32
              %add3A_234 = vector.broadcast %mul3A_233 : i32 to vector<16xi32>
              %add3A_235 = arith.addi %iota3A, %add3A_234 : vector<16xi32>
              %swap3A_236 = arith.index_cast %add3A_214 : i32 to index
              %swap3A_237 = tpu.vector_load %arg13[%swap3A_236] masked %lt3A_231 {strides = array<i32>} : memref<1024xi32, #tpu.memory_space<vmem>>, vector<16xi32>, vector<16xi1>
              tpu.vector_store %arg13[%swap3A_236], %add3A_235 masked %lt3A_231 {strides = array<i32>} : memref<1024xi32, #tpu.memory_space<vmem>>, vector<16xi32>, vector<16xi1>
              %all_reduce_population_count3A_238 = tpu.all_reduce %lt3A_231 {dim = 0 : i64, kind = #tpu.reduction_kind<sum>} : vector<16xi1> -> vector<16xi32>
              %slice3A_239 = vector.extract_strided_slice %all_reduce_population_count3A_238 {offsets = [0], sizes = [1], strides = [1]} : vector<16xi32> to vector<1xi32>
              %squeeze3A_240 = vector.extract %slice3A_239[0] : i32 from vector<1xi32>
              %add3A_241 = arith.addi %add3A_214, %squeeze3A_240 : i32
              %mul3A_242 = arith.constant 4 : i32
              %mul3A_243 = arith.muli %scan3A_163, %mul3A_242 : i32
              %add3A_244 = arith.constant 3 : i32
              %add3A_245 = arith.addi %mul3A_243, %add3A_244 : i32
              %mul3A_246 = arith.constant 16 : i32
              %mul3A_247 = arith.muli %add3A_245, %mul3A_246 : i32
              %get3A_248 = arith.index_cast %mul3A_247 : i32 to index
              %get3A_249 = tpu.vector_load %arg8[%get3A_248] {strides = array<i32>} : memref<1024xf32, #tpu.memory_space<vmem>>, vector<16xf32>,
              %mul3A_250 = arith.constant 16 : i32
              %mul3A_251 = arith.muli %add3A_245, %mul3A_250 : i32
              %get3A_252 = arith.index_cast %mul3A_251 : i32 to index
              %get3A_253 = tpu.vector_load %arg9[%get3A_252] {strides = array<i32>} : memref<1024xf32, #tpu.memory_space<vmem>>, vector<16xf32>,
              %mul3A_254 = arith.constant 16 : i32
              %mul3A_255 = arith.muli %add3A_245, %mul3A_254 : i32
              %swap3A_256 = arith.index_cast %mul3A_255 : i32 to index
              %swap3A_257 = tpu.vector_load %arg8[%swap3A_256] {strides = array<i32>} : memref<1024xf32, #tpu.memory_space<vmem>>, vector<16xf32>,
              tpu.vector_store %arg8[%swap3A_256], %get3A_253 {strides = array<i32>} : memref<1024xf32, #tpu.memory_space<vmem>>, vector<16xf32>,
              %lt3A_258 = arith.cmpf olt, %get3A_253, %get3A_249 : vector<16xf32>
              %mul3A_259 = arith.constant 16 : i32
              %mul3A_260 = arith.muli %add3A_245, %mul3A_259 : i32
              %add3A_261 = vector.broadcast %mul3A_260 : i32 to vector<16xi32>
              %add3A_262 = arith.addi %iota3A, %add3A_261 : vector<16xi32>
              %swap3A_263 = arith.index_cast %add3A_241 : i32 to index
              %swap3A_264 = tpu.vector_load %arg13[%swap3A_263] masked %lt3A_258 {strides = array<i32>} : memref<1024xi32, #tpu.memory_space<vmem>>, vector<16xi32>, vector<16xi1>
              tpu.vector_store %arg13[%swap3A_263], %add3A_262 masked %lt3A_258 {strides = array<i32>} : memref<1024xi32, #tpu.memory_space<vmem>>, vector<16xi32>, vector<16xi1>
              %all_reduce_population_count3A_265 = tpu.all_reduce %lt3A_258 {dim = 0 : i64, kind = #tpu.reduction_kind<sum>} : vector<16xi1> -> vector<16xi32>
              %slice3A_266 = vector.extract_strided_slice %all_reduce_population_count3A_265 {offsets = [0], sizes = [1], strides = [1]} : vector<16xi32> to vector<1xi32>
              %squeeze3A_267 = vector.extract %slice3A_266[0] : i32 from vector<1xi32>
              %add3A_268 = arith.addi %add3A_241, %squeeze3A_267 : i32
              scf.yield %add3A_268 : i32
            }
            %scan3A_152 = arith.constant 16 : i32
            %swap3A_153 = arith.constant 0 : i32
            %swap3A_154 = arith.index_cast %swap3A_153 : i32 to index
            %swap3A_155 = memref.load %arg15[%swap3A_154] : memref<1xi32, #tpu.memory_space<smem>>
            memref.store %scan3A_151, %arg15[%swap3A_154] : memref<1xi32, #tpu.memory_space<smem>>
            %gt3A_156 = arith.constant 0 : i32
            %gt3A_157 = arith.cmpi sgt, %scan3A_151, %gt3A_156 : i32
            %convert_element_type3A_158 = arith.extui %gt3A_157 : i1 to i32
            %swap3A_159 = arith.constant 0 : i32
            %swap3A_160 = arith.index_cast %swap3A_159 : i32 to index
            %swap3A_161 = memref.load %arg14[%swap3A_160] : memref<1xi32, #tpu.memory_space<smem>>
            memref.store %convert_element_type3A_158, %arg14[%swap3A_160] : memref<1xi32, #tpu.memory_space<smem>>
            %barrier3A_162 = arith.constant 0 : index
            tpu.barrier barrier_id(%barrier3A_162)
          } else {
          }
          %scan3A_85 = arith.constant 0 : i32
          scf.yield %scan3A_85 : i32
        }
        %scan3A_74 = arith.constant 16 : i32
      } else {
      }
      %scan3A_67 = arith.constant 0 : i32
      scf.yield %scan3A_67 : i32
    }
    %scan3A_37 = arith.constant 63 : i32
    %get3A_38 = arith.constant 0 : i32
    %get3A_39 = arith.index_cast %get3A_38 : i32 to index
    %get3A_40 = memref.load %arg14[%get3A_39] : memref<1xi32, #tpu.memory_space<smem>>
    %gt3A = arith.constant 0 : i32
    %gt3A_41 = arith.cmpi sgt, %get3A_40, %gt3A : i32
    %convert_element_type3A_42 = arith.extui %gt3A_41 : i1 to i32
    %cond3A_43 = arith.constant 0 : i32
    %cond3A_44 = arith.cmpi ne, %convert_element_type3A_42, %cond3A_43 : i32
    scf.if %cond3A_44 {
      %scan3A_57 = arith.constant 0 : i32
      %scan3A_58 = arith.constant 0 : i32
      %scan3A_59 = arith.constant 15 : i32
      %scan3A_60 = arith.addi %scan3A_58, %scan3A_59 : i32
      %scan3A_61 = arith.constant 1 : i32
      %scan3A_62 = scf.for %scan3A_64 = %scan3A_58 to %scan3A_60 step %scan3A_61 iter_args(%scan3A_65 = %scan3A_57) -> (i32)  : i32 {
        %get3A_66 = arith.constant 0 : i32
        %get3A_67 = arith.index_cast %get3A_66 : i32 to index
        %get3A_68 = memref.load %arg14[%get3A_67] : memref<1xi32, #tpu.memory_space<smem>>
        %gt3A_69 = arith.constant 0 : i32
        %gt3A_70 = arith.cmpi sgt, %get3A_68, %gt3A_69 : i32
        %convert_element_type3A_71 = arith.extui %gt3A_70 : i1 to i32
        %cond3A_72 = arith.constant 0 : i32
        %cond3A_73 = arith.cmpi ne, %convert_element_type3A_71, %cond3A_72 : i32
        scf.if %cond3A_73 {
          %get3A_75 = arith.constant 0 : i32
          %get3A_76 = arith.index_cast %get3A_75 : i32 to index
          %get3A_77 = memref.load %arg15[%get3A_76] : memref<1xi32, #tpu.memory_space<smem>>
          %add3A = arith.constant 15 : i32
          %add3A_78 = arith.addi %get3A_77, %add3A : i32
          %jit3A_79 = arith.constant 16 : i32
          %div3A = arith.divsi %add3A_78, %jit3A_79 : i32
          %sign3A = arith.constant 0 : i32
          %sign3A_80 = arith.cmpi sgt, %add3A_78, %sign3A : i32
          %sign3A_81 = arith.extui %sign3A_80 : i1 to i32
          %sign3A_82 = arith.constant 0 : i32
          %sign3A_83 = arith.cmpi slt, %add3A_78, %sign3A_82 : i32
          %sign3A_84 = arith.extui %sign3A_83 : i1 to i32
          %sign3A_85 = arith.subi %sign3A_81, %sign3A_84 : i32
          %sign3A_86 = arith.constant 0 : i32
          %sign3A_87 = arith.cmpi sgt, %jit3A_79, %sign3A_86 : i32
          %sign3A_88 = arith.extui %sign3A_87 : i1 to i32
          %sign3A_89 = arith.constant 0 : i32
          %sign3A_90 = arith.cmpi slt, %jit3A_79, %sign3A_89 : i32
          %sign3A_91 = arith.extui %sign3A_90 : i1 to i32
          %sign3A_92 = arith.subi %sign3A_88, %sign3A_91 : i32
          %ne3A = arith.cmpi ne, %sign3A_85, %sign3A_92 : i32
          %rem3A = arith.remsi %add3A_78, %jit3A_79 : i32
          %ne3A_93 = arith.constant 0 : i32
          %ne3A_94 = arith.cmpi ne, %rem3A, %ne3A_93 : i32
          %and3A_95 = arith.andi %ne3A, %ne3A_94 : i1
          %sub3A = arith.constant 1 : i32
          %sub3A_96 = arith.subi %div3A, %sub3A : i32
          %select_n3A_97 = arith.select %and3A_95, %sub3A_96, %div3A : i32
          %while3A = arith.constant 0 : i32
          %while3A_98 = arith.subi %select_n3A_97, %while3A : i32
          %while3A_99 = arith.addi %while3A, %while3A_98 : i32
          %while3A_100 = arith.constant 1 : i32
          %while3A_101 = arith.divsi %while3A_98, %while3A_100 : i32
          %while3A_102 = arith.muli %while3A_101, %while3A_100 : i32
          %while3A_103 = arith.addi %while3A, %while3A_102 : i32
          %while3A_104 = arith.constant 1 : i32
          %while3A_105:4 = scf.for %while3A_152 = %while3A to %while3A_103 step %while3A_104 iter_args(%while3A_153 = %broadcast_in_dim3A_4, %while3A_154 = %broadcast_in_dim3A_4, %while3A_155 = %broadcast_in_dim3A_4, %while3A_156 = %broadcast_in_dim3A_4) -> (vector<16xf32>, vector<16xf32>, vector<16xf32>, vector<16xf32>)  : i32 {
            %mul3A_157 = arith.constant 16 : i32
            %mul3A_158 = arith.muli %while3A_152, %mul3A_157 : i32
            %get3A_159 = arith.index_cast %mul3A_158 : i32 to index
            %get3A_160 = tpu.vector_load %arg13[%get3A_159] {strides = array<i32>} : memref<1024xi32, #tpu.memory_space<vmem>>, vector<16xi32>,
            %gather3A = tpu.vector_load_idx %arg8[%get3A_160] : memref<1024xf32, #tpu.memory_space<vmem>>[vector<16xi32>], vector<16xf32>,
            %slice3A = vector.extract_strided_slice %get3A_160 {offsets = [0], sizes = [1], strides = [1]} : vector<16xi32> to vector<1xi32>
            %squeeze3A = vector.extract %slice3A[0] : i32 from vector<1xi32>
            %slice3A_161 = vector.extract_strided_slice %gather3A {offsets = [0], sizes = [1], strides = [1]} : vector<16xf32> to vector<1xf32>
            %squeeze3A_162 = vector.extract %slice3A_161[0] : f32 from vector<1xf32>
            %broadcast_in_dim3A_163 = vector.broadcast %squeeze3A_162 : f32 to vector<16xf32>
            %get3A_164 = arith.index_cast %squeeze3A : i32 to index
            %get3A_165 = arith.constant 0 : index
            %get3A_166 = tpu.vector_load %arg7[%get3A_164, %get3A_165] {strides = array<i32>} : memref<1024x64xf32, #tpu.memory_space<vmem>>, vector<16xf32>,
            %add3A_167 = arith.addf %get3A_166, %broadcast_in_dim3A_163 : vector<16xf32>
            %min3A_168 = arith.minimumf %while3A_153, %add3A_167 : vector<16xf32>
            %get3A_169 = arith.index_cast %squeeze3A : i32 to index
            %get3A_170 = arith.constant 16 : index
            %get3A_171 = tpu.vector_load %arg7[%get3A_169, %get3A_170] {strides = array<i32>} : memref<1024x64xf32, #tpu.memory_space<vmem>>, vector<16xf32>,
            %add3A_172 = arith.addf %get3A_171, %broadcast_in_dim3A_163 : vector<16xf32>
            %min3A_173 = arith.minimumf %while3A_154, %add3A_172 : vector<16xf32>
            %get3A_174 = arith.index_cast %squeeze3A : i32 to index
            %get3A_175 = arith.constant 32 : index
            %get3A_176 = tpu.vector_load %arg7[%get3A_174, %get3A_175] {strides = array<i32>} : memref<1024x64xf32, #tpu.memory_space<vmem>>, vector<16xf32>,
            %add3A_177 = arith.addf %get3A_176, %broadcast_in_dim3A_163 : vector<16xf32>
            %min3A_178 = arith.minimumf %while3A_155, %add3A_177 : vector<16xf32>
            %get3A_179 = arith.index_cast %squeeze3A : i32 to index
            %get3A_180 = arith.constant 48 : index
            %get3A_181 = tpu.vector_load %arg7[%get3A_179, %get3A_180] {strides = array<i32>} : memref<1024x64xf32, #tpu.memory_space<vmem>>, vector<16xf32>,
            %add3A_182 = arith.addf %get3A_181, %broadcast_in_dim3A_163 : vector<16xf32>
            %min3A_183 = arith.minimumf %while3A_156, %add3A_182 : vector<16xf32>
            %slice3A_184 = vector.extract_strided_slice %get3A_160 {offsets = [1], sizes = [1], strides = [1]} : vector<16xi32> to vector<1xi32>
            %squeeze3A_185 = vector.extract %slice3A_184[0] : i32 from vector<1xi32>
            %slice3A_186 = vector.extract_strided_slice %gather3A {offsets = [1], sizes = [1], strides = [1]} : vector<16xf32> to vector<1xf32>
            %squeeze3A_187 = vector.extract %slice3A_186[0] : f32 from vector<1xf32>
            %broadcast_in_dim3A_188 = vector.broadcast %squeeze3A_187 : f32 to vector<16xf32>
            %get3A_189 = arith.index_cast %squeeze3A_185 : i32 to index
            %get3A_190 = arith.constant 0 : index
            %get3A_191 = tpu.vector_load %arg7[%get3A_189, %get3A_190] {strides = array<i32>} : memref<1024x64xf32, #tpu.memory_space<vmem>>, vector<16xf32>,
            %add3A_192 = arith.addf %get3A_191, %broadcast_in_dim3A_188 : vector<16xf32>
            %min3A_193 = arith.minimumf %min3A_168, %add3A_192 : vector<16xf32>
            %get3A_194 = arith.index_cast %squeeze3A_185 : i32 to index
            %get3A_195 = arith.constant 16 : index
            %get3A_196 = tpu.vector_load %arg7[%get3A_194, %get3A_195] {strides = array<i32>} : memref<1024x64xf32, #tpu.memory_space<vmem>>, vector<16xf32>,
            %add3A_197 = arith.addf %get3A_196, %broadcast_in_dim3A_188 : vector<16xf32>
            %min3A_198 = arith.minimumf %min3A_173, %add3A_197 : vector<16xf32>
            %get3A_199 = arith.index_cast %squeeze3A_185 : i32 to index
            %get3A_200 = arith.constant 32 : index
            %get3A_201 = tpu.vector_load %arg7[%get3A_199, %get3A_200] {strides = array<i32>} : memref<1024x64xf32, #tpu.memory_space<vmem>>, vector<16xf32>,
            %add3A_202 = arith.addf %get3A_201, %broadcast_in_dim3A_188 : vector<16xf32>
            %min3A_203 = arith.minimumf %min3A_178, %add3A_202 : vector<16xf32>
            %get3A_204 = arith.index_cast %squeeze3A_185 : i32 to index
            %get3A_205 = arith.constant 48 : index
            %get3A_206 = tpu.vector_load %arg7[%get3A_204, %get3A_205] {strides = array<i32>} : memref<1024x64xf32, #tpu.memory_space<vmem>>, vector<16xf32>,
            %add3A_207 = arith.addf %get3A_206, %broadcast_in_dim3A_188 : vector<16xf32>
            %min3A_208 = arith.minimumf %min3A_183, %add3A_207 : vector<16xf32>
            %slice3A_209 = vector.extract_strided_slice %get3A_160 {offsets = [2], sizes = [1], strides = [1]} : vector<16xi32> to vector<1xi32>
            %squeeze3A_210 = vector.extract %slice3A_209[0] : i32 from vector<1xi32>
            %slice3A_211 = vector.extract_strided_slice %gather3A {offsets = [2], sizes = [1], strides = [1]} : vector<16xf32> to vector<1xf32>
            %squeeze3A_212 = vector.extract %slice3A_211[0] : f32 from vector<1xf32>
            %broadcast_in_dim3A_213 = vector.broadcast %squeeze3A_212 : f32 to vector<16xf32>
            %get3A_214 = arith.index_cast %squeeze3A_210 : i32 to index
            %get3A_215 = arith.constant 0 : index
            %get3A_216 = tpu.vector_load %arg7[%get3A_214, %get3A_215] {strides = array<i32>} : memref<1024x64xf32, #tpu.memory_space<vmem>>, vector<16xf32>,
            %add3A_217 = arith.addf %get3A_216, %broadcast_in_dim3A_213 : vector<16xf32>
            %min3A_218 = arith.minimumf %min3A_193, %add3A_217 : vector<16xf32>
            %get3A_219 = arith.index_cast %squeeze3A_210 : i32 to index
            %get3A_220 = arith.constant 16 : index
            %get3A_221 = tpu.vector_load %arg7[%get3A_219, %get3A_220] {strides = array<i32>} : memref<1024x64xf32, #tpu.memory_space<vmem>>, vector<16xf32>,
            %add3A_222 = arith.addf %get3A_221, %broadcast_in_dim3A_213 : vector<16xf32>
            %min3A_223 = arith.minimumf %min3A_198, %add3A_222 : vector<16xf32>
            %get3A_224 = arith.index_cast %squeeze3A_210 : i32 to index
            %get3A_225 = arith.constant 32 : index
            %get3A_226 = tpu.vector_load %arg7[%get3A_224, %get3A_225] {strides = array<i32>} : memref<1024x64xf32, #tpu.memory_space<vmem>>, vector<16xf32>,
            %add3A_227 = arith.addf %get3A_226, %broadcast_in_dim3A_213 : vector<16xf32>
            %min3A_228 = arith.minimumf %min3A_203, %add3A_227 : vector<16xf32>
            %get3A_229 = arith.index_cast %squeeze3A_210 : i32 to index
            %get3A_230 = arith.constant 48 : index
            %get3A_231 = tpu.vector_load %arg7[%get3A_229, %get3A_230] {strides = array<i32>} : memref<1024x64xf32, #tpu.memory_space<vmem>>, vector<16xf32>,
            %add3A_232 = arith.addf %get3A_231, %broadcast_in_dim3A_213 : vector<16xf32>
            %min3A_233 = arith.minimumf %min3A_208, %add3A_232 : vector<16xf32>
            %slice3A_234 = vector.extract_strided_slice %get3A_160 {offsets = [3], sizes = [1], strides = [1]} : vector<16xi32> to vector<1xi32>
            %squeeze3A_235 = vector.extract %slice3A_234[0] : i32 from vector<1xi32>
            %slice3A_236 = vector.extract_strided_slice %gather3A {offsets = [3], sizes = [1], strides = [1]} : vector<16xf32> to vector<1xf32>
            %squeeze3A_237 = vector.extract %slice3A_236[0] : f32 from vector<1xf32>
            %broadcast_in_dim3A_238 = vector.broadcast %squeeze3A_237 : f32 to vector<16xf32>
            %get3A_239 = arith.index_cast %squeeze3A_235 : i32 to index
            %get3A_240 = arith.constant 0 : index
            %get3A_241 = tpu.vector_load %arg7[%get3A_239, %get3A_240] {strides = array<i32>} : memref<1024x64xf32, #tpu.memory_space<vmem>>, vector<16xf32>,
            %add3A_242 = arith.addf %get3A_241, %broadcast_in_dim3A_238 : vector<16xf32>
            %min3A_243 = arith.minimumf %min3A_218, %add3A_242 : vector<16xf32>
            %get3A_244 = arith.index_cast %squeeze3A_235 : i32 to index
            %get3A_245 = arith.constant 16 : index
            %get3A_246 = tpu.vector_load %arg7[%get3A_244, %get3A_245] {strides = array<i32>} : memref<1024x64xf32, #tpu.memory_space<vmem>>, vector<16xf32>,
            %add3A_247 = arith.addf %get3A_246, %broadcast_in_dim3A_238 : vector<16xf32>
            %min3A_248 = arith.minimumf %min3A_223, %add3A_247 : vector<16xf32>
            %get3A_249 = arith.index_cast %squeeze3A_235 : i32 to index
            %get3A_250 = arith.constant 32 : index
            %get3A_251 = tpu.vector_load %arg7[%get3A_249, %get3A_250] {strides = array<i32>} : memref<1024x64xf32, #tpu.memory_space<vmem>>, vector<16xf32>,
            %add3A_252 = arith.addf %get3A_251, %broadcast_in_dim3A_238 : vector<16xf32>
            %min3A_253 = arith.minimumf %min3A_228, %add3A_252 : vector<16xf32>
            %get3A_254 = arith.index_cast %squeeze3A_235 : i32 to index
            %get3A_255 = arith.constant 48 : index
            %get3A_256 = tpu.vector_load %arg7[%get3A_254, %get3A_255] {strides = array<i32>} : memref<1024x64xf32, #tpu.memory_space<vmem>>, vector<16xf32>,
            %add3A_257 = arith.addf %get3A_256, %broadcast_in_dim3A_238 : vector<16xf32>
            %min3A_258 = arith.minimumf %min3A_233, %add3A_257 : vector<16xf32>
            %slice3A_259 = vector.extract_strided_slice %get3A_160 {offsets = [4], sizes = [1], strides = [1]} : vector<16xi32> to vector<1xi32>
            %squeeze3A_260 = vector.extract %slice3A_259[0] : i32 from vector<1xi32>
            %slice3A_261 = vector.extract_strided_slice %gather3A {offsets = [4], sizes = [1], strides = [1]} : vector<16xf32> to vector<1xf32>
            %squeeze3A_262 = vector.extract %slice3A_261[0] : f32 from vector<1xf32>
            %broadcast_in_dim3A_263 = vector.broadcast %squeeze3A_262 : f32 to vector<16xf32>
            %get3A_264 = arith.index_cast %squeeze3A_260 : i32 to index
            %get3A_265 = arith.constant 0 : index
            %get3A_266 = tpu.vector_load %arg7[%get3A_264, %get3A_265] {strides = array<i32>} : memref<1024x64xf32, #tpu.memory_space<vmem>>, vector<16xf32>,
            %add3A_267 = arith.addf %get3A_266, %broadcast_in_dim3A_263 : vector<16xf32>
            %min3A_268 = arith.minimumf %min3A_243, %add3A_267 : vector<16xf32>
            %get3A_269 = arith.index_cast %squeeze3A_260 : i32 to index
            %get3A_270 = arith.constant 16 : index
            %get3A_271 = tpu.vector_load %arg7[%get3A_269, %get3A_270] {strides = array<i32>} : memref<1024x64xf32, #tpu.memory_space<vmem>>, vector<16xf32>,
            %add3A_272 = arith.addf %get3A_271, %broadcast_in_dim3A_263 : vector<16xf32>
            %min3A_273 = arith.minimumf %min3A_248, %add3A_272 : vector<16xf32>
            %get3A_274 = arith.index_cast %squeeze3A_260 : i32 to index
            %get3A_275 = arith.constant 32 : index
            %get3A_276 = tpu.vector_load %arg7[%get3A_274, %get3A_275] {strides = array<i32>} : memref<1024x64xf32, #tpu.memory_space<vmem>>, vector<16xf32>,
            %add3A_277 = arith.addf %get3A_276, %broadcast_in_dim3A_263 : vector<16xf32>
            %min3A_278 = arith.minimumf %min3A_253, %add3A_277 : vector<16xf32>
            %get3A_279 = arith.index_cast %squeeze3A_260 : i32 to index
            %get3A_280 = arith.constant 48 : index
            %get3A_281 = tpu.vector_load %arg7[%get3A_279, %get3A_280] {strides = array<i32>} : memref<1024x64xf32, #tpu.memory_space<vmem>>, vector<16xf32>,
            %add3A_282 = arith.addf %get3A_281, %broadcast_in_dim3A_263 : vector<16xf32>
            %min3A_283 = arith.minimumf %min3A_258, %add3A_282 : vector<16xf32>
            %slice3A_284 = vector.extract_strided_slice %get3A_160 {offsets = [5], sizes = [1], strides = [1]} : vector<16xi32> to vector<1xi32>
            %squeeze3A_285 = vector.extract %slice3A_284[0] : i32 from vector<1xi32>
            %slice3A_286 = vector.extract_strided_slice %gather3A {offsets = [5], sizes = [1], strides = [1]} : vector<16xf32> to vector<1xf32>
            %squeeze3A_287 = vector.extract %slice3A_286[0] : f32 from vector<1xf32>
            %broadcast_in_dim3A_288 = vector.broadcast %squeeze3A_287 : f32 to vector<16xf32>
            %get3A_289 = arith.index_cast %squeeze3A_285 : i32 to index
            %get3A_290 = arith.constant 0 : index
            %get3A_291 = tpu.vector_load %arg7[%get3A_289, %get3A_290] {strides = array<i32>} : memref<1024x64xf32, #tpu.memory_space<vmem>>, vector<16xf32>,
            %add3A_292 = arith.addf %get3A_291, %broadcast_in_dim3A_288 : vector<16xf32>
            %min3A_293 = arith.minimumf %min3A_268, %add3A_292 : vector<16xf32>
            %get3A_294 = arith.index_cast %squeeze3A_285 : i32 to index
            %get3A_295 = arith.constant 16 : index
            %get3A_296 = tpu.vector_load %arg7[%get3A_294, %get3A_295] {strides = array<i32>} : memref<1024x64xf32, #tpu.memory_space<vmem>>, vector<16xf32>,
            %add3A_297 = arith.addf %get3A_296, %broadcast_in_dim3A_288 : vector<16xf32>
            %min3A_298 = arith.minimumf %min3A_273, %add3A_297 : vector<16xf32>
            %get3A_299 = arith.index_cast %squeeze3A_285 : i32 to index
            %get3A_300 = arith.constant 32 : index
            %get3A_301 = tpu.vector_load %arg7[%get3A_299, %get3A_300] {strides = array<i32>} : memref<1024x64xf32, #tpu.memory_space<vmem>>, vector<16xf32>,
            %add3A_302 = arith.addf %get3A_301, %broadcast_in_dim3A_288 : vector<16xf32>
            %min3A_303 = arith.minimumf %min3A_278, %add3A_302 : vector<16xf32>
            %get3A_304 = arith.index_cast %squeeze3A_285 : i32 to index
            %get3A_305 = arith.constant 48 : index
            %get3A_306 = tpu.vector_load %arg7[%get3A_304, %get3A_305] {strides = array<i32>} : memref<1024x64xf32, #tpu.memory_space<vmem>>, vector<16xf32>,
            %add3A_307 = arith.addf %get3A_306, %broadcast_in_dim3A_288 : vector<16xf32>
            %min3A_308 = arith.minimumf %min3A_283, %add3A_307 : vector<16xf32>
            %slice3A_309 = vector.extract_strided_slice %get3A_160 {offsets = [6], sizes = [1], strides = [1]} : vector<16xi32> to vector<1xi32>
            %squeeze3A_310 = vector.extract %slice3A_309[0] : i32 from vector<1xi32>
            %slice3A_311 = vector.extract_strided_slice %gather3A {offsets = [6], sizes = [1], strides = [1]} : vector<16xf32> to vector<1xf32>
            %squeeze3A_312 = vector.extract %slice3A_311[0] : f32 from vector<1xf32>
            %broadcast_in_dim3A_313 = vector.broadcast %squeeze3A_312 : f32 to vector<16xf32>
            %get3A_314 = arith.index_cast %squeeze3A_310 : i32 to index
            %get3A_315 = arith.constant 0 : index
            %get3A_316 = tpu.vector_load %arg7[%get3A_314, %get3A_315] {strides = array<i32>} : memref<1024x64xf32, #tpu.memory_space<vmem>>, vector<16xf32>,
            %add3A_317 = arith.addf %get3A_316, %broadcast_in_dim3A_313 : vector<16xf32>
            %min3A_318 = arith.minimumf %min3A_293, %add3A_317 : vector<16xf32>
            %get3A_319 = arith.index_cast %squeeze3A_310 : i32 to index
            %get3A_320 = arith.constant 16 : index
            %get3A_321 = tpu.vector_load %arg7[%get3A_319, %get3A_320] {strides = array<i32>} : memref<1024x64xf32, #tpu.memory_space<vmem>>, vector<16xf32>,
            %add3A_322 = arith.addf %get3A_321, %broadcast_in_dim3A_313 : vector<16xf32>
            %min3A_323 = arith.minimumf %min3A_298, %add3A_322 : vector<16xf32>
            %get3A_324 = arith.index_cast %squeeze3A_310 : i32 to index
            %get3A_325 = arith.constant 32 : index
            %get3A_326 = tpu.vector_load %arg7[%get3A_324, %get3A_325] {strides = array<i32>} : memref<1024x64xf32, #tpu.memory_space<vmem>>, vector<16xf32>,
            %add3A_327 = arith.addf %get3A_326, %broadcast_in_dim3A_313 : vector<16xf32>
            %min3A_328 = arith.minimumf %min3A_303, %add3A_327 : vector<16xf32>
            %get3A_329 = arith.index_cast %squeeze3A_310 : i32 to index
            %get3A_330 = arith.constant 48 : index
            %get3A_331 = tpu.vector_load %arg7[%get3A_329, %get3A_330] {strides = array<i32>} : memref<1024x64xf32, #tpu.memory_space<vmem>>, vector<16xf32>,
            %add3A_332 = arith.addf %get3A_331, %broadcast_in_dim3A_313 : vector<16xf32>
            %min3A_333 = arith.minimumf %min3A_308, %add3A_332 : vector<16xf32>
            %slice3A_334 = vector.extract_strided_slice %get3A_160 {offsets = [7], sizes = [1], strides = [1]} : vector<16xi32> to vector<1xi32>
            %squeeze3A_335 = vector.extract %slice3A_334[0] : i32 from vector<1xi32>
            %slice3A_336 = vector.extract_strided_slice %gather3A {offsets = [7], sizes = [1], strides = [1]} : vector<16xf32> to vector<1xf32>
            %squeeze3A_337 = vector.extract %slice3A_336[0] : f32 from vector<1xf32>
            %broadcast_in_dim3A_338 = vector.broadcast %squeeze3A_337 : f32 to vector<16xf32>
            %get3A_339 = arith.index_cast %squeeze3A_335 : i32 to index
            %get3A_340 = arith.constant 0 : index
            %get3A_341 = tpu.vector_load %arg7[%get3A_339, %get3A_340] {strides = array<i32>} : memref<1024x64xf32, #tpu.memory_space<vmem>>, vector<16xf32>,
            %add3A_342 = arith.addf %get3A_341, %broadcast_in_dim3A_338 : vector<16xf32>
            %min3A_343 = arith.minimumf %min3A_318, %add3A_342 : vector<16xf32>
            %get3A_344 = arith.index_cast %squeeze3A_335 : i32 to index
            %get3A_345 = arith.constant 16 : index
            %get3A_346 = tpu.vector_load %arg7[%get3A_344, %get3A_345] {strides = array<i32>} : memref<1024x64xf32, #tpu.memory_space<vmem>>, vector<16xf32>,
            %add3A_347 = arith.addf %get3A_346, %broadcast_in_dim3A_338 : vector<16xf32>
            %min3A_348 = arith.minimumf %min3A_323, %add3A_347 : vector<16xf32>
            %get3A_349 = arith.index_cast %squeeze3A_335 : i32 to index
            %get3A_350 = arith.constant 32 : index
            %get3A_351 = tpu.vector_load %arg7[%get3A_349, %get3A_350] {strides = array<i32>} : memref<1024x64xf32, #tpu.memory_space<vmem>>, vector<16xf32>,
            %add3A_352 = arith.addf %get3A_351, %broadcast_in_dim3A_338 : vector<16xf32>
            %min3A_353 = arith.minimumf %min3A_328, %add3A_352 : vector<16xf32>
            %get3A_354 = arith.index_cast %squeeze3A_335 : i32 to index
            %get3A_355 = arith.constant 48 : index
            %get3A_356 = tpu.vector_load %arg7[%get3A_354, %get3A_355] {strides = array<i32>} : memref<1024x64xf32, #tpu.memory_space<vmem>>, vector<16xf32>,
            %add3A_357 = arith.addf %get3A_356, %broadcast_in_dim3A_338 : vector<16xf32>
            %min3A_358 = arith.minimumf %min3A_333, %add3A_357 : vector<16xf32>
            %slice3A_359 = vector.extract_strided_slice %get3A_160 {offsets = [8], sizes = [1], strides = [1]} : vector<16xi32> to vector<1xi32>
            %squeeze3A_360 = vector.extract %slice3A_359[0] : i32 from vector<1xi32>
            %slice3A_361 = vector.extract_strided_slice %gather3A {offsets = [8], sizes = [1], strides = [1]} : vector<16xf32> to vector<1xf32>
            %squeeze3A_362 = vector.extract %slice3A_361[0] : f32 from vector<1xf32>
            %broadcast_in_dim3A_363 = vector.broadcast %squeeze3A_362 : f32 to vector<16xf32>
            %get3A_364 = arith.index_cast %squeeze3A_360 : i32 to index
            %get3A_365 = arith.constant 0 : index
            %get3A_366 = tpu.vector_load %arg7[%get3A_364, %get3A_365] {strides = array<i32>} : memref<1024x64xf32, #tpu.memory_space<vmem>>, vector<16xf32>,
            %add3A_367 = arith.addf %get3A_366, %broadcast_in_dim3A_363 : vector<16xf32>
            %min3A_368 = arith.minimumf %min3A_343, %add3A_367 : vector<16xf32>
            %get3A_369 = arith.index_cast %squeeze3A_360 : i32 to index
            %get3A_370 = arith.constant 16 : index
            %get3A_371 = tpu.vector_load %arg7[%get3A_369, %get3A_370] {strides = array<i32>} : memref<1024x64xf32, #tpu.memory_space<vmem>>, vector<16xf32>,
            %add3A_372 = arith.addf %get3A_371, %broadcast_in_dim3A_363 : vector<16xf32>
            %min3A_373 = arith.minimumf %min3A_348, %add3A_372 : vector<16xf32>
            %get3A_374 = arith.index_cast %squeeze3A_360 : i32 to index
            %get3A_375 = arith.constant 32 : index
            %get3A_376 = tpu.vector_load %arg7[%get3A_374, %get3A_375] {strides = array<i32>} : memref<1024x64xf32, #tpu.memory_space<vmem>>, vector<16xf32>,
            %add3A_377 = arith.addf %get3A_376, %broadcast_in_dim3A_363 : vector<16xf32>
            %min3A_378 = arith.minimumf %min3A_353, %add3A_377 : vector<16xf32>
            %get3A_379 = arith.index_cast %squeeze3A_360 : i32 to index
            %get3A_380 = arith.constant 48 : index
            %get3A_381 = tpu.vector_load %arg7[%get3A_379, %get3A_380] {strides = array<i32>} : memref<1024x64xf32, #tpu.memory_space<vmem>>, vector<16xf32>,
            %add3A_382 = arith.addf %get3A_381, %broadcast_in_dim3A_363 : vector<16xf32>
            %min3A_383 = arith.minimumf %min3A_358, %add3A_382 : vector<16xf32>
            %slice3A_384 = vector.extract_strided_slice %get3A_160 {offsets = [9], sizes = [1], strides = [1]} : vector<16xi32> to vector<1xi32>
            %squeeze3A_385 = vector.extract %slice3A_384[0] : i32 from vector<1xi32>
            %slice3A_386 = vector.extract_strided_slice %gather3A {offsets = [9], sizes = [1], strides = [1]} : vector<16xf32> to vector<1xf32>
            %squeeze3A_387 = vector.extract %slice3A_386[0] : f32 from vector<1xf32>
            %broadcast_in_dim3A_388 = vector.broadcast %squeeze3A_387 : f32 to vector<16xf32>
            %get3A_389 = arith.index_cast %squeeze3A_385 : i32 to index
            %get3A_390 = arith.constant 0 : index
            %get3A_391 = tpu.vector_load %arg7[%get3A_389, %get3A_390] {strides = array<i32>} : memref<1024x64xf32, #tpu.memory_space<vmem>>, vector<16xf32>,
            %add3A_392 = arith.addf %get3A_391, %broadcast_in_dim3A_388 : vector<16xf32>
            %min3A_393 = arith.minimumf %min3A_368, %add3A_392 : vector<16xf32>
            %get3A_394 = arith.index_cast %squeeze3A_385 : i32 to index
            %get3A_395 = arith.constant 16 : index
            %get3A_396 = tpu.vector_load %arg7[%get3A_394, %get3A_395] {strides = array<i32>} : memref<1024x64xf32, #tpu.memory_space<vmem>>, vector<16xf32>,
            %add3A_397 = arith.addf %get3A_396, %broadcast_in_dim3A_388 : vector<16xf32>
            %min3A_398 = arith.minimumf %min3A_373, %add3A_397 : vector<16xf32>
            %get3A_399 = arith.index_cast %squeeze3A_385 : i32 to index
            %get3A_400 = arith.constant 32 : index
            %get3A_401 = tpu.vector_load %arg7[%get3A_399, %get3A_400] {strides = array<i32>} : memref<1024x64xf32, #tpu.memory_space<vmem>>, vector<16xf32>,
            %add3A_402 = arith.addf %get3A_401, %broadcast_in_dim3A_388 : vector<16xf32>
            %min3A_403 = arith.minimumf %min3A_378, %add3A_402 : vector<16xf32>
            %get3A_404 = arith.index_cast %squeeze3A_385 : i32 to index
            %get3A_405 = arith.constant 48 : index
            %get3A_406 = tpu.vector_load %arg7[%get3A_404, %get3A_405] {strides = array<i32>} : memref<1024x64xf32, #tpu.memory_space<vmem>>, vector<16xf32>,
            %add3A_407 = arith.addf %get3A_406, %broadcast_in_dim3A_388 : vector<16xf32>
            %min3A_408 = arith.minimumf %min3A_383, %add3A_407 : vector<16xf32>
            %slice3A_409 = vector.extract_strided_slice %get3A_160 {offsets = [10], sizes = [1], strides = [1]} : vector<16xi32> to vector<1xi32>
            %squeeze3A_410 = vector.extract %slice3A_409[0] : i32 from vector<1xi32>
            %slice3A_411 = vector.extract_strided_slice %gather3A {offsets = [10], sizes = [1], strides = [1]} : vector<16xf32> to vector<1xf32>
            %squeeze3A_412 = vector.extract %slice3A_411[0] : f32 from vector<1xf32>
            %broadcast_in_dim3A_413 = vector.broadcast %squeeze3A_412 : f32 to vector<16xf32>
            %get3A_414 = arith.index_cast %squeeze3A_410 : i32 to index
            %get3A_415 = arith.constant 0 : index
            %get3A_416 = tpu.vector_load %arg7[%get3A_414, %get3A_415] {strides = array<i32>} : memref<1024x64xf32, #tpu.memory_space<vmem>>, vector<16xf32>,
            %add3A_417 = arith.addf %get3A_416, %broadcast_in_dim3A_413 : vector<16xf32>
            %min3A_418 = arith.minimumf %min3A_393, %add3A_417 : vector<16xf32>
            %get3A_419 = arith.index_cast %squeeze3A_410 : i32 to index
            %get3A_420 = arith.constant 16 : index
            %get3A_421 = tpu.vector_load %arg7[%get3A_419, %get3A_420] {strides = array<i32>} : memref<1024x64xf32, #tpu.memory_space<vmem>>, vector<16xf32>,
            %add3A_422 = arith.addf %get3A_421, %broadcast_in_dim3A_413 : vector<16xf32>
            %min3A_423 = arith.minimumf %min3A_398, %add3A_422 : vector<16xf32>
            %get3A_424 = arith.index_cast %squeeze3A_410 : i32 to index
            %get3A_425 = arith.constant 32 : index
            %get3A_426 = tpu.vector_load %arg7[%get3A_424, %get3A_425] {strides = array<i32>} : memref<1024x64xf32, #tpu.memory_space<vmem>>, vector<16xf32>,
            %add3A_427 = arith.addf %get3A_426, %broadcast_in_dim3A_413 : vector<16xf32>
            %min3A_428 = arith.minimumf %min3A_403, %add3A_427 : vector<16xf32>
            %get3A_429 = arith.index_cast %squeeze3A_410 : i32 to index
            %get3A_430 = arith.constant 48 : index
            %get3A_431 = tpu.vector_load %arg7[%get3A_429, %get3A_430] {strides = array<i32>} : memref<1024x64xf32, #tpu.memory_space<vmem>>, vector<16xf32>,
            %add3A_432 = arith.addf %get3A_431, %broadcast_in_dim3A_413 : vector<16xf32>
            %min3A_433 = arith.minimumf %min3A_408, %add3A_432 : vector<16xf32>
            %slice3A_434 = vector.extract_strided_slice %get3A_160 {offsets = [11], sizes = [1], strides = [1]} : vector<16xi32> to vector<1xi32>
            %squeeze3A_435 = vector.extract %slice3A_434[0] : i32 from vector<1xi32>
            %slice3A_436 = vector.extract_strided_slice %gather3A {offsets = [11], sizes = [1], strides = [1]} : vector<16xf32> to vector<1xf32>
            %squeeze3A_437 = vector.extract %slice3A_436[0] : f32 from vector<1xf32>
            %broadcast_in_dim3A_438 = vector.broadcast %squeeze3A_437 : f32 to vector<16xf32>
            %get3A_439 = arith.index_cast %squeeze3A_435 : i32 to index
            %get3A_440 = arith.constant 0 : index
            %get3A_441 = tpu.vector_load %arg7[%get3A_439, %get3A_440] {strides = array<i32>} : memref<1024x64xf32, #tpu.memory_space<vmem>>, vector<16xf32>,
            %add3A_442 = arith.addf %get3A_441, %broadcast_in_dim3A_438 : vector<16xf32>
            %min3A_443 = arith.minimumf %min3A_418, %add3A_442 : vector<16xf32>
            %get3A_444 = arith.index_cast %squeeze3A_435 : i32 to index
            %get3A_445 = arith.constant 16 : index
            %get3A_446 = tpu.vector_load %arg7[%get3A_444, %get3A_445] {strides = array<i32>} : memref<1024x64xf32, #tpu.memory_space<vmem>>, vector<16xf32>,
            %add3A_447 = arith.addf %get3A_446, %broadcast_in_dim3A_438 : vector<16xf32>
            %min3A_448 = arith.minimumf %min3A_423, %add3A_447 : vector<16xf32>
            %get3A_449 = arith.index_cast %squeeze3A_435 : i32 to index
            %get3A_450 = arith.constant 32 : index
            %get3A_451 = tpu.vector_load %arg7[%get3A_449, %get3A_450] {strides = array<i32>} : memref<1024x64xf32, #tpu.memory_space<vmem>>, vector<16xf32>,
            %add3A_452 = arith.addf %get3A_451, %broadcast_in_dim3A_438 : vector<16xf32>
            %min3A_453 = arith.minimumf %min3A_428, %add3A_452 : vector<16xf32>
            %get3A_454 = arith.index_cast %squeeze3A_435 : i32 to index
            %get3A_455 = arith.constant 48 : index
            %get3A_456 = tpu.vector_load %arg7[%get3A_454, %get3A_455] {strides = array<i32>} : memref<1024x64xf32, #tpu.memory_space<vmem>>, vector<16xf32>,
            %add3A_457 = arith.addf %get3A_456, %broadcast_in_dim3A_438 : vector<16xf32>
            %min3A_458 = arith.minimumf %min3A_433, %add3A_457 : vector<16xf32>
            %slice3A_459 = vector.extract_strided_slice %get3A_160 {offsets = [12], sizes = [1], strides = [1]} : vector<16xi32> to vector<1xi32>
            %squeeze3A_460 = vector.extract %slice3A_459[0] : i32 from vector<1xi32>
            %slice3A_461 = vector.extract_strided_slice %gather3A {offsets = [12], sizes = [1], strides = [1]} : vector<16xf32> to vector<1xf32>
            %squeeze3A_462 = vector.extract %slice3A_461[0] : f32 from vector<1xf32>
            %broadcast_in_dim3A_463 = vector.broadcast %squeeze3A_462 : f32 to vector<16xf32>
            %get3A_464 = arith.index_cast %squeeze3A_460 : i32 to index
            %get3A_465 = arith.constant 0 : index
            %get3A_466 = tpu.vector_load %arg7[%get3A_464, %get3A_465] {strides = array<i32>} : memref<1024x64xf32, #tpu.memory_space<vmem>>, vector<16xf32>,
            %add3A_467 = arith.addf %get3A_466, %broadcast_in_dim3A_463 : vector<16xf32>
            %min3A_468 = arith.minimumf %min3A_443, %add3A_467 : vector<16xf32>
            %get3A_469 = arith.index_cast %squeeze3A_460 : i32 to index
            %get3A_470 = arith.constant 16 : index
            %get3A_471 = tpu.vector_load %arg7[%get3A_469, %get3A_470] {strides = array<i32>} : memref<1024x64xf32, #tpu.memory_space<vmem>>, vector<16xf32>,
            %add3A_472 = arith.addf %get3A_471, %broadcast_in_dim3A_463 : vector<16xf32>
            %min3A_473 = arith.minimumf %min3A_448, %add3A_472 : vector<16xf32>
            %get3A_474 = arith.index_cast %squeeze3A_460 : i32 to index
            %get3A_475 = arith.constant 32 : index
            %get3A_476 = tpu.vector_load %arg7[%get3A_474, %get3A_475] {strides = array<i32>} : memref<1024x64xf32, #tpu.memory_space<vmem>>, vector<16xf32>,
            %add3A_477 = arith.addf %get3A_476, %broadcast_in_dim3A_463 : vector<16xf32>
            %min3A_478 = arith.minimumf %min3A_453, %add3A_477 : vector<16xf32>
            %get3A_479 = arith.index_cast %squeeze3A_460 : i32 to index
            %get3A_480 = arith.constant 48 : index
            %get3A_481 = tpu.vector_load %arg7[%get3A_479, %get3A_480] {strides = array<i32>} : memref<1024x64xf32, #tpu.memory_space<vmem>>, vector<16xf32>,
            %add3A_482 = arith.addf %get3A_481, %broadcast_in_dim3A_463 : vector<16xf32>
            %min3A_483 = arith.minimumf %min3A_458, %add3A_482 : vector<16xf32>
            %slice3A_484 = vector.extract_strided_slice %get3A_160 {offsets = [13], sizes = [1], strides = [1]} : vector<16xi32> to vector<1xi32>
            %squeeze3A_485 = vector.extract %slice3A_484[0] : i32 from vector<1xi32>
            %slice3A_486 = vector.extract_strided_slice %gather3A {offsets = [13], sizes = [1], strides = [1]} : vector<16xf32> to vector<1xf32>
            %squeeze3A_487 = vector.extract %slice3A_486[0] : f32 from vector<1xf32>
            %broadcast_in_dim3A_488 = vector.broadcast %squeeze3A_487 : f32 to vector<16xf32>
            %get3A_489 = arith.index_cast %squeeze3A_485 : i32 to index
            %get3A_490 = arith.constant 0 : index
            %get3A_491 = tpu.vector_load %arg7[%get3A_489, %get3A_490] {strides = array<i32>} : memref<1024x64xf32, #tpu.memory_space<vmem>>, vector<16xf32>,
            %add3A_492 = arith.addf %get3A_491, %broadcast_in_dim3A_488 : vector<16xf32>
            %min3A_493 = arith.minimumf %min3A_468, %add3A_492 : vector<16xf32>
            %get3A_494 = arith.index_cast %squeeze3A_485 : i32 to index
            %get3A_495 = arith.constant 16 : index
            %get3A_496 = tpu.vector_load %arg7[%get3A_494, %get3A_495] {strides = array<i32>} : memref<1024x64xf32, #tpu.memory_space<vmem>>, vector<16xf32>,
            %add3A_497 = arith.addf %get3A_496, %broadcast_in_dim3A_488 : vector<16xf32>
            %min3A_498 = arith.minimumf %min3A_473, %add3A_497 : vector<16xf32>
            %get3A_499 = arith.index_cast %squeeze3A_485 : i32 to index
            %get3A_500 = arith.constant 32 : index
            %get3A_501 = tpu.vector_load %arg7[%get3A_499, %get3A_500] {strides = array<i32>} : memref<1024x64xf32, #tpu.memory_space<vmem>>, vector<16xf32>,
            %add3A_502 = arith.addf %get3A_501, %broadcast_in_dim3A_488 : vector<16xf32>
            %min3A_503 = arith.minimumf %min3A_478, %add3A_502 : vector<16xf32>
            %get3A_504 = arith.index_cast %squeeze3A_485 : i32 to index
            %get3A_505 = arith.constant 48 : index
            %get3A_506 = tpu.vector_load %arg7[%get3A_504, %get3A_505] {strides = array<i32>} : memref<1024x64xf32, #tpu.memory_space<vmem>>, vector<16xf32>,
            %add3A_507 = arith.addf %get3A_506, %broadcast_in_dim3A_488 : vector<16xf32>
            %min3A_508 = arith.minimumf %min3A_483, %add3A_507 : vector<16xf32>
            %slice3A_509 = vector.extract_strided_slice %get3A_160 {offsets = [14], sizes = [1], strides = [1]} : vector<16xi32> to vector<1xi32>
            %squeeze3A_510 = vector.extract %slice3A_509[0] : i32 from vector<1xi32>
            %slice3A_511 = vector.extract_strided_slice %gather3A {offsets = [14], sizes = [1], strides = [1]} : vector<16xf32> to vector<1xf32>
            %squeeze3A_512 = vector.extract %slice3A_511[0] : f32 from vector<1xf32>
            %broadcast_in_dim3A_513 = vector.broadcast %squeeze3A_512 : f32 to vector<16xf32>
            %get3A_514 = arith.index_cast %squeeze3A_510 : i32 to index
            %get3A_515 = arith.constant 0 : index
            %get3A_516 = tpu.vector_load %arg7[%get3A_514, %get3A_515] {strides = array<i32>} : memref<1024x64xf32, #tpu.memory_space<vmem>>, vector<16xf32>,
            %add3A_517 = arith.addf %get3A_516, %broadcast_in_dim3A_513 : vector<16xf32>
            %min3A_518 = arith.minimumf %min3A_493, %add3A_517 : vector<16xf32>
            %get3A_519 = arith.index_cast %squeeze3A_510 : i32 to index
            %get3A_520 = arith.constant 16 : index
            %get3A_521 = tpu.vector_load %arg7[%get3A_519, %get3A_520] {strides = array<i32>} : memref<1024x64xf32, #tpu.memory_space<vmem>>, vector<16xf32>,
            %add3A_522 = arith.addf %get3A_521, %broadcast_in_dim3A_513 : vector<16xf32>
            %min3A_523 = arith.minimumf %min3A_498, %add3A_522 : vector<16xf32>
            %get3A_524 = arith.index_cast %squeeze3A_510 : i32 to index
            %get3A_525 = arith.constant 32 : index
            %get3A_526 = tpu.vector_load %arg7[%get3A_524, %get3A_525] {strides = array<i32>} : memref<1024x64xf32, #tpu.memory_space<vmem>>, vector<16xf32>,
            %add3A_527 = arith.addf %get3A_526, %broadcast_in_dim3A_513 : vector<16xf32>
            %min3A_528 = arith.minimumf %min3A_503, %add3A_527 : vector<16xf32>
            %get3A_529 = arith.index_cast %squeeze3A_510 : i32 to index
            %get3A_530 = arith.constant 48 : index
            %get3A_531 = tpu.vector_load %arg7[%get3A_529, %get3A_530] {strides = array<i32>} : memref<1024x64xf32, #tpu.memory_space<vmem>>, vector<16xf32>,
            %add3A_532 = arith.addf %get3A_531, %broadcast_in_dim3A_513 : vector<16xf32>
            %min3A_533 = arith.minimumf %min3A_508, %add3A_532 : vector<16xf32>
            %slice3A_534 = vector.extract_strided_slice %get3A_160 {offsets = [15], sizes = [1], strides = [1]} : vector<16xi32> to vector<1xi32>
            %squeeze3A_535 = vector.extract %slice3A_534[0] : i32 from vector<1xi32>
            %slice3A_536 = vector.extract_strided_slice %gather3A {offsets = [15], sizes = [1], strides = [1]} : vector<16xf32> to vector<1xf32>
            %squeeze3A_537 = vector.extract %slice3A_536[0] : f32 from vector<1xf32>
            %broadcast_in_dim3A_538 = vector.broadcast %squeeze3A_537 : f32 to vector<16xf32>
            %get3A_539 = arith.index_cast %squeeze3A_535 : i32 to index
            %get3A_540 = arith.constant 0 : index
            %get3A_541 = tpu.vector_load %arg7[%get3A_539, %get3A_540] {strides = array<i32>} : memref<1024x64xf32, #tpu.memory_space<vmem>>, vector<16xf32>,
            %add3A_542 = arith.addf %get3A_541, %broadcast_in_dim3A_538 : vector<16xf32>
            %min3A_543 = arith.minimumf %min3A_518, %add3A_542 : vector<16xf32>
            %get3A_544 = arith.index_cast %squeeze3A_535 : i32 to index
            %get3A_545 = arith.constant 16 : index
            %get3A_546 = tpu.vector_load %arg7[%get3A_544, %get3A_545] {strides = array<i32>} : memref<1024x64xf32, #tpu.memory_space<vmem>>, vector<16xf32>,
            %add3A_547 = arith.addf %get3A_546, %broadcast_in_dim3A_538 : vector<16xf32>
            %min3A_548 = arith.minimumf %min3A_523, %add3A_547 : vector<16xf32>
            %get3A_549 = arith.index_cast %squeeze3A_535 : i32 to index
            %get3A_550 = arith.constant 32 : index
            %get3A_551 = tpu.vector_load %arg7[%get3A_549, %get3A_550] {strides = array<i32>} : memref<1024x64xf32, #tpu.memory_space<vmem>>, vector<16xf32>,
            %add3A_552 = arith.addf %get3A_551, %broadcast_in_dim3A_538 : vector<16xf32>
            %min3A_553 = arith.minimumf %min3A_528, %add3A_552 : vector<16xf32>
            %get3A_554 = arith.index_cast %squeeze3A_535 : i32 to index
            %get3A_555 = arith.constant 48 : index
            %get3A_556 = tpu.vector_load %arg7[%get3A_554, %get3A_555] {strides = array<i32>} : memref<1024x64xf32, #tpu.memory_space<vmem>>, vector<16xf32>,
            %add3A_557 = arith.addf %get3A_556, %broadcast_in_dim3A_538 : vector<16xf32>
            %min3A_558 = arith.minimumf %min3A_533, %add3A_557 : vector<16xf32>
            scf.yield %min3A_543, %min3A_548, %min3A_553, %min3A_558 : vector<16xf32>, vector<16xf32>, vector<16xf32>, vector<16xf32>
          }
          %while3A_106 = arith.constant 1 : i32
          %while3A_107:4 = scf.for %while3A_152 = %while3A_103 to %while3A_99 step %while3A_106 iter_args(%while3A_153 = %while3A_105#0, %while3A_154 = %while3A_105#1, %while3A_155 = %while3A_105#2, %while3A_156 = %while3A_105#3) -> (vector<16xf32>, vector<16xf32>, vector<16xf32>, vector<16xf32>)  : i32 {
            %mul3A_157 = arith.constant 16 : i32
            %mul3A_158 = arith.muli %while3A_152, %mul3A_157 : i32
            %get3A_159 = arith.index_cast %mul3A_158 : i32 to index
            %get3A_160 = tpu.vector_load %arg13[%get3A_159] {strides = array<i32>} : memref<1024xi32, #tpu.memory_space<vmem>>, vector<16xi32>,
            %gather3A = tpu.vector_load_idx %arg8[%get3A_160] : memref<1024xf32, #tpu.memory_space<vmem>>[vector<16xi32>], vector<16xf32>,
            %slice3A = vector.extract_strided_slice %get3A_160 {offsets = [0], sizes = [1], strides = [1]} : vector<16xi32> to vector<1xi32>
            %squeeze3A = vector.extract %slice3A[0] : i32 from vector<1xi32>
            %slice3A_161 = vector.extract_strided_slice %gather3A {offsets = [0], sizes = [1], strides = [1]} : vector<16xf32> to vector<1xf32>
            %squeeze3A_162 = vector.extract %slice3A_161[0] : f32 from vector<1xf32>
            %broadcast_in_dim3A_163 = vector.broadcast %squeeze3A_162 : f32 to vector<16xf32>
            %get3A_164 = arith.index_cast %squeeze3A : i32 to index
            %get3A_165 = arith.constant 0 : index
            %get3A_166 = tpu.vector_load %arg7[%get3A_164, %get3A_165] {strides = array<i32>} : memref<1024x64xf32, #tpu.memory_space<vmem>>, vector<16xf32>,
            %add3A_167 = arith.addf %get3A_166, %broadcast_in_dim3A_163 : vector<16xf32>
            %min3A_168 = arith.minimumf %while3A_153, %add3A_167 : vector<16xf32>
            %get3A_169 = arith.index_cast %squeeze3A : i32 to index
            %get3A_170 = arith.constant 16 : index
            %get3A_171 = tpu.vector_load %arg7[%get3A_169, %get3A_170] {strides = array<i32>} : memref<1024x64xf32, #tpu.memory_space<vmem>>, vector<16xf32>,
            %add3A_172 = arith.addf %get3A_171, %broadcast_in_dim3A_163 : vector<16xf32>
            %min3A_173 = arith.minimumf %while3A_154, %add3A_172 : vector<16xf32>
            %get3A_174 = arith.index_cast %squeeze3A : i32 to index
            %get3A_175 = arith.constant 32 : index
            %get3A_176 = tpu.vector_load %arg7[%get3A_174, %get3A_175] {strides = array<i32>} : memref<1024x64xf32, #tpu.memory_space<vmem>>, vector<16xf32>,
            %add3A_177 = arith.addf %get3A_176, %broadcast_in_dim3A_163 : vector<16xf32>
            %min3A_178 = arith.minimumf %while3A_155, %add3A_177 : vector<16xf32>
            %get3A_179 = arith.index_cast %squeeze3A : i32 to index
            %get3A_180 = arith.constant 48 : index
            %get3A_181 = tpu.vector_load %arg7[%get3A_179, %get3A_180] {strides = array<i32>} : memref<1024x64xf32, #tpu.memory_space<vmem>>, vector<16xf32>,
            %add3A_182 = arith.addf %get3A_181, %broadcast_in_dim3A_163 : vector<16xf32>
            %min3A_183 = arith.minimumf %while3A_156, %add3A_182 : vector<16xf32>
            %slice3A_184 = vector.extract_strided_slice %get3A_160 {offsets = [1], sizes = [1], strides = [1]} : vector<16xi32> to vector<1xi32>
            %squeeze3A_185 = vector.extract %slice3A_184[0] : i32 from vector<1xi32>
            %slice3A_186 = vector.extract_strided_slice %gather3A {offsets = [1], sizes = [1], strides = [1]} : vector<16xf32> to vector<1xf32>
            %squeeze3A_187 = vector.extract %slice3A_186[0] : f32 from vector<1xf32>
            %broadcast_in_dim3A_188 = vector.broadcast %squeeze3A_187 : f32 to vector<16xf32>
            %get3A_189 = arith.index_cast %squeeze3A_185 : i32 to index
            %get3A_190 = arith.constant 0 : index
            %get3A_191 = tpu.vector_load %arg7[%get3A_189, %get3A_190] {strides = array<i32>} : memref<1024x64xf32, #tpu.memory_space<vmem>>, vector<16xf32>,
            %add3A_192 = arith.addf %get3A_191, %broadcast_in_dim3A_188 : vector<16xf32>
            %min3A_193 = arith.minimumf %min3A_168, %add3A_192 : vector<16xf32>
            %get3A_194 = arith.index_cast %squeeze3A_185 : i32 to index
            %get3A_195 = arith.constant 16 : index
            %get3A_196 = tpu.vector_load %arg7[%get3A_194, %get3A_195] {strides = array<i32>} : memref<1024x64xf32, #tpu.memory_space<vmem>>, vector<16xf32>,
            %add3A_197 = arith.addf %get3A_196, %broadcast_in_dim3A_188 : vector<16xf32>
            %min3A_198 = arith.minimumf %min3A_173, %add3A_197 : vector<16xf32>
            %get3A_199 = arith.index_cast %squeeze3A_185 : i32 to index
            %get3A_200 = arith.constant 32 : index
            %get3A_201 = tpu.vector_load %arg7[%get3A_199, %get3A_200] {strides = array<i32>} : memref<1024x64xf32, #tpu.memory_space<vmem>>, vector<16xf32>,
            %add3A_202 = arith.addf %get3A_201, %broadcast_in_dim3A_188 : vector<16xf32>
            %min3A_203 = arith.minimumf %min3A_178, %add3A_202 : vector<16xf32>
            %get3A_204 = arith.index_cast %squeeze3A_185 : i32 to index
            %get3A_205 = arith.constant 48 : index
            %get3A_206 = tpu.vector_load %arg7[%get3A_204, %get3A_205] {strides = array<i32>} : memref<1024x64xf32, #tpu.memory_space<vmem>>, vector<16xf32>,
            %add3A_207 = arith.addf %get3A_206, %broadcast_in_dim3A_188 : vector<16xf32>
            %min3A_208 = arith.minimumf %min3A_183, %add3A_207 : vector<16xf32>
            %slice3A_209 = vector.extract_strided_slice %get3A_160 {offsets = [2], sizes = [1], strides = [1]} : vector<16xi32> to vector<1xi32>
            %squeeze3A_210 = vector.extract %slice3A_209[0] : i32 from vector<1xi32>
            %slice3A_211 = vector.extract_strided_slice %gather3A {offsets = [2], sizes = [1], strides = [1]} : vector<16xf32> to vector<1xf32>
            %squeeze3A_212 = vector.extract %slice3A_211[0] : f32 from vector<1xf32>
            %broadcast_in_dim3A_213 = vector.broadcast %squeeze3A_212 : f32 to vector<16xf32>
            %get3A_214 = arith.index_cast %squeeze3A_210 : i32 to index
            %get3A_215 = arith.constant 0 : index
            %get3A_216 = tpu.vector_load %arg7[%get3A_214, %get3A_215] {strides = array<i32>} : memref<1024x64xf32, #tpu.memory_space<vmem>>, vector<16xf32>,
            %add3A_217 = arith.addf %get3A_216, %broadcast_in_dim3A_213 : vector<16xf32>
            %min3A_218 = arith.minimumf %min3A_193, %add3A_217 : vector<16xf32>
            %get3A_219 = arith.index_cast %squeeze3A_210 : i32 to index
            %get3A_220 = arith.constant 16 : index
            %get3A_221 = tpu.vector_load %arg7[%get3A_219, %get3A_220] {strides = array<i32>} : memref<1024x64xf32, #tpu.memory_space<vmem>>, vector<16xf32>,
            %add3A_222 = arith.addf %get3A_221, %broadcast_in_dim3A_213 : vector<16xf32>
            %min3A_223 = arith.minimumf %min3A_198, %add3A_222 : vector<16xf32>
            %get3A_224 = arith.index_cast %squeeze3A_210 : i32 to index
            %get3A_225 = arith.constant 32 : index
            %get3A_226 = tpu.vector_load %arg7[%get3A_224, %get3A_225] {strides = array<i32>} : memref<1024x64xf32, #tpu.memory_space<vmem>>, vector<16xf32>,
            %add3A_227 = arith.addf %get3A_226, %broadcast_in_dim3A_213 : vector<16xf32>
            %min3A_228 = arith.minimumf %min3A_203, %add3A_227 : vector<16xf32>
            %get3A_229 = arith.index_cast %squeeze3A_210 : i32 to index
            %get3A_230 = arith.constant 48 : index
            %get3A_231 = tpu.vector_load %arg7[%get3A_229, %get3A_230] {strides = array<i32>} : memref<1024x64xf32, #tpu.memory_space<vmem>>, vector<16xf32>,
            %add3A_232 = arith.addf %get3A_231, %broadcast_in_dim3A_213 : vector<16xf32>
            %min3A_233 = arith.minimumf %min3A_208, %add3A_232 : vector<16xf32>
            %slice3A_234 = vector.extract_strided_slice %get3A_160 {offsets = [3], sizes = [1], strides = [1]} : vector<16xi32> to vector<1xi32>
            %squeeze3A_235 = vector.extract %slice3A_234[0] : i32 from vector<1xi32>
            %slice3A_236 = vector.extract_strided_slice %gather3A {offsets = [3], sizes = [1], strides = [1]} : vector<16xf32> to vector<1xf32>
            %squeeze3A_237 = vector.extract %slice3A_236[0] : f32 from vector<1xf32>
            %broadcast_in_dim3A_238 = vector.broadcast %squeeze3A_237 : f32 to vector<16xf32>
            %get3A_239 = arith.index_cast %squeeze3A_235 : i32 to index
            %get3A_240 = arith.constant 0 : index
            %get3A_241 = tpu.vector_load %arg7[%get3A_239, %get3A_240] {strides = array<i32>} : memref<1024x64xf32, #tpu.memory_space<vmem>>, vector<16xf32>,
            %add3A_242 = arith.addf %get3A_241, %broadcast_in_dim3A_238 : vector<16xf32>
            %min3A_243 = arith.minimumf %min3A_218, %add3A_242 : vector<16xf32>
            %get3A_244 = arith.index_cast %squeeze3A_235 : i32 to index
            %get3A_245 = arith.constant 16 : index
            %get3A_246 = tpu.vector_load %arg7[%get3A_244, %get3A_245] {strides = array<i32>} : memref<1024x64xf32, #tpu.memory_space<vmem>>, vector<16xf32>,
            %add3A_247 = arith.addf %get3A_246, %broadcast_in_dim3A_238 : vector<16xf32>
            %min3A_248 = arith.minimumf %min3A_223, %add3A_247 : vector<16xf32>
            %get3A_249 = arith.index_cast %squeeze3A_235 : i32 to index
            %get3A_250 = arith.constant 32 : index
            %get3A_251 = tpu.vector_load %arg7[%get3A_249, %get3A_250] {strides = array<i32>} : memref<1024x64xf32, #tpu.memory_space<vmem>>, vector<16xf32>,
            %add3A_252 = arith.addf %get3A_251, %broadcast_in_dim3A_238 : vector<16xf32>
            %min3A_253 = arith.minimumf %min3A_228, %add3A_252 : vector<16xf32>
            %get3A_254 = arith.index_cast %squeeze3A_235 : i32 to index
            %get3A_255 = arith.constant 48 : index
            %get3A_256 = tpu.vector_load %arg7[%get3A_254, %get3A_255] {strides = array<i32>} : memref<1024x64xf32, #tpu.memory_space<vmem>>, vector<16xf32>,
            %add3A_257 = arith.addf %get3A_256, %broadcast_in_dim3A_238 : vector<16xf32>
            %min3A_258 = arith.minimumf %min3A_233, %add3A_257 : vector<16xf32>
            %slice3A_259 = vector.extract_strided_slice %get3A_160 {offsets = [4], sizes = [1], strides = [1]} : vector<16xi32> to vector<1xi32>
            %squeeze3A_260 = vector.extract %slice3A_259[0] : i32 from vector<1xi32>
            %slice3A_261 = vector.extract_strided_slice %gather3A {offsets = [4], sizes = [1], strides = [1]} : vector<16xf32> to vector<1xf32>
            %squeeze3A_262 = vector.extract %slice3A_261[0] : f32 from vector<1xf32>
            %broadcast_in_dim3A_263 = vector.broadcast %squeeze3A_262 : f32 to vector<16xf32>
            %get3A_264 = arith.index_cast %squeeze3A_260 : i32 to index
            %get3A_265 = arith.constant 0 : index
            %get3A_266 = tpu.vector_load %arg7[%get3A_264, %get3A_265] {strides = array<i32>} : memref<1024x64xf32, #tpu.memory_space<vmem>>, vector<16xf32>,
            %add3A_267 = arith.addf %get3A_266, %broadcast_in_dim3A_263 : vector<16xf32>
            %min3A_268 = arith.minimumf %min3A_243, %add3A_267 : vector<16xf32>
            %get3A_269 = arith.index_cast %squeeze3A_260 : i32 to index
            %get3A_270 = arith.constant 16 : index
            %get3A_271 = tpu.vector_load %arg7[%get3A_269, %get3A_270] {strides = array<i32>} : memref<1024x64xf32, #tpu.memory_space<vmem>>, vector<16xf32>,
            %add3A_272 = arith.addf %get3A_271, %broadcast_in_dim3A_263 : vector<16xf32>
            %min3A_273 = arith.minimumf %min3A_248, %add3A_272 : vector<16xf32>
            %get3A_274 = arith.index_cast %squeeze3A_260 : i32 to index
            %get3A_275 = arith.constant 32 : index
            %get3A_276 = tpu.vector_load %arg7[%get3A_274, %get3A_275] {strides = array<i32>} : memref<1024x64xf32, #tpu.memory_space<vmem>>, vector<16xf32>,
            %add3A_277 = arith.addf %get3A_276, %broadcast_in_dim3A_263 : vector<16xf32>
            %min3A_278 = arith.minimumf %min3A_253, %add3A_277 : vector<16xf32>
            %get3A_279 = arith.index_cast %squeeze3A_260 : i32 to index
            %get3A_280 = arith.constant 48 : index
            %get3A_281 = tpu.vector_load %arg7[%get3A_279, %get3A_280] {strides = array<i32>} : memref<1024x64xf32, #tpu.memory_space<vmem>>, vector<16xf32>,
            %add3A_282 = arith.addf %get3A_281, %broadcast_in_dim3A_263 : vector<16xf32>
            %min3A_283 = arith.minimumf %min3A_258, %add3A_282 : vector<16xf32>
            %slice3A_284 = vector.extract_strided_slice %get3A_160 {offsets = [5], sizes = [1], strides = [1]} : vector<16xi32> to vector<1xi32>
            %squeeze3A_285 = vector.extract %slice3A_284[0] : i32 from vector<1xi32>
            %slice3A_286 = vector.extract_strided_slice %gather3A {offsets = [5], sizes = [1], strides = [1]} : vector<16xf32> to vector<1xf32>
            %squeeze3A_287 = vector.extract %slice3A_286[0] : f32 from vector<1xf32>
            %broadcast_in_dim3A_288 = vector.broadcast %squeeze3A_287 : f32 to vector<16xf32>
            %get3A_289 = arith.index_cast %squeeze3A_285 : i32 to index
            %get3A_290 = arith.constant 0 : index
            %get3A_291 = tpu.vector_load %arg7[%get3A_289, %get3A_290] {strides = array<i32>} : memref<1024x64xf32, #tpu.memory_space<vmem>>, vector<16xf32>,
            %add3A_292 = arith.addf %get3A_291, %broadcast_in_dim3A_288 : vector<16xf32>
            %min3A_293 = arith.minimumf %min3A_268, %add3A_292 : vector<16xf32>
            %get3A_294 = arith.index_cast %squeeze3A_285 : i32 to index
            %get3A_295 = arith.constant 16 : index
            %get3A_296 = tpu.vector_load %arg7[%get3A_294, %get3A_295] {strides = array<i32>} : memref<1024x64xf32, #tpu.memory_space<vmem>>, vector<16xf32>,
            %add3A_297 = arith.addf %get3A_296, %broadcast_in_dim3A_288 : vector<16xf32>
            %min3A_298 = arith.minimumf %min3A_273, %add3A_297 : vector<16xf32>
            %get3A_299 = arith.index_cast %squeeze3A_285 : i32 to index
            %get3A_300 = arith.constant 32 : index
            %get3A_301 = tpu.vector_load %arg7[%get3A_299, %get3A_300] {strides = array<i32>} : memref<1024x64xf32, #tpu.memory_space<vmem>>, vector<16xf32>,
            %add3A_302 = arith.addf %get3A_301, %broadcast_in_dim3A_288 : vector<16xf32>
            %min3A_303 = arith.minimumf %min3A_278, %add3A_302 : vector<16xf32>
            %get3A_304 = arith.index_cast %squeeze3A_285 : i32 to index
            %get3A_305 = arith.constant 48 : index
            %get3A_306 = tpu.vector_load %arg7[%get3A_304, %get3A_305] {strides = array<i32>} : memref<1024x64xf32, #tpu.memory_space<vmem>>, vector<16xf32>,
            %add3A_307 = arith.addf %get3A_306, %broadcast_in_dim3A_288 : vector<16xf32>
            %min3A_308 = arith.minimumf %min3A_283, %add3A_307 : vector<16xf32>
            %slice3A_309 = vector.extract_strided_slice %get3A_160 {offsets = [6], sizes = [1], strides = [1]} : vector<16xi32> to vector<1xi32>
            %squeeze3A_310 = vector.extract %slice3A_309[0] : i32 from vector<1xi32>
            %slice3A_311 = vector.extract_strided_slice %gather3A {offsets = [6], sizes = [1], strides = [1]} : vector<16xf32> to vector<1xf32>
            %squeeze3A_312 = vector.extract %slice3A_311[0] : f32 from vector<1xf32>
            %broadcast_in_dim3A_313 = vector.broadcast %squeeze3A_312 : f32 to vector<16xf32>
            %get3A_314 = arith.index_cast %squeeze3A_310 : i32 to index
            %get3A_315 = arith.constant 0 : index
            %get3A_316 = tpu.vector_load %arg7[%get3A_314, %get3A_315] {strides = array<i32>} : memref<1024x64xf32, #tpu.memory_space<vmem>>, vector<16xf32>,
            %add3A_317 = arith.addf %get3A_316, %broadcast_in_dim3A_313 : vector<16xf32>
            %min3A_318 = arith.minimumf %min3A_293, %add3A_317 : vector<16xf32>
            %get3A_319 = arith.index_cast %squeeze3A_310 : i32 to index
            %get3A_320 = arith.constant 16 : index
            %get3A_321 = tpu.vector_load %arg7[%get3A_319, %get3A_320] {strides = array<i32>} : memref<1024x64xf32, #tpu.memory_space<vmem>>, vector<16xf32>,
            %add3A_322 = arith.addf %get3A_321, %broadcast_in_dim3A_313 : vector<16xf32>
            %min3A_323 = arith.minimumf %min3A_298, %add3A_322 : vector<16xf32>
            %get3A_324 = arith.index_cast %squeeze3A_310 : i32 to index
            %get3A_325 = arith.constant 32 : index
            %get3A_326 = tpu.vector_load %arg7[%get3A_324, %get3A_325] {strides = array<i32>} : memref<1024x64xf32, #tpu.memory_space<vmem>>, vector<16xf32>,
            %add3A_327 = arith.addf %get3A_326, %broadcast_in_dim3A_313 : vector<16xf32>
            %min3A_328 = arith.minimumf %min3A_303, %add3A_327 : vector<16xf32>
            %get3A_329 = arith.index_cast %squeeze3A_310 : i32 to index
            %get3A_330 = arith.constant 48 : index
            %get3A_331 = tpu.vector_load %arg7[%get3A_329, %get3A_330] {strides = array<i32>} : memref<1024x64xf32, #tpu.memory_space<vmem>>, vector<16xf32>,
            %add3A_332 = arith.addf %get3A_331, %broadcast_in_dim3A_313 : vector<16xf32>
            %min3A_333 = arith.minimumf %min3A_308, %add3A_332 : vector<16xf32>
            %slice3A_334 = vector.extract_strided_slice %get3A_160 {offsets = [7], sizes = [1], strides = [1]} : vector<16xi32> to vector<1xi32>
            %squeeze3A_335 = vector.extract %slice3A_334[0] : i32 from vector<1xi32>
            %slice3A_336 = vector.extract_strided_slice %gather3A {offsets = [7], sizes = [1], strides = [1]} : vector<16xf32> to vector<1xf32>
            %squeeze3A_337 = vector.extract %slice3A_336[0] : f32 from vector<1xf32>
            %broadcast_in_dim3A_338 = vector.broadcast %squeeze3A_337 : f32 to vector<16xf32>
            %get3A_339 = arith.index_cast %squeeze3A_335 : i32 to index
            %get3A_340 = arith.constant 0 : index
            %get3A_341 = tpu.vector_load %arg7[%get3A_339, %get3A_340] {strides = array<i32>} : memref<1024x64xf32, #tpu.memory_space<vmem>>, vector<16xf32>,
            %add3A_342 = arith.addf %get3A_341, %broadcast_in_dim3A_338 : vector<16xf32>
            %min3A_343 = arith.minimumf %min3A_318, %add3A_342 : vector<16xf32>
            %get3A_344 = arith.index_cast %squeeze3A_335 : i32 to index
            %get3A_345 = arith.constant 16 : index
            %get3A_346 = tpu.vector_load %arg7[%get3A_344, %get3A_345] {strides = array<i32>} : memref<1024x64xf32, #tpu.memory_space<vmem>>, vector<16xf32>,
            %add3A_347 = arith.addf %get3A_346, %broadcast_in_dim3A_338 : vector<16xf32>
            %min3A_348 = arith.minimumf %min3A_323, %add3A_347 : vector<16xf32>
            %get3A_349 = arith.index_cast %squeeze3A_335 : i32 to index
            %get3A_350 = arith.constant 32 : index
            %get3A_351 = tpu.vector_load %arg7[%get3A_349, %get3A_350] {strides = array<i32>} : memref<1024x64xf32, #tpu.memory_space<vmem>>, vector<16xf32>,
            %add3A_352 = arith.addf %get3A_351, %broadcast_in_dim3A_338 : vector<16xf32>
            %min3A_353 = arith.minimumf %min3A_328, %add3A_352 : vector<16xf32>
            %get3A_354 = arith.index_cast %squeeze3A_335 : i32 to index
            %get3A_355 = arith.constant 48 : index
            %get3A_356 = tpu.vector_load %arg7[%get3A_354, %get3A_355] {strides = array<i32>} : memref<1024x64xf32, #tpu.memory_space<vmem>>, vector<16xf32>,
            %add3A_357 = arith.addf %get3A_356, %broadcast_in_dim3A_338 : vector<16xf32>
            %min3A_358 = arith.minimumf %min3A_333, %add3A_357 : vector<16xf32>
            %slice3A_359 = vector.extract_strided_slice %get3A_160 {offsets = [8], sizes = [1], strides = [1]} : vector<16xi32> to vector<1xi32>
            %squeeze3A_360 = vector.extract %slice3A_359[0] : i32 from vector<1xi32>
            %slice3A_361 = vector.extract_strided_slice %gather3A {offsets = [8], sizes = [1], strides = [1]} : vector<16xf32> to vector<1xf32>
            %squeeze3A_362 = vector.extract %slice3A_361[0] : f32 from vector<1xf32>
            %broadcast_in_dim3A_363 = vector.broadcast %squeeze3A_362 : f32 to vector<16xf32>
            %get3A_364 = arith.index_cast %squeeze3A_360 : i32 to index
            %get3A_365 = arith.constant 0 : index
            %get3A_366 = tpu.vector_load %arg7[%get3A_364, %get3A_365] {strides = array<i32>} : memref<1024x64xf32, #tpu.memory_space<vmem>>, vector<16xf32>,
            %add3A_367 = arith.addf %get3A_366, %broadcast_in_dim3A_363 : vector<16xf32>
            %min3A_368 = arith.minimumf %min3A_343, %add3A_367 : vector<16xf32>
            %get3A_369 = arith.index_cast %squeeze3A_360 : i32 to index
            %get3A_370 = arith.constant 16 : index
            %get3A_371 = tpu.vector_load %arg7[%get3A_369, %get3A_370] {strides = array<i32>} : memref<1024x64xf32, #tpu.memory_space<vmem>>, vector<16xf32>,
            %add3A_372 = arith.addf %get3A_371, %broadcast_in_dim3A_363 : vector<16xf32>
            %min3A_373 = arith.minimumf %min3A_348, %add3A_372 : vector<16xf32>
            %get3A_374 = arith.index_cast %squeeze3A_360 : i32 to index
            %get3A_375 = arith.constant 32 : index
            %get3A_376 = tpu.vector_load %arg7[%get3A_374, %get3A_375] {strides = array<i32>} : memref<1024x64xf32, #tpu.memory_space<vmem>>, vector<16xf32>,
            %add3A_377 = arith.addf %get3A_376, %broadcast_in_dim3A_363 : vector<16xf32>
            %min3A_378 = arith.minimumf %min3A_353, %add3A_377 : vector<16xf32>
            %get3A_379 = arith.index_cast %squeeze3A_360 : i32 to index
            %get3A_380 = arith.constant 48 : index
            %get3A_381 = tpu.vector_load %arg7[%get3A_379, %get3A_380] {strides = array<i32>} : memref<1024x64xf32, #tpu.memory_space<vmem>>, vector<16xf32>,
            %add3A_382 = arith.addf %get3A_381, %broadcast_in_dim3A_363 : vector<16xf32>
            %min3A_383 = arith.minimumf %min3A_358, %add3A_382 : vector<16xf32>
            %slice3A_384 = vector.extract_strided_slice %get3A_160 {offsets = [9], sizes = [1], strides = [1]} : vector<16xi32> to vector<1xi32>
            %squeeze3A_385 = vector.extract %slice3A_384[0] : i32 from vector<1xi32>
            %slice3A_386 = vector.extract_strided_slice %gather3A {offsets = [9], sizes = [1], strides = [1]} : vector<16xf32> to vector<1xf32>
            %squeeze3A_387 = vector.extract %slice3A_386[0] : f32 from vector<1xf32>
            %broadcast_in_dim3A_388 = vector.broadcast %squeeze3A_387 : f32 to vector<16xf32>
            %get3A_389 = arith.index_cast %squeeze3A_385 : i32 to index
            %get3A_390 = arith.constant 0 : index
            %get3A_391 = tpu.vector_load %arg7[%get3A_389, %get3A_390] {strides = array<i32>} : memref<1024x64xf32, #tpu.memory_space<vmem>>, vector<16xf32>,
            %add3A_392 = arith.addf %get3A_391, %broadcast_in_dim3A_388 : vector<16xf32>
            %min3A_393 = arith.minimumf %min3A_368, %add3A_392 : vector<16xf32>
            %get3A_394 = arith.index_cast %squeeze3A_385 : i32 to index
            %get3A_395 = arith.constant 16 : index
            %get3A_396 = tpu.vector_load %arg7[%get3A_394, %get3A_395] {strides = array<i32>} : memref<1024x64xf32, #tpu.memory_space<vmem>>, vector<16xf32>,
            %add3A_397 = arith.addf %get3A_396, %broadcast_in_dim3A_388 : vector<16xf32>
            %min3A_398 = arith.minimumf %min3A_373, %add3A_397 : vector<16xf32>
            %get3A_399 = arith.index_cast %squeeze3A_385 : i32 to index
            %get3A_400 = arith.constant 32 : index
            %get3A_401 = tpu.vector_load %arg7[%get3A_399, %get3A_400] {strides = array<i32>} : memref<1024x64xf32, #tpu.memory_space<vmem>>, vector<16xf32>,
            %add3A_402 = arith.addf %get3A_401, %broadcast_in_dim3A_388 : vector<16xf32>
            %min3A_403 = arith.minimumf %min3A_378, %add3A_402 : vector<16xf32>
            %get3A_404 = arith.index_cast %squeeze3A_385 : i32 to index
            %get3A_405 = arith.constant 48 : index
            %get3A_406 = tpu.vector_load %arg7[%get3A_404, %get3A_405] {strides = array<i32>} : memref<1024x64xf32, #tpu.memory_space<vmem>>, vector<16xf32>,
            %add3A_407 = arith.addf %get3A_406, %broadcast_in_dim3A_388 : vector<16xf32>
            %min3A_408 = arith.minimumf %min3A_383, %add3A_407 : vector<16xf32>
            %slice3A_409 = vector.extract_strided_slice %get3A_160 {offsets = [10], sizes = [1], strides = [1]} : vector<16xi32> to vector<1xi32>
            %squeeze3A_410 = vector.extract %slice3A_409[0] : i32 from vector<1xi32>
            %slice3A_411 = vector.extract_strided_slice %gather3A {offsets = [10], sizes = [1], strides = [1]} : vector<16xf32> to vector<1xf32>
            %squeeze3A_412 = vector.extract %slice3A_411[0] : f32 from vector<1xf32>
            %broadcast_in_dim3A_413 = vector.broadcast %squeeze3A_412 : f32 to vector<16xf32>
            %get3A_414 = arith.index_cast %squeeze3A_410 : i32 to index
            %get3A_415 = arith.constant 0 : index
            %get3A_416 = tpu.vector_load %arg7[%get3A_414, %get3A_415] {strides = array<i32>} : memref<1024x64xf32, #tpu.memory_space<vmem>>, vector<16xf32>,
            %add3A_417 = arith.addf %get3A_416, %broadcast_in_dim3A_413 : vector<16xf32>
            %min3A_418 = arith.minimumf %min3A_393, %add3A_417 : vector<16xf32>
            %get3A_419 = arith.index_cast %squeeze3A_410 : i32 to index
            %get3A_420 = arith.constant 16 : index
            %get3A_421 = tpu.vector_load %arg7[%get3A_419, %get3A_420] {strides = array<i32>} : memref<1024x64xf32, #tpu.memory_space<vmem>>, vector<16xf32>,
            %add3A_422 = arith.addf %get3A_421, %broadcast_in_dim3A_413 : vector<16xf32>
            %min3A_423 = arith.minimumf %min3A_398, %add3A_422 : vector<16xf32>
            %get3A_424 = arith.index_cast %squeeze3A_410 : i32 to index
            %get3A_425 = arith.constant 32 : index
            %get3A_426 = tpu.vector_load %arg7[%get3A_424, %get3A_425] {strides = array<i32>} : memref<1024x64xf32, #tpu.memory_space<vmem>>, vector<16xf32>,
            %add3A_427 = arith.addf %get3A_426, %broadcast_in_dim3A_413 : vector<16xf32>
            %min3A_428 = arith.minimumf %min3A_403, %add3A_427 : vector<16xf32>
            %get3A_429 = arith.index_cast %squeeze3A_410 : i32 to index
            %get3A_430 = arith.constant 48 : index
            %get3A_431 = tpu.vector_load %arg7[%get3A_429, %get3A_430] {strides = array<i32>} : memref<1024x64xf32, #tpu.memory_space<vmem>>, vector<16xf32>,
            %add3A_432 = arith.addf %get3A_431, %broadcast_in_dim3A_413 : vector<16xf32>
            %min3A_433 = arith.minimumf %min3A_408, %add3A_432 : vector<16xf32>
            %slice3A_434 = vector.extract_strided_slice %get3A_160 {offsets = [11], sizes = [1], strides = [1]} : vector<16xi32> to vector<1xi32>
            %squeeze3A_435 = vector.extract %slice3A_434[0] : i32 from vector<1xi32>
            %slice3A_436 = vector.extract_strided_slice %gather3A {offsets = [11], sizes = [1], strides = [1]} : vector<16xf32> to vector<1xf32>
            %squeeze3A_437 = vector.extract %slice3A_436[0] : f32 from vector<1xf32>
            %broadcast_in_dim3A_438 = vector.broadcast %squeeze3A_437 : f32 to vector<16xf32>
            %get3A_439 = arith.index_cast %squeeze3A_435 : i32 to index
            %get3A_440 = arith.constant 0 : index
            %get3A_441 = tpu.vector_load %arg7[%get3A_439, %get3A_440] {strides = array<i32>} : memref<1024x64xf32, #tpu.memory_space<vmem>>, vector<16xf32>,
            %add3A_442 = arith.addf %get3A_441, %broadcast_in_dim3A_438 : vector<16xf32>
            %min3A_443 = arith.minimumf %min3A_418, %add3A_442 : vector<16xf32>
            %get3A_444 = arith.index_cast %squeeze3A_435 : i32 to index
            %get3A_445 = arith.constant 16 : index
            %get3A_446 = tpu.vector_load %arg7[%get3A_444, %get3A_445] {strides = array<i32>} : memref<1024x64xf32, #tpu.memory_space<vmem>>, vector<16xf32>,
            %add3A_447 = arith.addf %get3A_446, %broadcast_in_dim3A_438 : vector<16xf32>
            %min3A_448 = arith.minimumf %min3A_423, %add3A_447 : vector<16xf32>
            %get3A_449 = arith.index_cast %squeeze3A_435 : i32 to index
            %get3A_450 = arith.constant 32 : index
            %get3A_451 = tpu.vector_load %arg7[%get3A_449, %get3A_450] {strides = array<i32>} : memref<1024x64xf32, #tpu.memory_space<vmem>>, vector<16xf32>,
            %add3A_452 = arith.addf %get3A_451, %broadcast_in_dim3A_438 : vector<16xf32>
            %min3A_453 = arith.minimumf %min3A_428, %add3A_452 : vector<16xf32>
            %get3A_454 = arith.index_cast %squeeze3A_435 : i32 to index
            %get3A_455 = arith.constant 48 : index
            %get3A_456 = tpu.vector_load %arg7[%get3A_454, %get3A_455] {strides = array<i32>} : memref<1024x64xf32, #tpu.memory_space<vmem>>, vector<16xf32>,
            %add3A_457 = arith.addf %get3A_456, %broadcast_in_dim3A_438 : vector<16xf32>
            %min3A_458 = arith.minimumf %min3A_433, %add3A_457 : vector<16xf32>
            %slice3A_459 = vector.extract_strided_slice %get3A_160 {offsets = [12], sizes = [1], strides = [1]} : vector<16xi32> to vector<1xi32>
            %squeeze3A_460 = vector.extract %slice3A_459[0] : i32 from vector<1xi32>
            %slice3A_461 = vector.extract_strided_slice %gather3A {offsets = [12], sizes = [1], strides = [1]} : vector<16xf32> to vector<1xf32>
            %squeeze3A_462 = vector.extract %slice3A_461[0] : f32 from vector<1xf32>
            %broadcast_in_dim3A_463 = vector.broadcast %squeeze3A_462 : f32 to vector<16xf32>
            %get3A_464 = arith.index_cast %squeeze3A_460 : i32 to index
            %get3A_465 = arith.constant 0 : index
            %get3A_466 = tpu.vector_load %arg7[%get3A_464, %get3A_465] {strides = array<i32>} : memref<1024x64xf32, #tpu.memory_space<vmem>>, vector<16xf32>,
            %add3A_467 = arith.addf %get3A_466, %broadcast_in_dim3A_463 : vector<16xf32>
            %min3A_468 = arith.minimumf %min3A_443, %add3A_467 : vector<16xf32>
            %get3A_469 = arith.index_cast %squeeze3A_460 : i32 to index
            %get3A_470 = arith.constant 16 : index
            %get3A_471 = tpu.vector_load %arg7[%get3A_469, %get3A_470] {strides = array<i32>} : memref<1024x64xf32, #tpu.memory_space<vmem>>, vector<16xf32>,
            %add3A_472 = arith.addf %get3A_471, %broadcast_in_dim3A_463 : vector<16xf32>
            %min3A_473 = arith.minimumf %min3A_448, %add3A_472 : vector<16xf32>
            %get3A_474 = arith.index_cast %squeeze3A_460 : i32 to index
            %get3A_475 = arith.constant 32 : index
            %get3A_476 = tpu.vector_load %arg7[%get3A_474, %get3A_475] {strides = array<i32>} : memref<1024x64xf32, #tpu.memory_space<vmem>>, vector<16xf32>,
            %add3A_477 = arith.addf %get3A_476, %broadcast_in_dim3A_463 : vector<16xf32>
            %min3A_478 = arith.minimumf %min3A_453, %add3A_477 : vector<16xf32>
            %get3A_479 = arith.index_cast %squeeze3A_460 : i32 to index
            %get3A_480 = arith.constant 48 : index
            %get3A_481 = tpu.vector_load %arg7[%get3A_479, %get3A_480] {strides = array<i32>} : memref<1024x64xf32, #tpu.memory_space<vmem>>, vector<16xf32>,
            %add3A_482 = arith.addf %get3A_481, %broadcast_in_dim3A_463 : vector<16xf32>
            %min3A_483 = arith.minimumf %min3A_458, %add3A_482 : vector<16xf32>
            %slice3A_484 = vector.extract_strided_slice %get3A_160 {offsets = [13], sizes = [1], strides = [1]} : vector<16xi32> to vector<1xi32>
            %squeeze3A_485 = vector.extract %slice3A_484[0] : i32 from vector<1xi32>
            %slice3A_486 = vector.extract_strided_slice %gather3A {offsets = [13], sizes = [1], strides = [1]} : vector<16xf32> to vector<1xf32>
            %squeeze3A_487 = vector.extract %slice3A_486[0] : f32 from vector<1xf32>
            %broadcast_in_dim3A_488 = vector.broadcast %squeeze3A_487 : f32 to vector<16xf32>
            %get3A_489 = arith.index_cast %squeeze3A_485 : i32 to index
            %get3A_490 = arith.constant 0 : index
            %get3A_491 = tpu.vector_load %arg7[%get3A_489, %get3A_490] {strides = array<i32>} : memref<1024x64xf32, #tpu.memory_space<vmem>>, vector<16xf32>,
            %add3A_492 = arith.addf %get3A_491, %broadcast_in_dim3A_488 : vector<16xf32>
            %min3A_493 = arith.minimumf %min3A_468, %add3A_492 : vector<16xf32>
            %get3A_494 = arith.index_cast %squeeze3A_485 : i32 to index
            %get3A_495 = arith.constant 16 : index
            %get3A_496 = tpu.vector_load %arg7[%get3A_494, %get3A_495] {strides = array<i32>} : memref<1024x64xf32, #tpu.memory_space<vmem>>, vector<16xf32>,
            %add3A_497 = arith.addf %get3A_496, %broadcast_in_dim3A_488 : vector<16xf32>
            %min3A_498 = arith.minimumf %min3A_473, %add3A_497 : vector<16xf32>
            %get3A_499 = arith.index_cast %squeeze3A_485 : i32 to index
            %get3A_500 = arith.constant 32 : index
            %get3A_501 = tpu.vector_load %arg7[%get3A_499, %get3A_500] {strides = array<i32>} : memref<1024x64xf32, #tpu.memory_space<vmem>>, vector<16xf32>,
            %add3A_502 = arith.addf %get3A_501, %broadcast_in_dim3A_488 : vector<16xf32>
            %min3A_503 = arith.minimumf %min3A_478, %add3A_502 : vector<16xf32>
            %get3A_504 = arith.index_cast %squeeze3A_485 : i32 to index
            %get3A_505 = arith.constant 48 : index
            %get3A_506 = tpu.vector_load %arg7[%get3A_504, %get3A_505] {strides = array<i32>} : memref<1024x64xf32, #tpu.memory_space<vmem>>, vector<16xf32>,
            %add3A_507 = arith.addf %get3A_506, %broadcast_in_dim3A_488 : vector<16xf32>
            %min3A_508 = arith.minimumf %min3A_483, %add3A_507 : vector<16xf32>
            %slice3A_509 = vector.extract_strided_slice %get3A_160 {offsets = [14], sizes = [1], strides = [1]} : vector<16xi32> to vector<1xi32>
            %squeeze3A_510 = vector.extract %slice3A_509[0] : i32 from vector<1xi32>
            %slice3A_511 = vector.extract_strided_slice %gather3A {offsets = [14], sizes = [1], strides = [1]} : vector<16xf32> to vector<1xf32>
            %squeeze3A_512 = vector.extract %slice3A_511[0] : f32 from vector<1xf32>
            %broadcast_in_dim3A_513 = vector.broadcast %squeeze3A_512 : f32 to vector<16xf32>
            %get3A_514 = arith.index_cast %squeeze3A_510 : i32 to index
            %get3A_515 = arith.constant 0 : index
            %get3A_516 = tpu.vector_load %arg7[%get3A_514, %get3A_515] {strides = array<i32>} : memref<1024x64xf32, #tpu.memory_space<vmem>>, vector<16xf32>,
            %add3A_517 = arith.addf %get3A_516, %broadcast_in_dim3A_513 : vector<16xf32>
            %min3A_518 = arith.minimumf %min3A_493, %add3A_517 : vector<16xf32>
            %get3A_519 = arith.index_cast %squeeze3A_510 : i32 to index
            %get3A_520 = arith.constant 16 : index
            %get3A_521 = tpu.vector_load %arg7[%get3A_519, %get3A_520] {strides = array<i32>} : memref<1024x64xf32, #tpu.memory_space<vmem>>, vector<16xf32>,
            %add3A_522 = arith.addf %get3A_521, %broadcast_in_dim3A_513 : vector<16xf32>
            %min3A_523 = arith.minimumf %min3A_498, %add3A_522 : vector<16xf32>
            %get3A_524 = arith.index_cast %squeeze3A_510 : i32 to index
            %get3A_525 = arith.constant 32 : index
            %get3A_526 = tpu.vector_load %arg7[%get3A_524, %get3A_525] {strides = array<i32>} : memref<1024x64xf32, #tpu.memory_space<vmem>>, vector<16xf32>,
            %add3A_527 = arith.addf %get3A_526, %broadcast_in_dim3A_513 : vector<16xf32>
            %min3A_528 = arith.minimumf %min3A_503, %add3A_527 : vector<16xf32>
            %get3A_529 = arith.index_cast %squeeze3A_510 : i32 to index
            %get3A_530 = arith.constant 48 : index
            %get3A_531 = tpu.vector_load %arg7[%get3A_529, %get3A_530] {strides = array<i32>} : memref<1024x64xf32, #tpu.memory_space<vmem>>, vector<16xf32>,
            %add3A_532 = arith.addf %get3A_531, %broadcast_in_dim3A_513 : vector<16xf32>
            %min3A_533 = arith.minimumf %min3A_508, %add3A_532 : vector<16xf32>
            %slice3A_534 = vector.extract_strided_slice %get3A_160 {offsets = [15], sizes = [1], strides = [1]} : vector<16xi32> to vector<1xi32>
            %squeeze3A_535 = vector.extract %slice3A_534[0] : i32 from vector<1xi32>
            %slice3A_536 = vector.extract_strided_slice %gather3A {offsets = [15], sizes = [1], strides = [1]} : vector<16xf32> to vector<1xf32>
            %squeeze3A_537 = vector.extract %slice3A_536[0] : f32 from vector<1xf32>
            %broadcast_in_dim3A_538 = vector.broadcast %squeeze3A_537 : f32 to vector<16xf32>
            %get3A_539 = arith.index_cast %squeeze3A_535 : i32 to index
            %get3A_540 = arith.constant 0 : index
            %get3A_541 = tpu.vector_load %arg7[%get3A_539, %get3A_540] {strides = array<i32>} : memref<1024x64xf32, #tpu.memory_space<vmem>>, vector<16xf32>,
            %add3A_542 = arith.addf %get3A_541, %broadcast_in_dim3A_538 : vector<16xf32>
            %min3A_543 = arith.minimumf %min3A_518, %add3A_542 : vector<16xf32>
            %get3A_544 = arith.index_cast %squeeze3A_535 : i32 to index
            %get3A_545 = arith.constant 16 : index
            %get3A_546 = tpu.vector_load %arg7[%get3A_544, %get3A_545] {strides = array<i32>} : memref<1024x64xf32, #tpu.memory_space<vmem>>, vector<16xf32>,
            %add3A_547 = arith.addf %get3A_546, %broadcast_in_dim3A_538 : vector<16xf32>
            %min3A_548 = arith.minimumf %min3A_523, %add3A_547 : vector<16xf32>
            %get3A_549 = arith.index_cast %squeeze3A_535 : i32 to index
            %get3A_550 = arith.constant 32 : index
            %get3A_551 = tpu.vector_load %arg7[%get3A_549, %get3A_550] {strides = array<i32>} : memref<1024x64xf32, #tpu.memory_space<vmem>>, vector<16xf32>,
            %add3A_552 = arith.addf %get3A_551, %broadcast_in_dim3A_538 : vector<16xf32>
            %min3A_553 = arith.minimumf %min3A_528, %add3A_552 : vector<16xf32>
            %get3A_554 = arith.index_cast %squeeze3A_535 : i32 to index
            %get3A_555 = arith.constant 48 : index
            %get3A_556 = tpu.vector_load %arg7[%get3A_554, %get3A_555] {strides = array<i32>} : memref<1024x64xf32, #tpu.memory_space<vmem>>, vector<16xf32>,
            %add3A_557 = arith.addf %get3A_556, %broadcast_in_dim3A_538 : vector<16xf32>
            %min3A_558 = arith.minimumf %min3A_533, %add3A_557 : vector<16xf32>
            scf.yield %min3A_543, %min3A_548, %min3A_553, %min3A_558 : vector<16xf32>, vector<16xf32>, vector<16xf32>, vector<16xf32>
          }
          %add3A_108 = arith.constant 0 : i32
          %add3A_109 = arith.addi %mul3A_0, %add3A_108 : i32
          %get3A_110 = arith.index_cast %add3A_109 : i32 to index
          %get3A_111 = tpu.vector_load %arg8[%get3A_110] {strides = array<i32>} : memref<1024xf32, #tpu.memory_space<vmem>>, vector<16xf32>,
          %min3A = arith.minimumf %while3A_107#0, %get3A_111 : vector<16xf32>
          %swap3A_112 = arith.constant 0 : index
          %swap3A_113 = tpu.vector_load %arg10[%swap3A_112] {strides = array<i32>} : memref<64xf32, #tpu.memory_space<vmem>>, vector<16xf32>,
          tpu.vector_store %arg10[%swap3A_112], %min3A {strides = array<i32>} : memref<64xf32, #tpu.memory_space<vmem>>, vector<16xf32>,
          %add3A_114 = arith.constant 16 : i32
          %add3A_115 = arith.addi %mul3A_0, %add3A_114 : i32
          %get3A_116 = arith.index_cast %add3A_115 : i32 to index
          %get3A_117 = tpu.vector_load %arg8[%get3A_116] {strides = array<i32>} : memref<1024xf32, #tpu.memory_space<vmem>>, vector<16xf32>,
          %min3A_118 = arith.minimumf %while3A_107#1, %get3A_117 : vector<16xf32>
          %swap3A_119 = arith.constant 16 : index
          %swap3A_120 = tpu.vector_load %arg10[%swap3A_119] {strides = array<i32>} : memref<64xf32, #tpu.memory_space<vmem>>, vector<16xf32>,
          tpu.vector_store %arg10[%swap3A_119], %min3A_118 {strides = array<i32>} : memref<64xf32, #tpu.memory_space<vmem>>, vector<16xf32>,
          %add3A_121 = arith.constant 32 : i32
          %add3A_122 = arith.addi %mul3A_0, %add3A_121 : i32
          %get3A_123 = arith.index_cast %add3A_122 : i32 to index
          %get3A_124 = tpu.vector_load %arg8[%get3A_123] {strides = array<i32>} : memref<1024xf32, #tpu.memory_space<vmem>>, vector<16xf32>,
          %min3A_125 = arith.minimumf %while3A_107#2, %get3A_124 : vector<16xf32>
          %swap3A_126 = arith.constant 32 : index
          %swap3A_127 = tpu.vector_load %arg10[%swap3A_126] {strides = array<i32>} : memref<64xf32, #tpu.memory_space<vmem>>, vector<16xf32>,
          tpu.vector_store %arg10[%swap3A_126], %min3A_125 {strides = array<i32>} : memref<64xf32, #tpu.memory_space<vmem>>, vector<16xf32>,
          %add3A_128 = arith.constant 48 : i32
          %add3A_129 = arith.addi %mul3A_0, %add3A_128 : i32
          %get3A_130 = arith.index_cast %add3A_129 : i32 to index
          %get3A_131 = tpu.vector_load %arg8[%get3A_130] {strides = array<i32>} : memref<1024xf32, #tpu.memory_space<vmem>>, vector<16xf32>,
          %min3A_132 = arith.minimumf %while3A_107#3, %get3A_131 : vector<16xf32>
          %swap3A_133 = arith.constant 48 : index
          %swap3A_134 = tpu.vector_load %arg10[%swap3A_133] {strides = array<i32>} : memref<64xf32, #tpu.memory_space<vmem>>, vector<16xf32>,
          tpu.vector_store %arg10[%swap3A_133], %min3A_132 {strides = array<i32>} : memref<64xf32, #tpu.memory_space<vmem>>, vector<16xf32>,
          "tpu.region"() ({
            %run_scoped3A = tpu.sem_alloc : memref<!tpu.dma_semaphore, #tpu.memory_space<semaphore_mem>>
            %dma_start3A = tpu.memref_slice %arg17[%mul3A_0] : memref<1024xf32, #tpu.memory_space<vmem_shared>> -> memref<64xf32, #tpu.memory_space<vmem_shared>>
            %dma_start3A_152 = tpu.memref_slice %arg17[%mul3A_0] : memref<1024xf32, #tpu.memory_space<vmem_shared>> -> memref<64xf32, #tpu.memory_space<vmem_shared>>
            tpu.enqueue_dma source(%arg10 : memref<64xf32, #tpu.memory_space<vmem>>) target(%dma_start3A_152 : memref<64xf32, #tpu.memory_space<vmem_shared>>) target_semaphore(%run_scoped3A : memref<!tpu.dma_semaphore, #tpu.memory_space<semaphore_mem>>)
            %dma_wait3A = tpu.memref_slice %arg17[%mul3A_0] : memref<1024xf32, #tpu.memory_space<vmem_shared>> -> memref<64xf32, #tpu.memory_space<vmem_shared>>
            %dma_wait3A_153 = tpu.memref_slice %arg17[%mul3A_0] : memref<1024xf32, #tpu.memory_space<vmem_shared>> -> memref<64xf32, #tpu.memory_space<vmem_shared>>
            tpu.wait_dma2 semaphore(%run_scoped3A : memref<!tpu.dma_semaphore, #tpu.memory_space<semaphore_mem>>) src(%arg10 : memref<64xf32, #tpu.memory_space<vmem>>) dst(%dma_wait3A_153 : memref<64xf32, #tpu.memory_space<vmem_shared>>)
            tpu.yield
          }) : () -> ()
          %barrier3A = arith.constant 0 : index
          tpu.barrier barrier_id(%barrier3A)
          "tpu.region"() ({
            %run_scoped3A = tpu.sem_alloc : memref<!tpu.dma_semaphore, #tpu.memory_space<semaphore_mem>>
            tpu.enqueue_dma source(%arg17 : memref<1024xf32, #tpu.memory_space<vmem_shared>>) target(%arg9 : memref<1024xf32, #tpu.memory_space<vmem>>) target_semaphore(%run_scoped3A : memref<!tpu.dma_semaphore, #tpu.memory_space<semaphore_mem>>)
            tpu.wait_dma2 semaphore(%run_scoped3A : memref<!tpu.dma_semaphore, #tpu.memory_space<semaphore_mem>>) src(%arg17 : memref<1024xf32, #tpu.memory_space<vmem_shared>>) dst(%arg9 : memref<1024xf32, #tpu.memory_space<vmem>>)
            tpu.yield
          }) : () -> ()
          %scan3A_135 = arith.constant 0 : i32
          %scan3A_136 = arith.constant 0 : i32
          %scan3A_137 = arith.constant 16 : i32
          %scan3A_138 = arith.addi %scan3A_136, %scan3A_137 : i32
          %scan3A_139 = arith.constant 1 : i32
          %scan3A_140 = scf.for %scan3A_152 = %scan3A_136 to %scan3A_138 step %scan3A_139 iter_args(%scan3A_153 = %scan3A_135) -> (i32)  : i32 {
            %mul3A_154 = arith.constant 4 : i32
            %mul3A_155 = arith.muli %scan3A_152, %mul3A_154 : i32
            %add3A_156 = arith.constant 0 : i32
            %add3A_157 = arith.addi %mul3A_155, %add3A_156 : i32
            %mul3A_158 = arith.constant 16 : i32
            %mul3A_159 = arith.muli %add3A_157, %mul3A_158 : i32
            %get3A_160 = arith.index_cast %mul3A_159 : i32 to index
            %get3A_161 = tpu.vector_load %arg8[%get3A_160] {strides = array<i32>} : memref<1024xf32, #tpu.memory_space<vmem>>, vector<16xf32>,
            %mul3A_162 = arith.constant 16 : i32
            %mul3A_163 = arith.muli %add3A_157, %mul3A_162 : i32
            %get3A_164 = arith.index_cast %mul3A_163 : i32 to index
            %get3A_165 = tpu.vector_load %arg9[%get3A_164] {strides = array<i32>} : memref<1024xf32, #tpu.memory_space<vmem>>, vector<16xf32>,
            %mul3A_166 = arith.constant 16 : i32
            %mul3A_167 = arith.muli %add3A_157, %mul3A_166 : i32
            %swap3A_168 = arith.index_cast %mul3A_167 : i32 to index
            %swap3A_169 = tpu.vector_load %arg8[%swap3A_168] {strides = array<i32>} : memref<1024xf32, #tpu.memory_space<vmem>>, vector<16xf32>,
            tpu.vector_store %arg8[%swap3A_168], %get3A_165 {strides = array<i32>} : memref<1024xf32, #tpu.memory_space<vmem>>, vector<16xf32>,
            %lt3A = arith.cmpf olt, %get3A_165, %get3A_161 : vector<16xf32>
            %mul3A_170 = arith.constant 16 : i32
            %mul3A_171 = arith.muli %add3A_157, %mul3A_170 : i32
            %add3A_172 = vector.broadcast %mul3A_171 : i32 to vector<16xi32>
            %add3A_173 = arith.addi %iota3A, %add3A_172 : vector<16xi32>
            %swap3A_174 = arith.index_cast %scan3A_153 : i32 to index
            %swap3A_175 = tpu.vector_load %arg13[%swap3A_174] masked %lt3A {strides = array<i32>} : memref<1024xi32, #tpu.memory_space<vmem>>, vector<16xi32>, vector<16xi1>
            tpu.vector_store %arg13[%swap3A_174], %add3A_173 masked %lt3A {strides = array<i32>} : memref<1024xi32, #tpu.memory_space<vmem>>, vector<16xi32>, vector<16xi1>
            %all_reduce_population_count3A = tpu.all_reduce %lt3A {dim = 0 : i64, kind = #tpu.reduction_kind<sum>} : vector<16xi1> -> vector<16xi32>
            %slice3A = vector.extract_strided_slice %all_reduce_population_count3A {offsets = [0], sizes = [1], strides = [1]} : vector<16xi32> to vector<1xi32>
            %squeeze3A = vector.extract %slice3A[0] : i32 from vector<1xi32>
            %add3A_176 = arith.addi %scan3A_153, %squeeze3A : i32
            %mul3A_177 = arith.constant 4 : i32
            %mul3A_178 = arith.muli %scan3A_152, %mul3A_177 : i32
            %add3A_179 = arith.constant 1 : i32
            %add3A_180 = arith.addi %mul3A_178, %add3A_179 : i32
            %mul3A_181 = arith.constant 16 : i32
            %mul3A_182 = arith.muli %add3A_180, %mul3A_181 : i32
            %get3A_183 = arith.index_cast %mul3A_182 : i32 to index
            %get3A_184 = tpu.vector_load %arg8[%get3A_183] {strides = array<i32>} : memref<1024xf32, #tpu.memory_space<vmem>>, vector<16xf32>,
            %mul3A_185 = arith.constant 16 : i32
            %mul3A_186 = arith.muli %add3A_180, %mul3A_185 : i32
            %get3A_187 = arith.index_cast %mul3A_186 : i32 to index
            %get3A_188 = tpu.vector_load %arg9[%get3A_187] {strides = array<i32>} : memref<1024xf32, #tpu.memory_space<vmem>>, vector<16xf32>,
            %mul3A_189 = arith.constant 16 : i32
            %mul3A_190 = arith.muli %add3A_180, %mul3A_189 : i32
            %swap3A_191 = arith.index_cast %mul3A_190 : i32 to index
            %swap3A_192 = tpu.vector_load %arg8[%swap3A_191] {strides = array<i32>} : memref<1024xf32, #tpu.memory_space<vmem>>, vector<16xf32>,
            tpu.vector_store %arg8[%swap3A_191], %get3A_188 {strides = array<i32>} : memref<1024xf32, #tpu.memory_space<vmem>>, vector<16xf32>,
            %lt3A_193 = arith.cmpf olt, %get3A_188, %get3A_184 : vector<16xf32>
            %mul3A_194 = arith.constant 16 : i32
            %mul3A_195 = arith.muli %add3A_180, %mul3A_194 : i32
            %add3A_196 = vector.broadcast %mul3A_195 : i32 to vector<16xi32>
            %add3A_197 = arith.addi %iota3A, %add3A_196 : vector<16xi32>
            %swap3A_198 = arith.index_cast %add3A_176 : i32 to index
            %swap3A_199 = tpu.vector_load %arg13[%swap3A_198] masked %lt3A_193 {strides = array<i32>} : memref<1024xi32, #tpu.memory_space<vmem>>, vector<16xi32>, vector<16xi1>
            tpu.vector_store %arg13[%swap3A_198], %add3A_197 masked %lt3A_193 {strides = array<i32>} : memref<1024xi32, #tpu.memory_space<vmem>>, vector<16xi32>, vector<16xi1>
            %all_reduce_population_count3A_200 = tpu.all_reduce %lt3A_193 {dim = 0 : i64, kind = #tpu.reduction_kind<sum>} : vector<16xi1> -> vector<16xi32>
            %slice3A_201 = vector.extract_strided_slice %all_reduce_population_count3A_200 {offsets = [0], sizes = [1], strides = [1]} : vector<16xi32> to vector<1xi32>
            %squeeze3A_202 = vector.extract %slice3A_201[0] : i32 from vector<1xi32>
            %add3A_203 = arith.addi %add3A_176, %squeeze3A_202 : i32
            %mul3A_204 = arith.constant 4 : i32
            %mul3A_205 = arith.muli %scan3A_152, %mul3A_204 : i32
            %add3A_206 = arith.constant 2 : i32
            %add3A_207 = arith.addi %mul3A_205, %add3A_206 : i32
            %mul3A_208 = arith.constant 16 : i32
            %mul3A_209 = arith.muli %add3A_207, %mul3A_208 : i32
            %get3A_210 = arith.index_cast %mul3A_209 : i32 to index
            %get3A_211 = tpu.vector_load %arg8[%get3A_210] {strides = array<i32>} : memref<1024xf32, #tpu.memory_space<vmem>>, vector<16xf32>,
            %mul3A_212 = arith.constant 16 : i32
            %mul3A_213 = arith.muli %add3A_207, %mul3A_212 : i32
            %get3A_214 = arith.index_cast %mul3A_213 : i32 to index
            %get3A_215 = tpu.vector_load %arg9[%get3A_214] {strides = array<i32>} : memref<1024xf32, #tpu.memory_space<vmem>>, vector<16xf32>,
            %mul3A_216 = arith.constant 16 : i32
            %mul3A_217 = arith.muli %add3A_207, %mul3A_216 : i32
            %swap3A_218 = arith.index_cast %mul3A_217 : i32 to index
            %swap3A_219 = tpu.vector_load %arg8[%swap3A_218] {strides = array<i32>} : memref<1024xf32, #tpu.memory_space<vmem>>, vector<16xf32>,
            tpu.vector_store %arg8[%swap3A_218], %get3A_215 {strides = array<i32>} : memref<1024xf32, #tpu.memory_space<vmem>>, vector<16xf32>,
            %lt3A_220 = arith.cmpf olt, %get3A_215, %get3A_211 : vector<16xf32>
            %mul3A_221 = arith.constant 16 : i32
            %mul3A_222 = arith.muli %add3A_207, %mul3A_221 : i32
            %add3A_223 = vector.broadcast %mul3A_222 : i32 to vector<16xi32>
            %add3A_224 = arith.addi %iota3A, %add3A_223 : vector<16xi32>
            %swap3A_225 = arith.index_cast %add3A_203 : i32 to index
            %swap3A_226 = tpu.vector_load %arg13[%swap3A_225] masked %lt3A_220 {strides = array<i32>} : memref<1024xi32, #tpu.memory_space<vmem>>, vector<16xi32>, vector<16xi1>
            tpu.vector_store %arg13[%swap3A_225], %add3A_224 masked %lt3A_220 {strides = array<i32>} : memref<1024xi32, #tpu.memory_space<vmem>>, vector<16xi32>, vector<16xi1>
            %all_reduce_population_count3A_227 = tpu.all_reduce %lt3A_220 {dim = 0 : i64, kind = #tpu.reduction_kind<sum>} : vector<16xi1> -> vector<16xi32>
            %slice3A_228 = vector.extract_strided_slice %all_reduce_population_count3A_227 {offsets = [0], sizes = [1], strides = [1]} : vector<16xi32> to vector<1xi32>
            %squeeze3A_229 = vector.extract %slice3A_228[0] : i32 from vector<1xi32>
            %add3A_230 = arith.addi %add3A_203, %squeeze3A_229 : i32
            %mul3A_231 = arith.constant 4 : i32
            %mul3A_232 = arith.muli %scan3A_152, %mul3A_231 : i32
            %add3A_233 = arith.constant 3 : i32
            %add3A_234 = arith.addi %mul3A_232, %add3A_233 : i32
            %mul3A_235 = arith.constant 16 : i32
            %mul3A_236 = arith.muli %add3A_234, %mul3A_235 : i32
            %get3A_237 = arith.index_cast %mul3A_236 : i32 to index
            %get3A_238 = tpu.vector_load %arg8[%get3A_237] {strides = array<i32>} : memref<1024xf32, #tpu.memory_space<vmem>>, vector<16xf32>,
            %mul3A_239 = arith.constant 16 : i32
            %mul3A_240 = arith.muli %add3A_234, %mul3A_239 : i32
            %get3A_241 = arith.index_cast %mul3A_240 : i32 to index
            %get3A_242 = tpu.vector_load %arg9[%get3A_241] {strides = array<i32>} : memref<1024xf32, #tpu.memory_space<vmem>>, vector<16xf32>,
            %mul3A_243 = arith.constant 16 : i32
            %mul3A_244 = arith.muli %add3A_234, %mul3A_243 : i32
            %swap3A_245 = arith.index_cast %mul3A_244 : i32 to index
            %swap3A_246 = tpu.vector_load %arg8[%swap3A_245] {strides = array<i32>} : memref<1024xf32, #tpu.memory_space<vmem>>, vector<16xf32>,
            tpu.vector_store %arg8[%swap3A_245], %get3A_242 {strides = array<i32>} : memref<1024xf32, #tpu.memory_space<vmem>>, vector<16xf32>,
            %lt3A_247 = arith.cmpf olt, %get3A_242, %get3A_238 : vector<16xf32>
            %mul3A_248 = arith.constant 16 : i32
            %mul3A_249 = arith.muli %add3A_234, %mul3A_248 : i32
            %add3A_250 = vector.broadcast %mul3A_249 : i32 to vector<16xi32>
            %add3A_251 = arith.addi %iota3A, %add3A_250 : vector<16xi32>
            %swap3A_252 = arith.index_cast %add3A_230 : i32 to index
            %swap3A_253 = tpu.vector_load %arg13[%swap3A_252] masked %lt3A_247 {strides = array<i32>} : memref<1024xi32, #tpu.memory_space<vmem>>, vector<16xi32>, vector<16xi1>
            tpu.vector_store %arg13[%swap3A_252], %add3A_251 masked %lt3A_247 {strides = array<i32>} : memref<1024xi32, #tpu.memory_space<vmem>>, vector<16xi32>, vector<16xi1>
            %all_reduce_population_count3A_254 = tpu.all_reduce %lt3A_247 {dim = 0 : i64, kind = #tpu.reduction_kind<sum>} : vector<16xi1> -> vector<16xi32>
            %slice3A_255 = vector.extract_strided_slice %all_reduce_population_count3A_254 {offsets = [0], sizes = [1], strides = [1]} : vector<16xi32> to vector<1xi32>
            %squeeze3A_256 = vector.extract %slice3A_255[0] : i32 from vector<1xi32>
            %add3A_257 = arith.addi %add3A_230, %squeeze3A_256 : i32
            scf.yield %add3A_257 : i32
          }
          %scan3A_141 = arith.constant 16 : i32
          %swap3A_142 = arith.constant 0 : i32
          %swap3A_143 = arith.index_cast %swap3A_142 : i32 to index
          %swap3A_144 = memref.load %arg15[%swap3A_143] : memref<1xi32, #tpu.memory_space<smem>>
          memref.store %scan3A_140, %arg15[%swap3A_143] : memref<1xi32, #tpu.memory_space<smem>>
          %gt3A_145 = arith.constant 0 : i32
          %gt3A_146 = arith.cmpi sgt, %scan3A_140, %gt3A_145 : i32
          %convert_element_type3A_147 = arith.extui %gt3A_146 : i1 to i32
          %swap3A_148 = arith.constant 0 : i32
          %swap3A_149 = arith.index_cast %swap3A_148 : i32 to index
          %swap3A_150 = memref.load %arg14[%swap3A_149] : memref<1xi32, #tpu.memory_space<smem>>
          memref.store %convert_element_type3A_147, %arg14[%swap3A_149] : memref<1xi32, #tpu.memory_space<smem>>
          %barrier3A_151 = arith.constant 0 : index
          tpu.barrier barrier_id(%barrier3A_151)
        } else {
        }
        %scan3A_74 = arith.constant 0 : i32
        scf.yield %scan3A_74 : i32
      }
      %scan3A_63 = arith.constant 15 : i32
    } else {
    }
    %eq3A_45 = arith.constant 0 : i32
    %eq3A_46 = arith.cmpi eq, %arg0, %eq3A_45 : i32
    %convert_element_type3A_47 = arith.extui %eq3A_46 : i1 to i32
    %cond3A_48 = arith.constant 0 : i32
    %cond3A_49 = arith.cmpi ne, %convert_element_type3A_47, %cond3A_48 : i32
    scf.if %cond3A_49 {
      %broadcast_in_dim3A_57 = arith.constant 128 : i32
      %broadcast_in_dim3A_58 = vector.broadcast %broadcast_in_dim3A_57 : i32 to vector<16xi32>
      %add3A = arith.constant 0 : i32
      %add3A_59 = arith.addi %mul3A_0, %add3A : i32
      %get3A_60 = arith.index_cast %add3A_59 : i32 to index
      %get3A_61 = tpu.vector_load %arg8[%get3A_60] {strides = array<i32>} : memref<1024xf32, #tpu.memory_space<vmem>>, vector<16xf32>,
      %add3A_62 = arith.constant 0 : i32
      %add3A_63 = vector.broadcast %add3A_62 : i32 to vector<16xi32>
      %add3A_64 = arith.addi %add3A_63, %iota3A : vector<16xi32>
      tpu.vector_store_idx %arg16[%add3A_64, %broadcast_in_dim3A_58], %get3A_61 : memref<64x129xf32, #tpu.memory_space<vmem>>[vector<16xi32>, vector<16xi32>], vector<16xf32>,
      %add3A_65 = arith.constant 16 : i32
      %add3A_66 = arith.addi %mul3A_0, %add3A_65 : i32
      %get3A_67 = arith.index_cast %add3A_66 : i32 to index
      %get3A_68 = tpu.vector_load %arg8[%get3A_67] {strides = array<i32>} : memref<1024xf32, #tpu.memory_space<vmem>>, vector<16xf32>,
      %add3A_69 = arith.constant 16 : i32
      %add3A_70 = vector.broadcast %add3A_69 : i32 to vector<16xi32>
      %add3A_71 = arith.addi %add3A_70, %iota3A : vector<16xi32>
      tpu.vector_store_idx %arg16[%add3A_71, %broadcast_in_dim3A_58], %get3A_68 : memref<64x129xf32, #tpu.memory_space<vmem>>[vector<16xi32>, vector<16xi32>], vector<16xf32>,
      %add3A_72 = arith.constant 32 : i32
      %add3A_73 = arith.addi %mul3A_0, %add3A_72 : i32
      %get3A_74 = arith.index_cast %add3A_73 : i32 to index
      %get3A_75 = tpu.vector_load %arg8[%get3A_74] {strides = array<i32>} : memref<1024xf32, #tpu.memory_space<vmem>>, vector<16xf32>,
      %add3A_76 = arith.constant 32 : i32
      %add3A_77 = vector.broadcast %add3A_76 : i32 to vector<16xi32>
      %add3A_78 = arith.addi %add3A_77, %iota3A : vector<16xi32>
      tpu.vector_store_idx %arg16[%add3A_78, %broadcast_in_dim3A_58], %get3A_75 : memref<64x129xf32, #tpu.memory_space<vmem>>[vector<16xi32>, vector<16xi32>], vector<16xf32>,
      %add3A_79 = arith.constant 48 : i32
      %add3A_80 = arith.addi %mul3A_0, %add3A_79 : i32
      %get3A_81 = arith.index_cast %add3A_80 : i32 to index
      %get3A_82 = tpu.vector_load %arg8[%get3A_81] {strides = array<i32>} : memref<1024xf32, #tpu.memory_space<vmem>>, vector<16xf32>,
      %add3A_83 = arith.constant 48 : i32
      %add3A_84 = vector.broadcast %add3A_83 : i32 to vector<16xi32>
      %add3A_85 = arith.addi %add3A_84, %iota3A : vector<16xi32>
      tpu.vector_store_idx %arg16[%add3A_85, %broadcast_in_dim3A_58], %get3A_82 : memref<64x129xf32, #tpu.memory_space<vmem>>[vector<16xi32>, vector<16xi32>], vector<16xf32>,
      "tpu.region"() ({
        %run_scoped3A = tpu.sem_alloc : memref<!tpu.dma_semaphore, #tpu.memory_space<semaphore_mem>>
        %dma_start3A = arith.constant 0 : i32
        %dma_start3A_86 = tpu.memref_slice %arg5[%mul3A_0, %dma_start3A] : memref<1024x129xf32, #tpu.memory_space<hbm>> -> memref<64x129xf32, #tpu.memory_space<hbm>>
        %dma_start3A_87 = arith.constant 0 : i32
        %dma_start3A_88 = tpu.memref_slice %arg5[%mul3A_0, %dma_start3A_87] : memref<1024x129xf32, #tpu.memory_space<hbm>> -> memref<64x129xf32, #tpu.memory_space<hbm>>
        tpu.enqueue_dma source(%arg16 : memref<64x129xf32, #tpu.memory_space<vmem>>) target(%dma_start3A_88 : memref<64x129xf32, #tpu.memory_space<hbm>>) target_semaphore(%run_scoped3A : memref<!tpu.dma_semaphore, #tpu.memory_space<semaphore_mem>>)
        %dma_wait3A = arith.constant 0 : i32
        %dma_wait3A_89 = tpu.memref_slice %arg5[%mul3A_0, %dma_wait3A] : memref<1024x129xf32, #tpu.memory_space<hbm>> -> memref<64x129xf32, #tpu.memory_space<hbm>>
        %dma_wait3A_90 = arith.constant 0 : i32
        %dma_wait3A_91 = tpu.memref_slice %arg5[%mul3A_0, %dma_wait3A_90] : memref<1024x129xf32, #tpu.memory_space<hbm>> -> memref<64x129xf32, #tpu.memory_space<hbm>>
        tpu.wait_dma2 semaphore(%run_scoped3A : memref<!tpu.dma_semaphore, #tpu.memory_space<semaphore_mem>>) src(%arg16 : memref<64x129xf32, #tpu.memory_space<vmem>>) dst(%dma_wait3A_91 : memref<64x129xf32, #tpu.memory_space<hbm>>)
        tpu.yield
      }) : () -> ()
    } else {
    }
    %eq3A_50 = arith.constant 0 : i32
    %eq3A_51 = arith.cmpi eq, %arg0, %eq3A_50 : i32
    %eq3A_52 = arith.constant 0 : i32
    %eq3A_53 = arith.cmpi eq, %arg1, %eq3A_52 : i32
    %and3A = arith.andi %eq3A_51, %eq3A_53 : i1
    %convert_element_type3A_54 = arith.extui %and3A : i1 to i32
    %cond3A_55 = arith.constant 0 : i32
    %cond3A_56 = arith.cmpi ne, %convert_element_type3A_54, %cond3A_55 : i32
    scf.if %cond3A_56 {
      %broadcast_in_dim3A_57 = arith.constant 0xFF800000 : f32
      %broadcast_in_dim3A_58 = vector.broadcast %broadcast_in_dim3A_57 : f32 to vector<16xf32>
      %broadcast_in_dim3A_59 = arith.constant 0.000000e+00 : f32
      %broadcast_in_dim3A_60 = vector.broadcast %broadcast_in_dim3A_59 : f32 to vector<16xf32>
      %scan3A_61 = arith.constant 0 : i32
      %scan3A_62 = arith.constant 64 : i32
      %scan3A_63 = arith.addi %scan3A_61, %scan3A_62 : i32
      %scan3A_64 = arith.constant 1 : i32
      %scan3A_65:2 = scf.for %scan3A_87 = %scan3A_61 to %scan3A_63 step %scan3A_64 iter_args(%scan3A_88 = %broadcast_in_dim3A_58, %scan3A_89 = %broadcast_in_dim3A_60) -> (vector<16xf32>, vector<16xf32>)  : i32 {
        %mul3A_90 = arith.constant 16 : i32
        %mul3A_91 = arith.muli %scan3A_87, %mul3A_90 : i32
        %get3A_92 = arith.index_cast %mul3A_91 : i32 to index
        %get3A_93 = tpu.vector_load %arg8[%get3A_92] {strides = array<i32>} : memref<1024xf32, #tpu.memory_space<vmem>>, vector<16xf32>,
        %mul3A_94 = arith.constant 16 : i32
        %mul3A_95 = arith.muli %scan3A_87, %mul3A_94 : i32
        %add3A = vector.broadcast %mul3A_95 : i32 to vector<16xi32>
        %add3A_96 = arith.addi %iota3A, %add3A : vector<16xi32>
        %max3A = arith.maximumf %scan3A_88, %get3A_93 : vector<16xf32>
        %eq3A_97 = arith.cmpi eq, %add3A_96, %get3A_3 : vector<16xi32>
        %jit3A_98 = arith.constant 0.000000e+00 : f32
        %broadcast_in_dim3A_99 = vector.broadcast %jit3A_98 : f32 to vector<16xf32>
        %select_n3A_100 = arith.select %eq3A_97, %get3A_93, %broadcast_in_dim3A_99 : vector<16xi1>, vector<16xf32>
        %add3A_101 = arith.addf %scan3A_89, %select_n3A_100 : vector<16xf32>
        scf.yield %max3A, %add3A_101 : vector<16xf32>, vector<16xf32>
      }
      %scan3A_66 = arith.constant 64 : i32
      %reduce_max3A = arith.constant true
      %reduce_max3A_67 = vector.broadcast %reduce_max3A : i1 to vector<16xi1>
      %reduce_max3A_68 = tpu.scan <max>, %scan3A_65#0 masked %reduce_max3A_67 : vector<16xf32>, vector<16xi1> -> vector<16xf32>
      %reduce_max3A_69 = vector.extract %reduce_max3A_68[15] : f32 from vector<16xf32>
      %reduce_sum3A = arith.constant true
      %reduce_sum3A_70 = vector.broadcast %reduce_sum3A : i1 to vector<16xi1>
      %reduce_sum3A_71 = tpu.scan <sum>, %scan3A_65#1 masked %reduce_sum3A_70 : vector<16xf32>, vector<16xi1> -> vector<16xf32>
      %reduce_sum3A_72 = vector.extract %reduce_sum3A_71[15] : f32 from vector<16xf32>
      %eq3A_73 = arith.constant 0 : i32
      %eq3A_74 = vector.broadcast %eq3A_73 : i32 to vector<16xi32>
      %eq3A_75 = arith.cmpi eq, %iota3A, %eq3A_74 : vector<16xi32>
      %eq3A_76 = arith.constant 1 : i32
      %eq3A_77 = vector.broadcast %eq3A_76 : i32 to vector<16xi32>
      %eq3A_78 = arith.cmpi eq, %iota3A, %eq3A_77 : vector<16xi32>
      %jit3A_79 = arith.constant 0.000000e+00 : f32
      %broadcast_in_dim3A_80 = vector.broadcast %reduce_sum3A_72 : f32 to vector<16xf32>
      %broadcast_in_dim3A_81 = vector.broadcast %jit3A_79 : f32 to vector<16xf32>
      %select_n3A_82 = arith.select %eq3A_78, %broadcast_in_dim3A_80, %broadcast_in_dim3A_81 : vector<16xi1>, vector<16xf32>
      %broadcast_in_dim3A_83 = vector.broadcast %reduce_max3A_69 : f32 to vector<16xf32>
      %select_n3A_84 = arith.select %eq3A_75, %broadcast_in_dim3A_83, %select_n3A_82 : vector<16xi1>, vector<16xf32>
      %swap3A_85 = arith.constant 0 : index
      %swap3A_86 = tpu.vector_load %arg12[%swap3A_85] {strides = array<i32>} : memref<16xf32, #tpu.memory_space<vmem>>, vector<16xf32>,
      tpu.vector_store %arg12[%swap3A_85], %select_n3A_84 {strides = array<i32>} : memref<16xf32, #tpu.memory_space<vmem>>, vector<16xf32>,
      "tpu.region"() ({
        %run_scoped3A = tpu.sem_alloc : memref<!tpu.dma_semaphore, #tpu.memory_space<semaphore_mem>>
        tpu.enqueue_dma source(%arg12 : memref<16xf32, #tpu.memory_space<vmem>>) target(%arg6 : memref<16xf32, #tpu.memory_space<hbm>>) target_semaphore(%run_scoped3A : memref<!tpu.dma_semaphore, #tpu.memory_space<semaphore_mem>>)
        tpu.wait_dma2 semaphore(%run_scoped3A : memref<!tpu.dma_semaphore, #tpu.memory_space<semaphore_mem>>) src(%arg12 : memref<16xf32, #tpu.memory_space<vmem>>) dst(%arg6 : memref<16xf32, #tpu.memory_space<hbm>>)
        tpu.yield
      }) : () -> ()
    } else {
    }
    return
  }
}

</mosaic_0001>

<sc_bundles>
// kernel: kernel.3.cloned.1.call-start
scs
__scs_entry_jumppad:
0x0: {  	(pc) =	sbr.rel $0x88, $3  }
0x1: {  	(tag) =	ssettag $0x0;
	lr =	simm.s32 $0x1  }
0x2: {  	[smem:$0x3F9E] =	sst lr;
	_ =	strace $0xD0000000  }
0x3: {  	_ = 	snop  }
0x4: {  	_ = 	snop  }
0x5: {  	_ = 	snop  }
0x6: {  	_ = 	snop  }
0x7: {  	_ = 	snop  }
__scs_overlays_trampoline_lowered:
0x8: {  	[smem:$0x3FAD] =	sst s0  }
0x9: {  	[smem:$0x3FAE] =	sst s1  }
0xa: {  	[smem:$0x3FAF] =	sst s2  }
0xb: {  	[smem:$0x3FB0] =	sst s3  }
0xc: {  	[smem:$0x3FB1] =	sst s4  }
0xd: {  	[smem:$0x3FB2] =	sst s5  }
0xe: {  	[smem:$0x3FB3] =	sst s6  }
0xf: {  	[smem:$0x3FB4] =	sst s7  }
0x10: {  	[smem:$0x3FB5] =	sst s8  }
0x11: {  	[smem:$0x3FB6] =	sst s9;
	s0 =	simm.s32 @!p0 $0x0  }
0x12: {  	s1 =	sld [smem:$0x3F9C];
	s0 =	simm.s32 @p0 $0x1  }
0x13: {  	[smem:$0x3FB7] =	sst s0;
	s0 =	simm.s32 @!p1 $0x0  }
0x14: {  	s2 =	sld [smem:$0x3F9B];
	s0 =	simm.s32 @p1 $0x1  }
0x15: {  	[smem:$0x3FB8] =	sst s0;
	s0 =	simm.s32 @!p2 $0x0  }
0x16: {  	s3 =	sld [smem:$0x3FDB];
	s0 =	simm.s32 @p2 $0x1  }
0x17: {  	s4 =	simm.s32 $0x1BF5;
	[smem:$0x3FBA] =	sst s0  }
0x18: {  	s0 =	sld [smem:$0x3F9D];
	_ =	swait.ge [sflag:s4], $0x0  }
0x19: {  	s7 =	sld [smem:$0x3F9E]  }
0x1a: {  	s8 =	sadd.s32 $0xFFFFE003, lr  }
0x1b: {  	s9 =	sadd.s32 $0xFFFFFEF7, lr;
	s5 =	simm.s32 $0xFFFFFFFF;
	p2 =	slt.u32 s8, $0xFFFFF086  }
0x1c: {  	p1 =	slt.u32 s9, $0xF7A;
	s5 =	simm.s32 @!p2 $0x0  }
0x1d: {  	s5 =	simm.s32 @p1 $0x1;
	p0 =	seq.s32 s7, s2  }
0x1e: {  	s7 =	smul.u32 @!p0 $0xF7A, s2;
	p2 =	seq.s32 @!p0 s5, $0x0  }
0x1f: {  	s9 =	smul.u32 $0xF7A, s1;
	s8 =	simm.s32 @!p0 $0x1BF5;
	p2 =	por !p2, p0  }
0x20: {  	[sflag:s8] =	ssyncset.s32 @!p0 $0xFFFFF086;
	s6 =	sadd.s32 @!p0 s3, s7;
	s7 =	simm.s32 @!p0 $0x108  }
0x21: {  	s3 =	sadd.s32 s3, s9;
	s6 =	sadd.s32 @!p0 $0x88, s6;
	s7 =	simm.s32 @p2 $0x1082  }
0x22: {  	[simem:s7], [sflag:s8] =	dma.local @!p0 [hbm:s6], $0xF7A  }
0x23: {  	s9 =	sor.u32 $0xD0000000, s2;
	s6 =	simm.s32 $0x108;
	_ =	swait.ge @!p0 [sflag:s8], $0x0  }
0x24: {  	s3 =	sadd.s32 $0x88, s3;
	s6 =	simm.s32 @!p1 $0x1082;
	[sflag:s4] =	ssyncset.s32 $0xFFFFF086  }
0x25: {  	[simem:s6], [sflag:s4] =	dma.local [hbm:s3], $0xF7A  }
0x26: {  	[smem:$0x3F9E] =	sst s1;
	(tag) =	ssettag s2;
	_ =	strace s9  }
0x27: {  	s1 =	sld [smem:$0x3FAE]  }
0x28: {  	s2 =	sld [smem:$0x3FAF]  }
0x29: {  	s4 =	sld [smem:$0x3FB1]  }
0x2a: {  	p0 =	seq.s32 s5, $0x0;
	s5 =	sld [smem:$0x3FB2]  }
0x2b: {  	s6 =	sld [smem:$0x3FB3]  }
0x2c: {  	s7 =	sld [smem:$0x3FB4]  }
0x2d: {  	s3 =	simm.s32 $0x108;
	s8 =	sld [smem:$0x3FB5]  }
0x2e: {  	s3 =	simm.s32 @!p0 $0x1082;
	s9 =	sld [smem:$0x3FB6]  }
0x2f: {  	lr =	sadd.s32 s0, s3;
	s0 =	sld [smem:$0x3FAD]  }
0x30: {  	s3 =	sld [smem:$0x3FB0]  }
0x31: {  	[smem:$0x3FB9] =	sst s10  }
0x32: {  	s10 =	sld [smem:$0x3FB7];
	_ =	sdelay $0x3  }
0x33: {  	p0 =	seq.s32 s10, $0x1;
	s10 =	sld [smem:$0x3FB9];
	_ =	sdelay $0x3  }
0x34: {  	[smem:$0x3FB9] =	sst s10  }
0x35: {  	s10 =	sld [smem:$0x3FB8];
	_ =	sdelay $0x3  }
0x36: {  	p1 =	seq.s32 s10, $0x1;
	s10 =	sld [smem:$0x3FB9];
	_ =	sdelay $0x3  }
0x37: {  	[smem:$0x3FB9] =	sst s10  }
0x38: {  	s10 =	sld [smem:$0x3FBA]  }
0x39: {  	_ = 	snop;
	(pc) =	sbr.ind lr, $3  }
0x3a: {  	_ = 	snop  }
0x3b: {  	_ = 	snop  }
0x3c: {  	p2 =	seq.s32 s10, $0x1;
	s10 =	sld [smem:$0x3FB9]  }
0x3d: {  	_ =	shalt  }
0x3e: {  	_ =	shalt  }
0x3f: {  	_ =	shalt  }
0x40: {  	_ =	shalt  }
0x41: {  	_ =	shalt  }
0x42: {  	_ =	shalt  }
0x43: {  	_ =	shalt  }
0x44: {  	_ =	shalt  }
0x45: {  	_ =	shalt  }
0x46: {  	_ =	shalt  }
0x47: {  	_ =	shalt  }
0x48: {  	_ =	shalt  }
0x49: {  	_ =	shalt  }
0x4a: {  	_ =	shalt  }
0x4b: {  	_ =	shalt  }
0x4c: {  	_ =	shalt  }
0x4d: {  	_ =	shalt  }
0x4e: {  	_ =	shalt  }
0x4f: {  	_ =	shalt  }
0x50: {  	_ =	shalt  }
0x51: {  	_ =	shalt  }
0x52: {  	_ =	shalt  }
0x53: {  	_ =	shalt  }
0x54: {  	_ =	shalt  }
0x55: {  	_ =	shalt  }
0x56: {  	_ =	shalt  }
0x57: {  	_ =	shalt  }
0x58: {  	_ =	shalt  }
0x59: {  	_ =	shalt  }
0x5a: {  	_ =	shalt  }
0x5b: {  	_ =	shalt  }
0x5c: {  	_ =	shalt  }
0x5d: {  	_ =	shalt  }
0x5e: {  	_ =	shalt  }
0x5f: {  	_ =	shalt  }
0x60: {  	_ =	shalt  }
0x61: {  	_ =	shalt  }
0x62: {  	_ =	shalt  }
0x63: {  	_ =	shalt  }
0x64: {  	_ =	shalt  }
0x65: {  	_ =	shalt  }
0x66: {  	_ =	shalt  }
0x67: {  	_ =	shalt  }
0x68: {  	_ =	shalt  }
0x69: {  	_ =	shalt  }
0x6a: {  	_ =	shalt  }
0x6b: {  	_ =	shalt  }
0x6c: {  	_ =	shalt  }
0x6d: {  	_ =	shalt  }
0x6e: {  	_ =	shalt  }
0x6f: {  	_ =	shalt  }
0x70: {  	_ =	shalt  }
0x71: {  	_ =	shalt  }
0x72: {  	_ =	shalt  }
0x73: {  	_ =	shalt  }
0x74: {  	_ =	shalt  }
0x75: {  	_ =	shalt  }
0x76: {  	_ =	shalt  }
0x77: {  	_ =	shalt  }
0x78: {  	_ =	shalt  }
0x79: {  	_ =	shalt  }
0x7a: {  	_ =	shalt  }
0x7b: {  	_ =	shalt  }
0x7c: {  	_ =	shalt  }
0x7d: {  	_ =	shalt  }
0x7e: {  	_ =	shalt  }
0x7f: {  	_ =	shalt  }
0x80: {  	_ =	shalt  }
0x81: {  	_ =	shalt  }
0x82: {  	_ =	shalt  }
0x83: {  	_ =	shalt  }
0x84: {  	_ =	shalt  }
0x85: {  	_ =	shalt  }
0x86: {  	_ =	shalt  }
0x87: {  	_ =	shalt  }
.Lfunc_end0:
.L_simem_size_0:
called_computation_lowered:
.L_overlay_start_0:
0x88: {  	s0 =	sld [smem:$0x3FD9]  }
0x89: {  	s1 =	sld [smem:$0x3FFE];
	_ =	sdelay $0x3  }
0x8a: {  	s0 =	sadd.s32 s1, s0  }
0x8b: {  	[smem:$0x3FC5] =	sst s0  }
0x8c: {  	_ = 	snop  }
0x8d: {  	s0 =	sld [smem:$0x3FD0];
	_ =	sdelay $0x2  }
0x8e: {  	s2 =	simm.s32 $0xA;
	s3 =	simm.s32 $0x10;
	s13 =	sld [smem:$0x3FC7]  }
0x8f: {  	[smem:s3], [sflag:s2] =	dma.local [hbm:s0], $0x1  }
0x90: {  	_ =	swait.eq [sflag:s2], $0x1  }
0x91: {  	[sflag:s2] =	ssyncset.done $0x0  }
0x92: {  	s14 =	sld [smem:$0x10];
	[sflag:s2] =	ssyncadd.s32 $0xFFFFFFFF  }
0x93: {  	s15 =	sld [smem:$0x11];
	(tm) =	ssettm $0x1  }
0x94: {  	s16 =	sld [smem:$0x3FFB];
	_ =	sdelay $0x3  }
0x95: {  	_ =	strace s16  }
0x96: {  	s3 =	sld [smem:$0x3FFC];
	_ =	sdelay $0x3  }
0x97: {  	_ =	strace s3  }
0x98: {  	s3 =	sld [smem:$0x3FFD];
	_ =	sdelay $0x3  }
0x99: {  	_ =	strace s3  }
0x9a: {  	_ =	strace $0x8FFFFFFF  }
0x9b: {  	s17 =	sld [smem:$0x3FDB];
	_ =	sdelay $0x1  }
0x9c: {  	s4 =	simm.s32 $_scs_section_size  }
0x9d: {  	s5 =	simm.s32 $_size__tile_overlayer_lowered;
	s6 =	simm.s32 $_tile_overlayer_lowered  }
0x9e: {  	s20 =	simm.s32 $0x1BFF;
	s19 =	sshll.u32 s6, $0x1;
	s3 =	sadd.s32 s4, s17  }
0x9f: {  	s7 =	simm.s32 $0x0;
	s18 =	sshll.u32 s5, $0x1;
	s5 =	sadd.s32 s19, s3  }
0xa0: {  	[timem:s7], [sflag:s20] =	dma.local [hbm:s5], s18  }
0xa1: {  	_ =	swait.ge [sflag:s20], s18  }
0xa2: {  	s4 =	ssub.s32 $0x0, s18;
	[sflag:s20] =	ssyncset.done $0x0  }
0xa3: {  	[sflag:s20] =	ssyncadd.s32 s4;
	_ =	sdelay $0x1  }
0xa4: {  	s21 =	simm.s32 $0x1B8B  }
0xa5: {  	_ =	swait.ge [sflag:s21], $0x1  }
0xa6: {  	[sflag:s21] =	ssyncset.done $0x0  }
0xa7: {  	s23 =	simm.s32 $0x1B8E;
	s22 =	sld [smem:$0x3FFE];
	[sflag:s21] =	ssyncadd.s32 $0xFFFFFFFF  }
0xa8: {  	s24 =	simm.s32 $execute0_lowered;
	[smem:$0x3FD2] =	sst s23  }
0xa9: {  	s5 =	sshll.u32 s24, $0x1;
	_ =	strace $0x80000046;
	[dreg:$0x1] =	wrdreg $0xFFFFFFFF  }
0xaa: {  	s25 =	simm.s32 $_size_execute0_lowered;
	s3 =	sadd.s32 s3, s5;
	[dreg:$0x0] =	wrdreg $0x0  }
0xab: {  	s5 =	sshll.u32 s25, $0x1;
	[dreg:$0x2] =	wrdreg s3  }
0xac: {  	[dreg:$0x3] =	wrdreg s5  }
0xad: {  	[dreg:$0x4] =	wrdreg $0xC0  }
0xae: {  	_ =	task [dreg:s7], $0x5FFFF  }
0xaf: {  	[dreg:$0x1] =	wrdreg $0xFFFFFFFF  }
0xb0: {  	[dreg:$0x0] =	wrdreg $0x60  }
0xb1: {  	[dreg:$0x2] =	wrdreg s22  }
0xb2: {  	[dreg:$0x3] =	wrdreg s15  }
0xb3: {  	[dreg:$0x4] =	wrdreg s13  }
0xb4: {  	[dreg:$0x5] =	wrdreg s14  }
0xb5: {  	[dreg:$0x6] =	wrdreg $0x12E600  }
0xb6: {  	[dreg:$0x7] =	wrdreg $0x9  }
0xb7: {  	_ =	task.clear_ibuf [dreg:s7], $0x8FFFF;
	_ =	strace $0x90000046  }
0xb8: {  	s26 =	simm.s32 $0x9;
	_ =	strace $0x80000048  }
0xb9: {  	_ =	swait.ge [sflag:s26], $0x1  }
0xba: {  	[sflag:s26] =	ssyncadd.s32 $0xFFFFFFFF  }
0xbb: {  	_ =	strace $0x90000048  }
0xbc: {  	_ =	sfence  }
0xbd: {  	s28 =	sld [smem:$0x0];
	_ =	sdelay $0x1  }
0xbe: {  	s29 =	srdreg.scid  }
0xbf: {  	s30 =	sshll.u32 s29, $0xD;
	s31 =	sshrl.u32 s29, $0x2  }
0xc0: {  	s1 =	sand.u32 $0x1, s29;
	s2 =	sand.u32 $0x4000, s30;
	s0 =	sadd.s32 s31, s28  }
0xc1: {  	s1 =	sor.u32 s2, s1;
	s0 =	sshll.u32 s0, $0x11  }
0xc2: {  	s0 =	sor.u32 s0, s1  }
0xc3: {  	s0 =	sadd.s32 $0x8F2B, s0  }
0xc4: {  	[sflag:s0] =	ssyncadd.remote.s32 $0x1  }
0xc5: {  	_ =	sfence.sel $0xFFFF  }
0xc6: {  	[dreg:$0x0] =	wrdreg $0xFFFFFFFF;
	(pc) =	sbr.abs _section_cstart, $3  }
0xc7: {  	[dreg:$0x1] =	wrdreg $0xFFFFFFFF  }
0xc8: {  	_ =	task.clear_ibuf [dreg:s7], $0x2FFFF;
	_ =	strace $0x9FFFFFFF  }
0xc9: {  	(tm) =	ssettm $0x7FFFFFFF  }
tec
execute0_lowered:
.L_overlay_start_1:
0x0: {  	(tag) =	ssettag $0x1  }
0x1: {  	s1 =	rddreg [dreg:$0x0]  }
0x2: {  	s5 =	rddreg [dreg:$0x1]  }
0x3: {  	s7 =	rddreg [dreg:$0x2]  }
0x4: {  	s6 =	rddreg [dreg:$0x3]  }
0x5: {  	s3 =	rddreg [dreg:$0x4]  }
0x6: {  	s0 =	rddreg [dreg:$0x5];
	s2 =	stileid.u32  }
0x7: {  	s4 =	simm.s32 $0x0;
	s9 =	simm.s32 $0x40;
	s8 =	sshll.u32 s2, $0x3  }
0x8: {  	s10 =	simm.s32 $0x400;
	[smem:$0x7FF] =	sst s4;
	s8 =	sadd.s32 s8, s1  }
0x9: {  	s29 =	simm.s32 $0x1;
	_ =	strace $0x80000047;
	s8 =	sadd.s32 $0xA00, s8  }
0xa: {  	[tilespmem:s4], [sflag:$0x1] =	stream.strided.gather [hbm4b:s8+s9], $0x10000, s10, s9, $0x38;
	[tilespmem:$0x12EA0] =	vst v63  }
0xb: {  	_ =	swait.ge [sflag:s29], $0x10000  }
0xc: {  	[sflag:s29] =	ssyncset.done $0x0  }
0xd: {  	s30 =	simm.s32 $0x10840;
	s31 =	sshll.u32 s2, $0xA;
	[sflag:s29] =	ssyncadd.s32 $0xFFFF0000  }
0xe: {  	[tilespmem:s30], [sflag:$0x1] =	stream.linear.gather [hbm4b:s5+s4], $0x10, $0x38;
	[tilespmem:$0x12EA0] =	vst v63  }
0xf: {  	s1 =	sadd.s32 $0x20A00, s1;
	s8 =	simm.s32 $0x10;
	_ =	swait.ge [sflag:s29], $0x10  }
0x10: {  	s9 =	simm.s32 $0x10CE8;
	s5 =	sadd.s32 s7, s31;
	[sflag:s29] =	ssyncset.done $0x0  }
0x11: {  	s7 =	simm.s32 $0x10C60;
	s10 =	sadd.s32 $0x0, s5;
	[sflag:s29] =	ssyncadd.s32 $0xFFFFFFF0  }
.LBB2_1:
0x12: {  	[tilespmem:s7], [sflag:$0x1] =	stream.linear.gather [hbm4b:s10+s4], $0x80, $0x38;
	[tilespmem:$0x12EA0] =	vst v63  }
0x13: {  	s10 =	smov.u32 s8;
	s7 =	smov.u32 s9;
	p0 =	sne.s32 s8, $0x3F0  }
.Ltmp0:
0x14: {  	s8 =	sadd.s32 $0x10, s8;
	(pc) =	sbr.rel @p0 .LBB2_1-.Ltmp0, $2  }
0x15: {  	_ =	sdelay $0x2  }
0x16: {  	s9 =	sadd.s32 $0x88, s9;
	s10 =	sadd.s32 s10, s5  }
0x17: {  	[tilespmem:s7], [sflag:$0x1] =	stream.linear.gather [hbm4b:s10+s4], $0x80, $0x38;
	[tilespmem:$0x12EA0] =	vst v63  }
0x18: {  	s29 =	simm.s32 $0x1  }
0x19: {  	s30 =	simm.s32 $0x0;
	_ =	swait.ge [sflag:s29], $0x2000  }
0x1a: {  	s7 =	sshll.u32 s2, $0xC;
	s9 =	sand.u32 $0x3FFFFFF0, s30;
	[sflag:s29] =	ssyncset.done $0x0  }
0x1b: {  	s9 =	sadd.s32 s9, s7;
	[sflag:s29] =	ssyncadd.s32 $0xFFFFE000  }
0x1c: {  	v2 =	vld [tilespmem:s9+$0x0]  }
0x1d: {  	s5 =	simm.s32 $0x0  }
0x1e: {  	s31 =	sand.u32 $0xF, s5;
	v0 =	vld [tilespmem:$0x10840]  }
0x1f: {  	s4 =	sshll.u32 s2, $0x6;
	v1 =	vlaneseq.u32;
	s8 =	simm.s32 $0x1;
	v3 =	vmov s31  }
0x20: {  	s10 =	simm.s32 $0x4;
	s12 =	simm.s32 $0x1;
	s11 =	simm.s32 $0x2;
	vm0 =	veq.s32 v3, v1  }
.LBB2_3:
0x21: {  	p0 =	sne.s32 s11, $0x3F;
	s12 =	sand.u32 $0x3FFFFFF0, s12;
	v2 =	vsel vm0, $0x7F800000, v2;
	s7 =	sadd.s32 $0x40, s7  }
0x22: {  	[tilespmem:s9+$0x0] =	vst v2;
	s9 =	sadd.s32 s12, s7  }
.Ltmp1:
0x23: {  	v2 =	vld [tilespmem:s9+$0x0];
	(pc) =	sbr.rel @p0 .LBB2_3-.Ltmp1, $4  }
0x24: {  	_ = 	snop  }
0x25: {  	s12 =	sand.u32 $0xF, s8;
	s8 =	smov.u32 s11  }
0x26: {  	s10 =	sadd.s32 $0x4, s10;
	v3 =	vmov s12  }
0x27: {  	s11 =	sadd.s32 $0x1, s11;
	s12 =	sshrl.u32 s10, $0x2;
	vm0 =	veq.s32 v3, v1  }
0x28: {  	s10 =	sand.u32 $0x3FFFFFF0, s12;
	v2 =	vsel vm0, $0x7F800000, v2;
	s7 =	sadd.s32 $0x40, s7  }
0x29: {  	s7 =	sadd.s32 s10, s7;
	[tilespmem:s9+$0x0] =	vst v2  }
0x2a: {  	v3 =	vld [tilespmem:s7+$0x0];
	_ =	sdelay $0x1  }
0x2b: {  	s8 =	sand.u32 $0xF, s8  }
0x2c: {  	v4 =	vmov s8;
	v2 =	vlaneseq.u32  }
0x2d: {  	vm14 =	veq.s32 v4, v1;
	v4 =	vor.u32 s5, v2  }
0x2e: {  	v1 =	vimm.f32 $+Inf;
	vm15 =	veq.s32 v4, v0;
	v3 =	vsel vm14, $0x7F800000, v3  }
0x2f: {  	s5 =	simm.s32 $0x10000;
	v4 =	vsel vm15, $0x0, v1;
	[tilespmem:s7+$0x0] =	vst v3  }
0x30: {  	s7 =	simm.s32 $0x10860;
	v3 =	vimm.s32 $0x0;
	[tilespmem:s5+$0x0] =	vst v4  }
0x31: {  	s8 =	simm.s32 $0x10;
	[tilespmem:s7+$0x0] =	vst v3  }
.LBB2_5:
0x32: {  	p0 =	sne.s32 s8, $0x3F0  }
.Ltmp2:
0x33: {  	v4 =	vor.u32 s8, v2;
	(pc) =	sbr.rel @p0 .LBB2_5-.Ltmp2, $4  }
0x34: {  	s8 =	sadd.s32 $0x10, s8;
	vm0 =	veq.s32 v4, v0  }
0x35: {  	s5 =	sadd.s32 $0x10, s5;
	v4 =	vsel vm0, $0x0, v1  }
0x36: {  	s7 =	sadd.s32 $0x10, s7;
	[tilespmem:s5+$0x0] =	vst v4  }
0x37: {  	[tilespmem:s7+$0x0] =	vst v3  }
0x38: {  	s7 =	simm.s32 $0x1;
	s5 =	sadd.s32 s4, s3;
	vm0 =	vmmov $0x1;
	s8 =	simm.s32 $0x0  }
0x39: {  	s9 =	simm.s32 $0x10000;
	s10 =	simm.s32 $0x10800;
	[smem:$0x8] =	sst s7;
	v1 =	vnsel vm0, $0x0, v0  }
0x3a: {  	s11 =	simm.s32 $0x10400;
	s12 =	simm.s32 $0x1;
	[smem:$0x0] =	sst s7;
	[tilespmem:$0x10860] =	vst v1;
	v1 =	vlaneseq.u32  }
.LBB2_8:
0x3b: {  	p0 =	slt.s32 s12, $0x1  }
.Ltmp3:
0x3c: {  	_ = 	snop;
	(pc) =	sbr.rel @!p0 .LBB2_9-.Ltmp3, $2  }
0x3d: {  	_ =	sdelay $0x2  }
0x3e: {  	s12 =	simm.s32 $0x0  }
.LBB2_19:
0x3f: {  	s8 =	sadd.s32 $0x1, s8  }
0x40: {  	p0 =	sne.s32 s8, $0x3F  }
.Ltmp4:
0x41: {  	_ = 	snop;
	(pc) =	sbr.rel @!p0 .LBB2_20-.Ltmp4, $1  }
0x42: {  	_ =	sdelay $0x3  }
.Ltmp5:
0x43: {  	(pc) =	sbr.rel .LBB2_8-.Ltmp5, $2  }
0x44: {  	_ = 	snop  }
0x45: {  	s12 =	sld [smem:$0x0];
	_ =	sdelay $0x2  }
.LBB2_18:
0x46: {  	s12 =	sadd.s32 $0x1, s12  }
0x47: {  	p0 =	sne.s32 s12, $0x10  }
.Ltmp6:
0x48: {  	_ = 	snop;
	(pc) =	sbr.rel @!p0 .LBB2_19-.Ltmp6, $1  }
0x49: {  	_ =	sdelay $0x3  }
.LBB2_9:
0x4a: {  	s13 =	sld [smem:$0x0];
	_ =	sdelay $0x2  }
0x4b: {  	p0 =	slt.s32 s13, $0x1  }
.Ltmp7:
0x4c: {  	_ = 	snop;
	(pc) =	sbr.rel @p0 .LBB2_18-.Ltmp7, $1  }
0x4d: {  	_ =	sdelay $0x3  }
0x4e: {  	s13 =	sld [smem:$0x8];
	_ =	sdelay $0x2  }
0x4f: {  	s13 =	sadd.s32 $0xF, s13  }
0x50: {  	s14 =	sand.u32 $0xF, s13  }
0x51: {  	s31 =	sshra.s32 s13, $0x1F;
	p1 =	slt.s32 s13, $0x1;
	p0 =	sne.s32 s14, $0x0  }
0x52: {  	s14 =	sshrl.u32 s31, $0x1C;
	p0 =	por !p1, !p0  }
0x53: {  	s13 =	sadd.s32 s14, s13;
	s14 =	simm.s32 $0x1;
	p0 =	por !p0, !p0  }
0x54: {  	s13 =	sshra.s32 s13, $0x4;
	s14 =	simm.s32 @!p0 $0x0  }
0x55: {  	s22 =	ssub.s32 s13, s14  }
0x56: {  	p0 =	slt.s32 s22, $0x1  }
.Ltmp8:
0x57: {  	_ = 	snop;
	(pc) =	sbr.rel @p0 .LBB2_11-.Ltmp8, $2  }
0x58: {  	_ =	sdelay $0x2  }
0x59: {  	v17 =	vimm.f32 $+Inf;
	s19 =	simm.s32 $0x10860  }
0x5a: {  	v2 =	vld [tilespmem:s19+$0x0];
	_ =	sdelay $0x4  }
0x5b: {  	v3 =	vshll.u32 v2, $0x8  }
0x5c: {  	v5 =	vshra.s32 v3, $0x2  }
0x5d: {  	(v2sf) =	vpush v5, $0xF;
	_ =	sdelay $0x1  }
0x5e: {  	(v2sf) =	vpush v5, $0x0  }
0x5f: {  	(v2sf) =	vpush v5, $0xE  }
0x60: {  	(v2sf) =	vpush v5, $0xD  }
0x61: {  	(v2sf) =	vpush v5, $0xB  }
0x62: {  	(v2sf) =	vpush v5, $0xA  }
0x63: {  	(v2sf) =	vpush v5, $0xC  }
0x64: {  	(v2sf) =	vpush v5, $0x8  }
0x65: {  	(v2sf) =	vpush v5, $0x5  }
0x66: {  	(v2sf) =	vpush v5, $0x6  }
0x67: {  	(v2sf) =	vpush v5, $0x4;
	_ =	sdelay $0x1  }
0x68: {  	(v2sf) =	vpush v5, $0x2;
	_ =	sdelay $0x1  }
0x69: {  	v3 =	vld.idx.msk [tilespmem:v2+s9+$0x0], $0xffff;
	s13 =	spop (v2sf)  }
0x6a: {  	(v2sf) =	vpush v5, $0x1;
	v8 =	vld [tilespmem:s13+$0x0]  }
0x6b: {  	s26 =	spop (v2sf);
	v9 =	vld [tilespmem:s13+$0x10]  }
0x6c: {  	s14 =	spop (v2sf);
	v25 =	vld [tilespmem:s26+$0x20]  }
0x6d: {  	(v2sf) =	vpush v5, $0x3;
	v22 =	vld [tilespmem:s14+$0x20];
	s15 =	spop (v2sf)  }
0x6e: {  	v4 =	vld [tilespmem:s15+$0x20];
	s16 =	spop (v2sf)  }
0x6f: {  	v7 =	vld [tilespmem:s16+$0x10];
	s18 =	spop (v2sf)  }
0x70: {  	v13 =	vld [tilespmem:s18+$0x20];
	s17 =	spop (v2sf)  }
0x71: {  	v12 =	vld [tilespmem:s17+$0x20];
	s20 =	spop (v2sf)  }
0x72: {  	v11 =	vld [tilespmem:s20+$0x0];
	s24 =	spop (v2sf)  }
0x73: {  	s21 =	spop (v2sf);
	v10 =	vld [tilespmem:s24+$0x0]  }
0x74: {  	(v2sf) =	vpush v5, $0x7;
	s25 =	spop (v2sf);
	v15 =	vld [tilespmem:s21+$0x10]  }
0x75: {  	v23 =	vld [tilespmem:s25+$0x20]  }
0x76: {  	s23 =	spop (v2sf);
	v18 =	vld [tilespmem:s25+$0x0]  }
0x77: {  	v32 =	vld [tilespmem:s23+$0x0]  }
0x78: {  	v27 =	vld [tilespmem:s23+$0x20]  }
0x79: {  	s28 =	spop (v2sf);
	v20 =	vld [tilespmem:s23+$0x10]  }
0x7a: {  	p0 =	sne.s32 s22, $0x1;
	(v2sf) =	vpush v5, $0x9;
	v33 =	vld [tilespmem:s28+$0x30]  }
.Ltmp9:
0x7b: {  	v31 =	vld [tilespmem:s28+$0x10];
	(pc) =	sbr.rel @!p0 .LBB2_14-.Ltmp9, $4  }
0x7c: {  	s29 =	spop (v2sf);
	v28 =	vld [tilespmem:s28+$0x0]  }
0x7d: {  	v26 =	vld [tilespmem:s29+$0x20]  }
0x7e: {  	v24 =	vimm.f32 $+Inf;
	v19 =	vimm.f32 $+Inf;
	v2 =	vbroadcast v3, $0xE;
	v29 =	vld [tilespmem:s29+$0x0]  }
0x7f: {  	s22 =	sadd.s32 $0xFFFFFFFF, s22;
	v16 =	vimm.f32 $+Inf;
	v6 =	vbroadcast v3, $0x2;
	v5 =	vbroadcast v3, $0xA;
	v30 =	vld [tilespmem:s29+$0x10]  }
.LBB2_13:
0x80: {  	p0 =	sne.s32 s22, $0x1;
	s22 =	sadd.s32 $0xFFFFFFFF, s22;
	v34 =	vld [tilespmem:s26+$0x10];
	s19 =	sadd.s32 $0x10, s19  }
0x81: {  	v35 =	vbroadcast v3, $0x1;
	v36 =	vld [tilespmem:s28+$0x20];
	v21 =	vadd.f32 v13, v5  }
0x82: {  	v38 =	vbroadcast v3, $0x3;
	v14 =	vbroadcast v3, $0xB;
	v13 =	vadd.f32 v22, v2;
	v37 =	vld [tilespmem:s26+$0x30]  }
0x83: {  	v32 =	vadd.f32 v32, v6;
	v22 =	vbroadcast v3, $0x0;
	v33 =	vadd.f32 v33, v35;
	v39 =	vld [tilespmem:s21+$0x0];
	s28 =	spop (v2sf)  }
0x84: {  	v29 =	vadd.f32 v29, v38;
	v30 =	vadd.f32 v30, v38;
	v40 =	vld [tilespmem:s28+$0x0]  }
0x85: {  	v41 =	vbroadcast v3, $0x5;
	v25 =	vadd.f32 v25, v22;
	v28 =	vadd.f32 v28, v35;
	v42 =	vld [tilespmem:s24+$0x20]  }
0x86: {  	v43 =	vbroadcast v3, $0x4;
	v31 =	vadd.f32 v31, v35;
	v35 =	vadd.f32 v36, v35;
	v36 =	vld [tilespmem:s29+$0x30]  }
0x87: {  	v34 =	vadd.f32 v34, v22;
	v17 =	vmin.f32 v17, v25;
	v25 =	vadd.f32 v27, v6;
	v27 =	vld [tilespmem:s24+$0x10]  }
0x88: {  	v26 =	vadd.f32 v26, v38;
	v23 =	vadd.f32 v23, v43;
	v17 =	vmin.f32 v17, v35;
	v35 =	vld [tilespmem:s18+$0x10]  }
0x89: {  	v20 =	vadd.f32 v20, v6;
	v24 =	vmin.f32 v24, v34;
	v44 =	vld [tilespmem:s26+$0x0];
	v17 =	vmin.f32 v17, v25;
	s26 =	spop (v2sf)  }
0x8a: {  	v24 =	vmin.f32 v24, v31;
	v25 =	vadd.f32 v37, v22;
	v17 =	vmin.f32 v17, v26;
	v26 =	vld [tilespmem:s26+$0x30]  }
0x8b: {  	v20 =	vmin.f32 v24, v20;
	v24 =	vadd.f32 v42, v41;
	v17 =	vmin.f32 v17, v23;
	v31 =	vld [tilespmem:s28+$0x10]  }
0x8c: {  	v20 =	vmin.f32 v20, v30;
	v19 =	vmin.f32 v19, v25;
	v25 =	vadd.f32 v27, v41;
	v27 =	vld [tilespmem:s20+$0x10]  }
0x8d: {  	v34 =	vbroadcast v3, $0x9;
	v23 =	vmin.f32 v19, v33;
	v33 =	vmin.f32 v17, v24;
	v30 =	vld [tilespmem:s25+$0x30]  }
0x8e: {  	v37 =	vadd.f32 v18, v43;
	v42 =	vbroadcast v3, $0x7;
	v24 =	vbroadcast v3, $0x6;
	v18 =	vld [tilespmem:s21+$0x20]  }
0x8f: {  	v19 =	vbroadcast v3, $0xC;
	v45 =	vld [tilespmem:s28+$0x20];
	v17 =	vadd.f32 v26, v34;
	v26 =	vadd.f32 v35, v5  }
0x90: {  	v35 =	vadd.f32 v39, v24;
	v31 =	vadd.f32 v31, v42;
	v39 =	vld [tilespmem:s26+$0x10]  }
0x91: {  	v44 =	vadd.f32 v22, v44;
	v22 =	vbroadcast v3, $0x8;
	v12 =	vadd.f32 v12, v19;
	v46 =	vld [tilespmem:s25+$0x10]  }
0x92: {  	v47 =	vadd.f32 v15, v24;
	v15 =	vbroadcast v3, $0xF;
	v30 =	vadd.f32 v30, v43;
	v48 =	vld [tilespmem:s20+$0x20]  }
0x93: {  	v40 =	vadd.f32 v40, v42;
	v16 =	vmin.f32 v16, v44;
	v11 =	vadd.f32 v11, v22;
	v44 =	vld [tilespmem:s24+$0x30]  }
0x94: {  	v16 =	vmin.f32 v16, v28;
	v28 =	vadd.f32 v18, v24;
	v18 =	vadd.f32 v9, v15;
	v49 =	vld [tilespmem:s16+$0x20]  }
0x95: {  	v9 =	vmin.f32 v16, v32;
	v16 =	vadd.f32 v8, v15;
	v32 =	vld [tilespmem:s26+$0x0];
	v39 =	vadd.f32 v39, v34  }
0x96: {  	v8 =	vmin.f32 v9, v29;
	v28 =	vmin.f32 v33, v28;
	v9 =	vadd.f32 v46, v43;
	v29 =	vld [tilespmem:s26+$0x20]  }
0x97: {  	v27 =	vadd.f32 v27, v22;
	v8 =	vmin.f32 v8, v37;
	v37 =	vadd.f32 v45, v42;
	v33 =	vld [tilespmem:s19+$0x0]  }
0x98: {  	v36 =	vadd.f32 v36, v38;
	v9 =	vmin.f32 v20, v9;
	v38 =	vadd.f32 v44, v41;
	v43 =	vld [tilespmem:s16+$0x0]  }
0x99: {  	v7 =	vadd.f32 v7, v14;
	v20 =	vmin.f32 v28, v37;
	v44 =	vld [tilespmem:s23+$0x30];
	v9 =	vmin.f32 v9, v25  }
0x9a: {  	v28 =	vadd.f32 v48, v22;
	v9 =	vmin.f32 v9, v47;
	v25 =	vld [tilespmem:s28+$0x30];
	v32 =	vadd.f32 v32, v34  }
0x9b: {  	v10 =	vadd.f32 v10, v41;
	v9 =	vmin.f32 v9, v31;
	v29 =	vadd.f32 v29, v34;
	v31 =	vld [tilespmem:s17+$0x0]  }
0x9c: {  	v34 =	vshll.u32 v33, $0x8;
	v9 =	vmin.f32 v9, v27;
	v27 =	vmin.f32 v20, v28;
	v28 =	vld [tilespmem:s13+$0x20]  }
0x9d: {  	v20 =	vshra.s32 v34, $0x2;
	v27 =	vmin.f32 v27, v29;
	v29 =	vld [tilespmem:s18+$0x0];
	v34 =	vadd.f32 v43, v14  }
0x9e: {  	v41 =	vadd.f32 v49, v14;
	v43 =	vbroadcast v3, $0xD;
	(v2sf) =	vpush v20, $0xF;
	v37 =	vld [tilespmem:s21+$0x30]  }
0x9f: {  	v8 =	vmin.f32 v8, v10;
	v3 =	vld.idx.msk [tilespmem:v33+s9+$0x0], $0xffff;
	(v2sf) =	vpush v20, $0x0;
	v10 =	vadd.f32 v25, v42  }
0xa0: {  	v8 =	vmin.f32 v8, v35;
	v9 =	vmin.f32 v9, v39;
	(v2sf) =	vpush v20, $0xE;
	v25 =	vld [tilespmem:s20+$0x30]  }
0xa1: {  	v21 =	vmin.f32 v27, v21;
	v27 =	vadd.f32 v31, v19;
	(v2sf) =	vpush v20, $0xD;
	v31 =	vld [tilespmem:s17+$0x10]  }
0xa2: {  	v8 =	vmin.f32 v8, v40;
	v9 =	vmin.f32 v9, v26;
	(v2sf) =	vpush v20, $0xB;
	v26 =	vld [tilespmem:s15+$0x0]  }
0xa3: {  	v8 =	vmin.f32 v8, v11;
	v11 =	vadd.f32 v29, v5;
	(v2sf) =	vpush v20, $0xA;
	v29 =	vld [tilespmem:s18+$0x30]  }
0xa4: {  	v21 =	vmin.f32 v21, v41;
	v4 =	vadd.f32 v4, v43;
	(v2sf) =	vpush v20, $0xC;
	v33 =	vld [tilespmem:s17+$0x30]  }
0xa5: {  	v6 =	vadd.f32 v44, v6;
	v12 =	vmin.f32 v21, v12;
	(v2sf) =	vpush v20, $0x8;
	v21 =	vld [tilespmem:s14+$0x0]  }
0xa6: {  	v8 =	vmin.f32 v8, v32;
	v28 =	vadd.f32 v28, v15;
	(v2sf) =	vpush v20, $0x5;
	v32 =	vld [tilespmem:s16+$0x30]  }
0xa7: {  	v6 =	vmin.f32 v23, v6;
	v8 =	vmin.f32 v8, v11;
	(v2sf) =	vpush v20, $0x6;
	v11 =	vld [tilespmem:s15+$0x10]  }
0xa8: {  	v6 =	vmin.f32 v6, v36;
	v23 =	vadd.f32 v37, v24;
	(v2sf) =	vpush v20, $0x4;
	v24 =	vld [tilespmem:s14+$0x10]  }
0xa9: {  	v6 =	vmin.f32 v6, v30;
	v8 =	vmin.f32 v8, v34;
	(v2sf) =	vpush v20, $0x2;
	v30 =	vld [tilespmem:s15+$0x30]  }
0xaa: {  	v12 =	vmin.f32 v12, v4;
	v6 =	vmin.f32 v6, v38;
	(v2sf) =	vpush v20, $0x1;
	v34 =	vld [tilespmem:s14+$0x30]  }
0xab: {  	v4 =	vmin.f32 v9, v7;
	v7 =	vadd.f32 v31, v19;
	(v2sf) =	vpush v20, $0x3;
	v31 =	vld [tilespmem:s13+$0x30]  }
0xac: {  	v6 =	vmin.f32 v6, v23;
	v23 =	vmin.f32 v8, v27;
	v26 =	vadd.f32 v26, v43  }
0xad: {  	v25 =	vadd.f32 v25, v22;
	v27 =	vbroadcast v3, $0xE;
	v21 =	vadd.f32 v21, v2;
	s13 =	spop (v2sf)  }
0xae: {  	v6 =	vmin.f32 v6, v10;
	v10 =	vadd.f32 v32, v14;
	v11 =	vadd.f32 v11, v43;
	v8 =	vld [tilespmem:s13+$0x0];
	s26 =	spop (v2sf)  }
0xaf: {  	v5 =	vadd.f32 v29, v5;
	v14 =	vadd.f32 v33, v19;
	v19 =	vmin.f32 v23, v26;
	v9 =	vld [tilespmem:s13+$0x10];
	s14 =	spop (v2sf)  }
0xb0: {  	v6 =	vmin.f32 v6, v25;
	v7 =	vmin.f32 v4, v7;
	v19 =	vmin.f32 v19, v21;
	v22 =	vld [tilespmem:s14+$0x20];
	s15 =	spop (v2sf)  }
0xb1: {  	v6 =	vmin.f32 v6, v17;
	v17 =	vadd.f32 v24, v2;
	v11 =	vmin.f32 v7, v11;
	v4 =	vld [tilespmem:s15+$0x20];
	s16 =	spop (v2sf)  }
0xb2: {  	v12 =	vmin.f32 v12, v13;
	v5 =	vmin.f32 v6, v5;
	v6 =	vadd.f32 v30, v43;
	v7 =	vld [tilespmem:s16+$0x10];
	s18 =	spop (v2sf)  }
0xb3: {  	v5 =	vmin.f32 v5, v10;
	v10 =	vmin.f32 v11, v17;
	v17 =	vmin.f32 v12, v28;
	v13 =	vld [tilespmem:s18+$0x20];
	s17 =	spop (v2sf)  }
0xb4: {  	v5 =	vmin.f32 v5, v14;
	v14 =	vadd.f32 v34, v2;
	v2 =	vmovc v27;
	v15 =	vadd.f32 v31, v15;
	v12 =	vld [tilespmem:s17+$0x20];
	s20 =	spop (v2sf)  }
0xb5: {  	v16 =	vmin.f32 v19, v16;
	v5 =	vmin.f32 v5, v6;
	v24 =	vmin.f32 v10, v18;
	v11 =	vld [tilespmem:s20+$0x0];
	s24 =	spop (v2sf)  }
0xb6: {  	v5 =	vmin.f32 v5, v14;
	v25 =	vld [tilespmem:s26+$0x20];
	s21 =	spop (v2sf)  }
0xb7: {  	v19 =	vmin.f32 v5, v15;
	v10 =	vld [tilespmem:s24+$0x0];
	s25 =	spop (v2sf)  }
0xb8: {  	v23 =	vld [tilespmem:s25+$0x20];
	s23 =	spop (v2sf);
	(v2sf) =	vpush v20, $0x7  }
0xb9: {  	v15 =	vld [tilespmem:s21+$0x10];
	s28 =	spop (v2sf)  }
0xba: {  	v18 =	vld [tilespmem:s25+$0x0];
	s29 =	spop (v2sf)  }
0xbb: {  	v26 =	vld [tilespmem:s29+$0x20]  }
0xbc: {  	v29 =	vld [tilespmem:s29+$0x0]  }
0xbd: {  	v30 =	vld [tilespmem:s29+$0x10]  }
0xbe: {  	v32 =	vld [tilespmem:s23+$0x0];
	(v2sf) =	vpush v20, $0x9  }
.Ltmp10:
0xbf: {  	v6 =	vbroadcast v3, $0x2;
	v27 =	vld [tilespmem:s23+$0x20];
	(pc) =	sbr.rel @p0 .LBB2_13-.Ltmp10, $4  }
0xc0: {  	v20 =	vld [tilespmem:s23+$0x10]  }
0xc1: {  	v33 =	vld [tilespmem:s28+$0x30]  }
0xc2: {  	v31 =	vld [tilespmem:s28+$0x10]  }
0xc3: {  	v5 =	vbroadcast v3, $0xA;
	v28 =	vld [tilespmem:s28+$0x0]  }
.LBB2_14:
0xc4: {  	v21 =	vld [tilespmem:s26+$0x10]  }
0xc5: {  	v34 =	vbroadcast v3, $0x1;
	v35 =	vld [tilespmem:s28+$0x20];
	v38 =	vbroadcast v3, $0x3  }
0xc6: {  	v37 =	vld [tilespmem:s26+$0x30];
	v49 =	vbroadcast v3, $0x0;
	v36 =	vadd.f32 v13, v5;
	v13 =	vadd.f32 v22, v2  }
0xc7: {  	v39 =	vld [tilespmem:s21+$0x0];
	v14 =	vbroadcast v3, $0xB;
	v32 =	vadd.f32 v32, v6;
	v50 =	vadd.f32 v27, v6  }
0xc8: {  	v42 =	vld [tilespmem:s24+$0x20];
	v44 =	vbroadcast v3, $0x4;
	v20 =	vadd.f32 v20, v6;
	v33 =	vadd.f32 v33, v34  }
0xc9: {  	v51 =	vld [tilespmem:s24+$0x10];
	v46 =	vbroadcast v3, $0x8;
	v25 =	vadd.f32 v25, v49;
	v26 =	vadd.f32 v26, v38  }
0xca: {  	v41 =	vbroadcast v3, $0x5;
	v45 =	vld [tilespmem:s26+$0x0];
	v23 =	vadd.f32 v23, v44;
	v18 =	vadd.f32 v18, v44  }
0xcb: {  	v59 =	vld [tilespmem:s25+$0x30];
	v11 =	vadd.f32 v11, v46;
	v7 =	vadd.f32 v7, v14  }
0xcc: {  	v63 =	vld [tilespmem:s25+$0x10];
	v10 =	vadd.f32 v10, v41;
	v29 =	vadd.f32 v29, v38  }
0xcd: {  	v48 =	vld [tilespmem:s24+$0x30];
	v31 =	vadd.f32 v31, v34;
	v30 =	vadd.f32 v30, v38  }
0xce: {  	v43 =	vld [tilespmem:s29+$0x30];
	v55 =	vadd.f32 v28, v34;
	v35 =	vadd.f32 v35, v34  }
0xcf: {  	v52 =	vld [tilespmem:s18+$0x10];
	v21 =	vadd.f32 v21, v49;
	v53 =	vadd.f32 v37, v49  }
0xd0: {  	v58 =	vld [tilespmem:s20+$0x10];
	v17 =	vmin.f32 v17, v25;
	v57 =	vadd.f32 v42, v41;
	v27 =	vadd.f32 v51, v41  }
0xd1: {  	v60 =	vld [tilespmem:s21+$0x20];
	s19 =	spop (v2sf);
	v34 =	vbroadcast v3, $0x7;
	v22 =	vadd.f32 v49, v45;
	v28 =	vadd.f32 v59, v44  }
0xd2: {  	v40 =	vld [tilespmem:s19+$0x0];
	v42 =	vbroadcast v3, $0xC;
	v44 =	vadd.f32 v63, v44;
	v59 =	vadd.f32 v48, v41  }
0xd3: {  	v56 =	vld [tilespmem:s19+$0x10];
	v17 =	vmin.f32 v17, v35;
	v21 =	vmin.f32 v24, v21;
	v19 =	vmin.f32 v19, v53  }
0xd4: {  	v47 =	vld [tilespmem:s20+$0x20];
	v35 =	vadd.f32 v52, v5;
	v12 =	vadd.f32 v12, v42;
	v16 =	vmin.f32 v16, v22  }
0xd5: {  	v61 =	vld [tilespmem:s19+$0x20];
	v22 =	vbroadcast v3, $0xF;
	v24 =	vadd.f32 v58, v46;
	v58 =	vadd.f32 v43, v38  }
0xd6: {  	v63 =	vld [tilespmem:s17+$0x0];
	v17 =	vmin.f32 v17, v50;
	v21 =	vmin.f32 v21, v31;
	v19 =	vmin.f32 v19, v33  }
0xd7: {  	v49 =	vld [tilespmem:s21+$0x30];
	v31 =	vbroadcast v3, $0x6;
	v16 =	vmin.f32 v16, v55;
	v17 =	vmin.f32 v17, v26  }
0xd8: {  	v53 =	vld [tilespmem:s16+$0x20];
	s22 =	spop (v2sf);
	v20 =	vmin.f32 v21, v20;
	v21 =	vadd.f32 v56, v34;
	v40 =	vadd.f32 v40, v34  }
0xd9: {  	v16 =	vmin.f32 v16, v32;
	v9 =	vadd.f32 v9, v22;
	v8 =	vadd.f32 v8, v22;
	v54 =	vld [tilespmem:s22+$0x30]  }
0xda: {  	v17 =	vmin.f32 v17, v23;
	v20 =	vmin.f32 v20, v30;
	v23 =	vadd.f32 v39, v31;
	v62 =	vld [tilespmem:s22+$0x10]  }
0xdb: {  	v30 =	vbroadcast v3, $0x9;
	v15 =	vadd.f32 v15, v31;
	v52 =	vadd.f32 v60, v31;
	v55 =	vld [tilespmem:s22+$0x20]  }
0xdc: {  	v16 =	vmin.f32 v16, v29;
	v56 =	vld [tilespmem:s22+$0x0];
	v3 =	vbroadcast v3, $0xD;
	v51 =	vadd.f32 v63, v42  }
0xdd: {  	v60 =	vld [tilespmem:s23+$0x30];
	v26 =	vadd.f32 v49, v31;
	v17 =	vmin.f32 v17, v57;
	v16 =	vmin.f32 v16, v18  }
0xde: {  	v18 =	vadd.f32 v61, v34;
	v57 =	vld [tilespmem:s16+$0x0];
	v20 =	vmin.f32 v20, v44;
	v61 =	vadd.f32 v47, v46  }
0xdf: {  	v44 =	vld [tilespmem:s13+$0x20];
	v17 =	vmin.f32 v17, v52;
	v20 =	vmin.f32 v20, v27;
	v50 =	vadd.f32 v53, v14  }
0xe0: {  	v47 =	vld [tilespmem:s18+$0x0];
	v10 =	vmin.f32 v16, v10;
	v4 =	vadd.f32 v4, v3;
	v15 =	vmin.f32 v20, v15  }
0xe1: {  	v53 =	vld [tilespmem:s15+$0x0];
	v17 =	vmin.f32 v17, v18;
	v10 =	vmin.f32 v10, v23;
	v15 =	vmin.f32 v15, v21  }
0xe2: {  	v18 =	vld [tilespmem:s19+$0x30];
	v17 =	vmin.f32 v17, v61;
	v25 =	vadd.f32 v54, v30;
	v54 =	vadd.f32 v62, v30  }
0xe3: {  	v10 =	vmin.f32 v10, v40;
	v62 =	vadd.f32 v55, v30;
	v45 =	vadd.f32 v56, v30  }
0xe4: {  	v52 =	vld [tilespmem:s17+$0x10];
	v15 =	vmin.f32 v15, v24;
	v6 =	vadd.f32 v60, v6;
	v10 =	vmin.f32 v10, v11  }
0xe5: {  	v61 =	vld [tilespmem:s14+$0x30];
	v48 =	vadd.f32 v57, v14;
	v21 =	vadd.f32 v44, v22;
	v17 =	vmin.f32 v17, v62  }
0xe6: {  	v56 =	vld [tilespmem:s15+$0x10];
	v15 =	vmin.f32 v15, v54;
	v54 =	vadd.f32 v47, v5;
	v6 =	vmin.f32 v19, v6  }
0xe7: {  	v10 =	vmin.f32 v10, v45;
	v60 =	vadd.f32 v53, v3;
	v16 =	vadd.f32 v18, v34;
	v18 =	vld [tilespmem:s20+$0x30]  }
0xe8: {  	v55 =	vld [tilespmem:s18+$0x30];
	v17 =	vmin.f32 v17, v36;
	v15 =	vmin.f32 v15, v35;
	v6 =	vmin.f32 v6, v58  }
0xe9: {  	v19 =	vld [tilespmem:s16+$0x30];
	v17 =	vmin.f32 v17, v50;
	v10 =	vmin.f32 v10, v54;
	v6 =	vmin.f32 v6, v28  }
0xea: {  	v7 =	vmin.f32 v15, v7;
	v15 =	vadd.f32 v52, v42;
	v12 =	vmin.f32 v17, v12;
	v17 =	vld [tilespmem:s14+$0x0]  }
0xeb: {  	v57 =	vld [tilespmem:s17+$0x30];
	v62 =	vadd.f32 v61, v2;
	v10 =	vmin.f32 v10, v48;
	v6 =	vmin.f32 v6, v59  }
0xec: {  	v59 =	vld [tilespmem:s15+$0x30];
	v11 =	vadd.f32 v56, v3;
	v6 =	vmin.f32 v6, v26;
	v18 =	vadd.f32 v18, v46  }
0xed: {  	v58 =	vld [tilespmem:s14+$0x10];
	v5 =	vadd.f32 v55, v5;
	v4 =	vmin.f32 v12, v4;
	v6 =	vmin.f32 v6, v16  }
0xee: {  	v10 =	vmin.f32 v10, v51;
	v7 =	vmin.f32 v7, v15;
	v16 =	vld [tilespmem:s13+$0x30];
	v6 =	vmin.f32 v6, v18  }
0xef: {  	v14 =	vadd.f32 v19, v14;
	v17 =	vadd.f32 v17, v2;
	v6 =	vmin.f32 v6, v25  }
0xf0: {  	v10 =	vmin.f32 v10, v60;
	v18 =	vadd.f32 v57, v42;
	v5 =	vmin.f32 v6, v5  }
.Ltmp11:
0xf1: {  	v3 =	vadd.f32 v59, v3;
	v10 =	vmin.f32 v10, v17;
	v5 =	vmin.f32 v5, v14;
	(pc) =	sbr.rel .LBB2_15-.Ltmp11, $4  }
0xf2: {  	v6 =	vmin.f32 v7, v11;
	v7 =	vadd.f32 v58, v2;
	v5 =	vmin.f32 v5, v18  }
0xf3: {  	v2 =	vmin.f32 v4, v13;
	v63 =	vadd.f32 v16, v22;
	v3 =	vmin.f32 v5, v3  }
0xf4: {  	v2 =	vmin.f32 v2, v21;
	v4 =	vmin.f32 v6, v7;
	v3 =	vmin.f32 v3, v62  }
0xf5: {  	v17 =	vmin.f32 v10, v8;
	v4 =	vmin.f32 v4, v9;
	v3 =	vmin.f32 v3, v63  }
.LBB2_11:
0xf6: {  	v4 =	vimm.f32 $+Inf;
	v2 =	vimm.f32 $+Inf;
	v3 =	vimm.f32 $+Inf  }
.LBB2_15:
0xf7: {  	v5 =	vld [tilespmem:s4+$0x10000];
	_ =	sdelay $0x4  }
0xf8: {  	v5 =	vmin.f32 v17, v5  }
0xf9: {  	[tilespmem:$0x10800] =	vst v5  }
0xfa: {  	v5 =	vld [tilespmem:s4+$0x10010];
	_ =	sdelay $0x4  }
0xfb: {  	v4 =	vmin.f32 v4, v5  }
0xfc: {  	[tilespmem:$0x10810] =	vst v4  }
0xfd: {  	v4 =	vld [tilespmem:s4+$0x10020];
	_ =	sdelay $0x4  }
0xfe: {  	v2 =	vmin.f32 v2, v4  }
0xff: {  	[tilespmem:$0x10820] =	vst v2  }
0x100: {  	v2 =	vld [tilespmem:s4+$0x10030];
	_ =	sdelay $0x4  }
0x101: {  	v2 =	vmin.f32 v3, v2  }
0x102: {  	[tilespmem:$0x10830] =	vst v2  }
0x103: {  	[spmem:s5] =	stream.linear.scatter [tilespmem:s10], [sflag:$0x1], $0x40, $0x38;
	[tilespmem:$0x12EA0] =	vst v63  }
0x104: {  	_ =	swait.ge [sflag:s7], $0x40  }
0x105: {  	[sflag:s7] =	ssyncset.done $0x0  }
0x106: {  	[sflag:s7] =	ssyncadd.s32 $0xFFFFFFC0  }
0x107: {  	[bflag:$0x0] =	sbarrier.arrive $0xFFFF  }
0x108: {  	[tilespmem:s11], [sflag:$0x1] =	stream.linear.gather [spmem:s3], $0x400, $0x38;
	[tilespmem:$0x12EA0] =	vst v63  }
0x109: {  	_ =	swait.ge [sflag:s7], $0x400  }
0x10a: {  	[sflag:s7] =	ssyncset.done $0x0  }
0x10b: {  	s13 =	simm.s32 $0x10020;
	[sflag:s7] =	ssyncadd.s32 $0xFFFFFC00  }
0x10c: {  	s14 =	simm.s32 $0x10420;
	v2 =	vld [tilespmem:s13+$0xFFFFFFE0]  }
0x10d: {  	v3 =	vld [tilespmem:s14+$0xFFFFFFE0];
	_ =	sdelay $0x4  }
0x10e: {  	vm0 =	vlt.f32 v3, v2  }
0x10f: {  	v2 =	vmpcnt.ones.xlane vm0;
	_ =	sdelay $0x1  }
0x110: {  	(v2sf) =	vpush v2, $0x0;
	_ =	sdelay $0x2  }
0x111: {  	s15 =	simm.s32 $0x0  }
0x112: {  	[tilespmem:s13+$0xFFFFFFE0] =	vst v3;
	v2 =	vor.u32 s15, v1  }
0x113: {  	[tilespmem:s15+$0x10860] =	vst.msk vm0, v2  }
0x114: {  	v2 =	vld [tilespmem:s14+$0xFFFFFFF0]  }
0x115: {  	v3 =	vld [tilespmem:s13+$0xFFFFFFF0];
	_ =	sdelay $0x4  }
0x116: {  	vm13 =	vlt.f32 v2, v3  }
0x117: {  	v3 =	vmpcnt.ones.xlane vm13;
	_ =	sdelay $0x1  }
0x118: {  	s16 =	spop (v2sf);
	(v2sf) =	vpush v3, $0x0;
	_ =	sdelay $0x3  }
0x119: {  	s28 =	simm.s32 $0x10  }
0x11a: {  	[tilespmem:s13+$0xFFFFFFF0] =	vst v2;
	v2 =	vor.u32 s28, v1;
	s16 =	sadd.s32 $0x0, s16  }
0x11b: {  	[tilespmem:s16+$0x10860] =	vst.msk vm13, v2  }
0x11c: {  	v2 =	vld [tilespmem:s13+$0x0]  }
0x11d: {  	v3 =	vld [tilespmem:s14+$0x0];
	_ =	sdelay $0x4  }
0x11e: {  	vm14 =	vlt.f32 v3, v2  }
0x11f: {  	v2 =	vmpcnt.ones.xlane vm14  }
0x120: {  	s29 =	simm.s32 $0x20;
	s17 =	spop (v2sf)  }
0x121: {  	[tilespmem:s13+$0x0] =	vst v3;
	(v2sf) =	vpush v2, $0x0;
	v2 =	vor.u32 s29, v1;
	s16 =	sadd.s32 s16, s17  }
0x122: {  	[tilespmem:s16+$0x10860] =	vst.msk vm14, v2  }
0x123: {  	v2 =	vld [tilespmem:s13+$0x10]  }
0x124: {  	v3 =	vld [tilespmem:s14+$0x10];
	_ =	sdelay $0x4  }
0x125: {  	vm15 =	vlt.f32 v3, v2  }
0x126: {  	[tilespmem:s13+$0x10] =	vst v3;
	v3 =	vmpcnt.ones.xlane vm15;
	_ =	sdelay $0x1  }
0x127: {  	(v2sf) =	vpush v3, $0x0;
	_ =	sdelay $0x6  }
0x128: {  	s30 =	simm.s32 $0x30;
	s31 =	spop (v2sf)  }
0x129: {  	v2 =	vor.u32 s30, v1;
	s18 =	sadd.s32 s16, s31  }
0x12a: {  	s13 =	simm.s32 $0x10060;
	[tilespmem:s18+$0x10860] =	vst.msk vm15, v2  }
0x12b: {  	s15 =	simm.s32 $0x10460;
	v2 =	vld [tilespmem:s13+$0xFFFFFFE0]  }
0x12c: {  	s14 =	simm.s32 $0x40;
	s16 =	simm.s32 $0x80;
	v3 =	vld [tilespmem:s15+$0xFFFFFFE0]  }
.LBB2_16:
0x12d: {  	_ =	sdelay $0x1  }
0x12e: {  	p0 =	sne.s32 s16, $0x3C0;
	s17 =	smov.u32 s16;
	s16 =	sadd.s32 $0x40, s16  }
0x12f: {  	s19 =	spop (v2sf)  }
0x130: {  	[tilespmem:s13+$0xFFFFFFE0] =	vst v3;
	vm0 =	vlt.f32 v3, v2;
	v2 =	vor.u32 s14, v1;
	s18 =	sadd.s32 s18, s19  }
0x131: {  	[tilespmem:s18+$0x10860] =	vst.msk vm0, v2;
	v2 =	vmpcnt.ones.xlane vm0  }
0x132: {  	v3 =	vld [tilespmem:s15+$0xFFFFFFF0]  }
0x133: {  	v4 =	vld [tilespmem:s13+$0xFFFFFFF0];
	(v2sf) =	vpush v2, $0x0;
	_ =	sdelay $0x4  }
0x134: {  	vm0 =	vlt.f32 v3, v4  }
0x135: {  	v2 =	vmpcnt.ones.xlane vm0;
	_ =	sdelay $0x1  }
0x136: {  	(v2sf) =	vpush v2, $0x0;
	_ =	sdelay $0x6  }
0x137: {  	s19 =	sadd.s32 $0x10, s14;
	s20 =	spop (v2sf)  }
0x138: {  	v2 =	vor.u32 s19, v1;
	s18 =	sadd.s32 s18, s20;
	[tilespmem:s13+$0xFFFFFFF0] =	vst v3  }
0x139: {  	[tilespmem:s18+$0x10860] =	vst.msk vm0, v2  }
0x13a: {  	v2 =	vld [tilespmem:s13+$0x0]  }
0x13b: {  	v3 =	vld [tilespmem:s15+$0x0];
	_ =	sdelay $0x3  }
0x13c: {  	s19 =	sadd.s32 $0x20, s14;
	s20 =	spop (v2sf)  }
0x13d: {  	s18 =	sadd.s32 s18, s20;
	[tilespmem:s13+$0x0] =	vst v3;
	vm0 =	vlt.f32 v3, v2;
	v2 =	vor.u32 s19, v1  }
0x13e: {  	[tilespmem:s18+$0x10860] =	vst.msk vm0, v2;
	v2 =	vmpcnt.ones.xlane vm0  }
0x13f: {  	v3 =	vld [tilespmem:s13+$0x10]  }
0x140: {  	v4 =	vld [tilespmem:s15+$0x10];
	(v2sf) =	vpush v2, $0x0;
	_ =	sdelay $0x4  }
0x141: {  	[tilespmem:s13+$0x10] =	vst v4;
	vm0 =	vlt.f32 v4, v3  }
0x142: {  	v2 =	vmpcnt.ones.xlane vm0;
	_ =	sdelay $0x1  }
0x143: {  	(v2sf) =	vpush v2, $0x0;
	_ =	sdelay $0x5  }
0x144: {  	s19 =	sadd.s32 $0x30, s14  }
.Ltmp12:
0x145: {  	s14 =	smov.u32 s17;
	s20 =	spop (v2sf);
	(pc) =	sbr.rel @p0 .LBB2_16-.Ltmp12, $4  }
0x146: {  	v2 =	vor.u32 s19, v1;
	s18 =	sadd.s32 s18, s20  }
0x147: {  	s13 =	sadd.s32 $0x40, s13;
	[tilespmem:s18+$0x10860] =	vst.msk vm0, v2  }
0x148: {  	s15 =	sadd.s32 $0x40, s15;
	v2 =	vld [tilespmem:s13+$0xFFFFFFE0]  }
0x149: {  	v3 =	vld [tilespmem:s15+$0xFFFFFFE0]  }
0x14a: {  	_ =	sdelay $0x2  }
0x14b: {  	s16 =	spop (v2sf)  }
0x14c: {  	[tilespmem:s13+$0xFFFFFFE0] =	vst v3;
	vm0 =	vlt.f32 v3, v2;
	v2 =	vor.u32 s14, v1;
	s16 =	sadd.s32 s18, s16  }
0x14d: {  	[tilespmem:s16+$0x10860] =	vst.msk vm0, v2;
	v2 =	vmpcnt.ones.xlane vm0  }
0x14e: {  	v3 =	vld [tilespmem:s15+$0xFFFFFFF0]  }
0x14f: {  	v4 =	vld [tilespmem:s13+$0xFFFFFFF0];
	(v2sf) =	vpush v2, $0x0;
	_ =	sdelay $0x4  }
0x150: {  	vm13 =	vlt.f32 v3, v4  }
0x151: {  	v2 =	vmpcnt.ones.xlane vm13;
	_ =	sdelay $0x1  }
0x152: {  	(v2sf) =	vpush v2, $0x0;
	_ =	sdelay $0x6  }
0x153: {  	s17 =	sadd.s32 $0x10, s14;
	s25 =	spop (v2sf)  }
0x154: {  	[tilespmem:s13+$0xFFFFFFF0] =	vst v3;
	v2 =	vor.u32 s17, v1;
	s16 =	sadd.s32 s16, s25  }
0x155: {  	[tilespmem:s16+$0x10860] =	vst.msk vm13, v2  }
0x156: {  	v2 =	vld [tilespmem:s13+$0x0]  }
0x157: {  	v3 =	vld [tilespmem:s15+$0x0];
	_ =	sdelay $0x3  }
0x158: {  	s26 =	sadd.s32 $0x20, s14;
	s28 =	spop (v2sf)  }
0x159: {  	s16 =	sadd.s32 s16, s28;
	[tilespmem:s13+$0x0] =	vst v3;
	vm14 =	vlt.f32 v3, v2;
	v2 =	vor.u32 s26, v1  }
0x15a: {  	[tilespmem:s16+$0x10860] =	vst.msk vm14, v2  }
0x15b: {  	v2 =	vld [tilespmem:s13+$0x10]  }
0x15c: {  	v3 =	vld [tilespmem:s15+$0x10];
	_ =	sdelay $0x4  }
0x15d: {  	v63 =	vmpcnt.ones.xlane vm14;
	vm15 =	vlt.f32 v3, v2  }
0x15e: {  	v2 =	vmpcnt.ones.xlane vm15  }
0x15f: {  	(v2sf) =	vpush v63, $0x0  }
0x160: {  	(v2sf) =	vpush v2, $0x0;
	_ =	sdelay $0xd  }
0x161: {  	s29 =	spop (v2sf)  }
0x162: {  	s15 =	sadd.s32 s16, s29;
	s30 =	spop (v2sf)  }
0x163: {  	s31 =	sadd.s32 $0x30, s14;
	s16 =	sadd.s32 s15, s30  }
.Ltmp13:
0x164: {  	s17 =	simm.s32 $0x1;
	p0 =	sgt.s32 s16, $0x0;
	(pc) =	sbr.rel .LBB2_18-.Ltmp13, $3  }
0x165: {  	[tilespmem:s13+$0x10] =	vst v3;
	v2 =	vor.u32 s31, v1;
	[smem:$0x8] =	sst s16;
	s17 =	simm.s32 @!p0 $0x0  }
0x166: {  	[tilespmem:s15+$0x10860] =	vst.msk vm15, v2;
	[smem:$0x0] =	sst s17  }
0x167: {  	[bflag:$0x0] =	sbarrier.arrive $0xFFFF;
	_ =	sdelay $0x1  }
.LBB2_20:
0x168: {  	s12 =	sld [smem:$0x0];
	_ =	sdelay $0x2  }
0x169: {  	p0 =	slt.s32 s12, $0x1  }
.Ltmp14:
0x16a: {  	_ = 	snop;
	(pc) =	sbr.rel @p0 .LBB2_33-.Ltmp14, $3  }
0x16b: {  	_ = 	snop  }
0x16c: {  	s7 =	smul.u32 $0x440, s2;
	_ =	sdelay $0x1  }
0x16d: {  	s6 =	sadd.s32 s6, s7  }
0x16e: {  	s7 =	simm.s32 $0x0;
	s8 =	simm.s32 $0x1  }
0x16f: {  	s9 =	simm.s32 $0x10000;
	s10 =	simm.s32 $0x10800;
	s11 =	simm.s32 $0x10400;
	v1 =	vlaneseq.u32  }
.LBB2_23:
0x170: {  	p0 =	slt.s32 s12, $0x1  }
.Ltmp15:
0x171: {  	_ = 	snop;
	(pc) =	sbr.rel @p0 .LBB2_32-.Ltmp15, $1  }
0x172: {  	_ =	sdelay $0x3  }
0x173: {  	s12 =	sld [smem:$0x8];
	_ =	sdelay $0x2  }
0x174: {  	s12 =	sadd.s32 $0xF, s12  }
0x175: {  	s13 =	sand.u32 $0xF, s12  }
0x176: {  	s31 =	sshra.s32 s12, $0x1F;
	p1 =	slt.s32 s12, $0x1;
	p0 =	sne.s32 s13, $0x0  }
0x177: {  	s13 =	sshrl.u32 s31, $0x1C;
	p0 =	por !p1, !p0  }
0x178: {  	s12 =	sadd.s32 s13, s12;
	s13 =	simm.s32 $0x1;
	p0 =	por !p0, !p0  }
0x179: {  	s12 =	sshra.s32 s12, $0x4;
	s13 =	simm.s32 @!p0 $0x0  }
0x17a: {  	s21 =	ssub.s32 s12, s13  }
0x17b: {  	p0 =	slt.s32 s21, $0x1  }
.Ltmp16:
0x17c: {  	_ = 	snop;
	(pc) =	sbr.rel @p0 .LBB2_25-.Ltmp16, $2  }
0x17d: {  	_ =	sdelay $0x2  }
0x17e: {  	v17 =	vimm.f32 $+Inf;
	s18 =	simm.s32 $0x10860  }
0x17f: {  	v2 =	vld [tilespmem:s18+$0x0];
	_ =	sdelay $0x4  }
0x180: {  	v3 =	vshll.u32 v2, $0x8  }
0x181: {  	v5 =	vshra.s32 v3, $0x2  }
0x182: {  	(v2sf) =	vpush v5, $0xF;
	_ =	sdelay $0x1  }
0x183: {  	(v2sf) =	vpush v5, $0x0  }
0x184: {  	(v2sf) =	vpush v5, $0xE  }
0x185: {  	(v2sf) =	vpush v5, $0xD  }
0x186: {  	(v2sf) =	vpush v5, $0xB  }
0x187: {  	(v2sf) =	vpush v5, $0xA  }
0x188: {  	(v2sf) =	vpush v5, $0xC  }
0x189: {  	(v2sf) =	vpush v5, $0x8  }
0x18a: {  	(v2sf) =	vpush v5, $0x5  }
0x18b: {  	(v2sf) =	vpush v5, $0x6  }
0x18c: {  	(v2sf) =	vpush v5, $0x4;
	_ =	sdelay $0x1  }
0x18d: {  	(v2sf) =	vpush v5, $0x2;
	_ =	sdelay $0x1  }
0x18e: {  	v3 =	vld.idx.msk [tilespmem:v2+s9+$0x0], $0xffff;
	s12 =	spop (v2sf)  }
0x18f: {  	(v2sf) =	vpush v5, $0x1;
	v8 =	vld [tilespmem:s12+$0x0]  }
0x190: {  	s25 =	spop (v2sf);
	v9 =	vld [tilespmem:s12+$0x10]  }
0x191: {  	s13 =	spop (v2sf);
	v25 =	vld [tilespmem:s25+$0x20]  }
0x192: {  	(v2sf) =	vpush v5, $0x3;
	v22 =	vld [tilespmem:s13+$0x20];
	s14 =	spop (v2sf)  }
0x193: {  	v4 =	vld [tilespmem:s14+$0x20];
	s15 =	spop (v2sf)  }
0x194: {  	v7 =	vld [tilespmem:s15+$0x10];
	s17 =	spop (v2sf)  }
0x195: {  	v13 =	vld [tilespmem:s17+$0x20];
	s16 =	spop (v2sf)  }
0x196: {  	v12 =	vld [tilespmem:s16+$0x20];
	s19 =	spop (v2sf)  }
0x197: {  	v11 =	vld [tilespmem:s19+$0x0];
	s23 =	spop (v2sf)  }
0x198: {  	s20 =	spop (v2sf);
	v10 =	vld [tilespmem:s23+$0x0]  }
0x199: {  	(v2sf) =	vpush v5, $0x7;
	s24 =	spop (v2sf);
	v15 =	vld [tilespmem:s20+$0x10]  }
0x19a: {  	v23 =	vld [tilespmem:s24+$0x20]  }
0x19b: {  	s22 =	spop (v2sf);
	v18 =	vld [tilespmem:s24+$0x0]  }
0x19c: {  	v32 =	vld [tilespmem:s22+$0x0]  }
0x19d: {  	v27 =	vld [tilespmem:s22+$0x20]  }
0x19e: {  	s26 =	spop (v2sf);
	v20 =	vld [tilespmem:s22+$0x10]  }
0x19f: {  	p0 =	sne.s32 s21, $0x1;
	(v2sf) =	vpush v5, $0x9;
	v33 =	vld [tilespmem:s26+$0x30]  }
.Ltmp17:
0x1a0: {  	v31 =	vld [tilespmem:s26+$0x10];
	(pc) =	sbr.rel @!p0 .LBB2_28-.Ltmp17, $4  }
0x1a1: {  	s28 =	spop (v2sf);
	v28 =	vld [tilespmem:s26+$0x0]  }
0x1a2: {  	v26 =	vld [tilespmem:s28+$0x20]  }
0x1a3: {  	v24 =	vimm.f32 $+Inf;
	v19 =	vimm.f32 $+Inf;
	v2 =	vbroadcast v3, $0xE;
	v29 =	vld [tilespmem:s28+$0x0]  }
0x1a4: {  	s21 =	sadd.s32 $0xFFFFFFFF, s21;
	v16 =	vimm.f32 $+Inf;
	v6 =	vbroadcast v3, $0x2;
	v5 =	vbroadcast v3, $0xA;
	v30 =	vld [tilespmem:s28+$0x10]  }
.LBB2_27:
0x1a5: {  	p0 =	sne.s32 s21, $0x1;
	s21 =	sadd.s32 $0xFFFFFFFF, s21;
	v34 =	vld [tilespmem:s25+$0x10];
	s18 =	sadd.s32 $0x10, s18  }
0x1a6: {  	v35 =	vbroadcast v3, $0x1;
	v36 =	vld [tilespmem:s26+$0x20];
	v21 =	vadd.f32 v13, v5  }
0x1a7: {  	v38 =	vbroadcast v3, $0x3;
	v14 =	vbroadcast v3, $0xB;
	v13 =	vadd.f32 v22, v2;
	v37 =	vld [tilespmem:s25+$0x30]  }
0x1a8: {  	v32 =	vadd.f32 v32, v6;
	v22 =	vbroadcast v3, $0x0;
	v33 =	vadd.f32 v33, v35;
	v39 =	vld [tilespmem:s20+$0x0];
	s26 =	spop (v2sf)  }
0x1a9: {  	v29 =	vadd.f32 v29, v38;
	v30 =	vadd.f32 v30, v38;
	v40 =	vld [tilespmem:s26+$0x0]  }
0x1aa: {  	v41 =	vbroadcast v3, $0x5;
	v25 =	vadd.f32 v25, v22;
	v28 =	vadd.f32 v28, v35;
	v42 =	vld [tilespmem:s23+$0x20]  }
0x1ab: {  	v43 =	vbroadcast v3, $0x4;
	v31 =	vadd.f32 v31, v35;
	v35 =	vadd.f32 v36, v35;
	v36 =	vld [tilespmem:s28+$0x30]  }
0x1ac: {  	v34 =	vadd.f32 v34, v22;
	v17 =	vmin.f32 v17, v25;
	v25 =	vadd.f32 v27, v6;
	v27 =	vld [tilespmem:s23+$0x10]  }
0x1ad: {  	v26 =	vadd.f32 v26, v38;
	v23 =	vadd.f32 v23, v43;
	v17 =	vmin.f32 v17, v35;
	v35 =	vld [tilespmem:s17+$0x10]  }
0x1ae: {  	v20 =	vadd.f32 v20, v6;
	v24 =	vmin.f32 v24, v34;
	v44 =	vld [tilespmem:s25+$0x0];
	v17 =	vmin.f32 v17, v25;
	s25 =	spop (v2sf)  }
0x1af: {  	v24 =	vmin.f32 v24, v31;
	v25 =	vadd.f32 v37, v22;
	v17 =	vmin.f32 v17, v26;
	v26 =	vld [tilespmem:s25+$0x30]  }
0x1b0: {  	v20 =	vmin.f32 v24, v20;
	v24 =	vadd.f32 v42, v41;
	v17 =	vmin.f32 v17, v23;
	v31 =	vld [tilespmem:s26+$0x10]  }
0x1b1: {  	v20 =	vmin.f32 v20, v30;
	v19 =	vmin.f32 v19, v25;
	v25 =	vadd.f32 v27, v41;
	v27 =	vld [tilespmem:s19+$0x10]  }
0x1b2: {  	v34 =	vbroadcast v3, $0x9;
	v23 =	vmin.f32 v19, v33;
	v33 =	vmin.f32 v17, v24;
	v30 =	vld [tilespmem:s24+$0x30]  }
0x1b3: {  	v37 =	vadd.f32 v18, v43;
	v42 =	vbroadcast v3, $0x7;
	v24 =	vbroadcast v3, $0x6;
	v18 =	vld [tilespmem:s20+$0x20]  }
0x1b4: {  	v19 =	vbroadcast v3, $0xC;
	v45 =	vld [tilespmem:s26+$0x20];
	v17 =	vadd.f32 v26, v34;
	v26 =	vadd.f32 v35, v5  }
0x1b5: {  	v35 =	vadd.f32 v39, v24;
	v31 =	vadd.f32 v31, v42;
	v39 =	vld [tilespmem:s25+$0x10]  }
0x1b6: {  	v44 =	vadd.f32 v22, v44;
	v22 =	vbroadcast v3, $0x8;
	v12 =	vadd.f32 v12, v19;
	v46 =	vld [tilespmem:s24+$0x10]  }
0x1b7: {  	v47 =	vadd.f32 v15, v24;
	v15 =	vbroadcast v3, $0xF;
	v30 =	vadd.f32 v30, v43;
	v48 =	vld [tilespmem:s19+$0x20]  }
0x1b8: {  	v40 =	vadd.f32 v40, v42;
	v16 =	vmin.f32 v16, v44;
	v11 =	vadd.f32 v11, v22;
	v44 =	vld [tilespmem:s23+$0x30]  }
0x1b9: {  	v16 =	vmin.f32 v16, v28;
	v28 =	vadd.f32 v18, v24;
	v18 =	vadd.f32 v9, v15;
	v49 =	vld [tilespmem:s15+$0x20]  }
0x1ba: {  	v9 =	vmin.f32 v16, v32;
	v16 =	vadd.f32 v8, v15;
	v32 =	vld [tilespmem:s25+$0x0];
	v39 =	vadd.f32 v39, v34  }
0x1bb: {  	v8 =	vmin.f32 v9, v29;
	v28 =	vmin.f32 v33, v28;
	v9 =	vadd.f32 v46, v43;
	v29 =	vld [tilespmem:s25+$0x20]  }
0x1bc: {  	v27 =	vadd.f32 v27, v22;
	v8 =	vmin.f32 v8, v37;
	v37 =	vadd.f32 v45, v42;
	v33 =	vld [tilespmem:s18+$0x0]  }
0x1bd: {  	v36 =	vadd.f32 v36, v38;
	v9 =	vmin.f32 v20, v9;
	v38 =	vadd.f32 v44, v41;
	v43 =	vld [tilespmem:s15+$0x0]  }
0x1be: {  	v7 =	vadd.f32 v7, v14;
	v20 =	vmin.f32 v28, v37;
	v44 =	vld [tilespmem:s22+$0x30];
	v9 =	vmin.f32 v9, v25  }
0x1bf: {  	v28 =	vadd.f32 v48, v22;
	v9 =	vmin.f32 v9, v47;
	v25 =	vld [tilespmem:s26+$0x30];
	v32 =	vadd.f32 v32, v34  }
0x1c0: {  	v10 =	vadd.f32 v10, v41;
	v9 =	vmin.f32 v9, v31;
	v29 =	vadd.f32 v29, v34;
	v31 =	vld [tilespmem:s16+$0x0]  }
0x1c1: {  	v34 =	vshll.u32 v33, $0x8;
	v9 =	vmin.f32 v9, v27;
	v27 =	vmin.f32 v20, v28;
	v28 =	vld [tilespmem:s12+$0x20]  }
0x1c2: {  	v20 =	vshra.s32 v34, $0x2;
	v27 =	vmin.f32 v27, v29;
	v29 =	vld [tilespmem:s17+$0x0];
	v34 =	vadd.f32 v43, v14  }
0x1c3: {  	v41 =	vadd.f32 v49, v14;
	v43 =	vbroadcast v3, $0xD;
	(v2sf) =	vpush v20, $0xF;
	v37 =	vld [tilespmem:s20+$0x30]  }
0x1c4: {  	v8 =	vmin.f32 v8, v10;
	v3 =	vld.idx.msk [tilespmem:v33+s9+$0x0], $0xffff;
	(v2sf) =	vpush v20, $0x0;
	v10 =	vadd.f32 v25, v42  }
0x1c5: {  	v8 =	vmin.f32 v8, v35;
	v9 =	vmin.f32 v9, v39;
	(v2sf) =	vpush v20, $0xE;
	v25 =	vld [tilespmem:s19+$0x30]  }
0x1c6: {  	v21 =	vmin.f32 v27, v21;
	v27 =	vadd.f32 v31, v19;
	(v2sf) =	vpush v20, $0xD;
	v31 =	vld [tilespmem:s16+$0x10]  }
0x1c7: {  	v8 =	vmin.f32 v8, v40;
	v9 =	vmin.f32 v9, v26;
	(v2sf) =	vpush v20, $0xB;
	v26 =	vld [tilespmem:s14+$0x0]  }
0x1c8: {  	v8 =	vmin.f32 v8, v11;
	v11 =	vadd.f32 v29, v5;
	(v2sf) =	vpush v20, $0xA;
	v29 =	vld [tilespmem:s17+$0x30]  }
0x1c9: {  	v21 =	vmin.f32 v21, v41;
	v4 =	vadd.f32 v4, v43;
	(v2sf) =	vpush v20, $0xC;
	v33 =	vld [tilespmem:s16+$0x30]  }
0x1ca: {  	v6 =	vadd.f32 v44, v6;
	v12 =	vmin.f32 v21, v12;
	(v2sf) =	vpush v20, $0x8;
	v21 =	vld [tilespmem:s13+$0x0]  }
0x1cb: {  	v8 =	vmin.f32 v8, v32;
	v28 =	vadd.f32 v28, v15;
	(v2sf) =	vpush v20, $0x5;
	v32 =	vld [tilespmem:s15+$0x30]  }
0x1cc: {  	v6 =	vmin.f32 v23, v6;
	v8 =	vmin.f32 v8, v11;
	(v2sf) =	vpush v20, $0x6;
	v11 =	vld [tilespmem:s14+$0x10]  }
0x1cd: {  	v6 =	vmin.f32 v6, v36;
	v23 =	vadd.f32 v37, v24;
	(v2sf) =	vpush v20, $0x4;
	v24 =	vld [tilespmem:s13+$0x10]  }
0x1ce: {  	v6 =	vmin.f32 v6, v30;
	v8 =	vmin.f32 v8, v34;
	(v2sf) =	vpush v20, $0x2;
	v30 =	vld [tilespmem:s14+$0x30]  }
0x1cf: {  	v12 =	vmin.f32 v12, v4;
	v6 =	vmin.f32 v6, v38;
	(v2sf) =	vpush v20, $0x1;
	v34 =	vld [tilespmem:s13+$0x30]  }
0x1d0: {  	v4 =	vmin.f32 v9, v7;
	v7 =	vadd.f32 v31, v19;
	(v2sf) =	vpush v20, $0x3;
	v31 =	vld [tilespmem:s12+$0x30]  }
0x1d1: {  	v6 =	vmin.f32 v6, v23;
	v23 =	vmin.f32 v8, v27;
	v26 =	vadd.f32 v26, v43  }
0x1d2: {  	v25 =	vadd.f32 v25, v22;
	v27 =	vbroadcast v3, $0xE;
	v21 =	vadd.f32 v21, v2;
	s12 =	spop (v2sf)  }
0x1d3: {  	v6 =	vmin.f32 v6, v10;
	v10 =	vadd.f32 v32, v14;
	v11 =	vadd.f32 v11, v43;
	v8 =	vld [tilespmem:s12+$0x0];
	s25 =	spop (v2sf)  }
0x1d4: {  	v5 =	vadd.f32 v29, v5;
	v14 =	vadd.f32 v33, v19;
	v19 =	vmin.f32 v23, v26;
	v9 =	vld [tilespmem:s12+$0x10];
	s13 =	spop (v2sf)  }
0x1d5: {  	v6 =	vmin.f32 v6, v25;
	v7 =	vmin.f32 v4, v7;
	v19 =	vmin.f32 v19, v21;
	v22 =	vld [tilespmem:s13+$0x20];
	s14 =	spop (v2sf)  }
0x1d6: {  	v6 =	vmin.f32 v6, v17;
	v17 =	vadd.f32 v24, v2;
	v11 =	vmin.f32 v7, v11;
	v4 =	vld [tilespmem:s14+$0x20];
	s15 =	spop (v2sf)  }
0x1d7: {  	v12 =	vmin.f32 v12, v13;
	v5 =	vmin.f32 v6, v5;
	v6 =	vadd.f32 v30, v43;
	v7 =	vld [tilespmem:s15+$0x10];
	s17 =	spop (v2sf)  }
0x1d8: {  	v5 =	vmin.f32 v5, v10;
	v10 =	vmin.f32 v11, v17;
	v17 =	vmin.f32 v12, v28;
	v13 =	vld [tilespmem:s17+$0x20];
	s16 =	spop (v2sf)  }
0x1d9: {  	v5 =	vmin.f32 v5, v14;
	v14 =	vadd.f32 v34, v2;
	v2 =	vmovc v27;
	v15 =	vadd.f32 v31, v15;
	v12 =	vld [tilespmem:s16+$0x20];
	s19 =	spop (v2sf)  }
0x1da: {  	v16 =	vmin.f32 v19, v16;
	v5 =	vmin.f32 v5, v6;
	v24 =	vmin.f32 v10, v18;
	v11 =	vld [tilespmem:s19+$0x0];
	s23 =	spop (v2sf)  }
0x1db: {  	v5 =	vmin.f32 v5, v14;
	v25 =	vld [tilespmem:s25+$0x20];
	s20 =	spop (v2sf)  }
0x1dc: {  	v19 =	vmin.f32 v5, v15;
	v10 =	vld [tilespmem:s23+$0x0];
	s24 =	spop (v2sf)  }
0x1dd: {  	v23 =	vld [tilespmem:s24+$0x20];
	s22 =	spop (v2sf);
	(v2sf) =	vpush v20, $0x7  }
0x1de: {  	v15 =	vld [tilespmem:s20+$0x10];
	s26 =	spop (v2sf)  }
0x1df: {  	v18 =	vld [tilespmem:s24+$0x0];
	s28 =	spop (v2sf)  }
0x1e0: {  	v26 =	vld [tilespmem:s28+$0x20]  }
0x1e1: {  	v29 =	vld [tilespmem:s28+$0x0]  }
0x1e2: {  	v30 =	vld [tilespmem:s28+$0x10]  }
0x1e3: {  	v32 =	vld [tilespmem:s22+$0x0];
	(v2sf) =	vpush v20, $0x9  }
.Ltmp18:
0x1e4: {  	v6 =	vbroadcast v3, $0x2;
	v27 =	vld [tilespmem:s22+$0x20];
	(pc) =	sbr.rel @p0 .LBB2_27-.Ltmp18, $4  }
0x1e5: {  	v20 =	vld [tilespmem:s22+$0x10]  }
0x1e6: {  	v33 =	vld [tilespmem:s26+$0x30]  }
0x1e7: {  	v31 =	vld [tilespmem:s26+$0x10]  }
0x1e8: {  	v5 =	vbroadcast v3, $0xA;
	v28 =	vld [tilespmem:s26+$0x0]  }
.LBB2_28:
0x1e9: {  	v21 =	vld [tilespmem:s25+$0x10]  }
0x1ea: {  	v34 =	vbroadcast v3, $0x1;
	v35 =	vld [tilespmem:s26+$0x20];
	v38 =	vbroadcast v3, $0x3  }
0x1eb: {  	v37 =	vld [tilespmem:s25+$0x30];
	v49 =	vbroadcast v3, $0x0;
	v36 =	vadd.f32 v13, v5;
	v13 =	vadd.f32 v22, v2  }
0x1ec: {  	v39 =	vld [tilespmem:s20+$0x0];
	v14 =	vbroadcast v3, $0xB;
	v32 =	vadd.f32 v32, v6;
	v50 =	vadd.f32 v27, v6  }
0x1ed: {  	v42 =	vld [tilespmem:s23+$0x20];
	v44 =	vbroadcast v3, $0x4;
	v20 =	vadd.f32 v20, v6;
	v33 =	vadd.f32 v33, v34  }
0x1ee: {  	v51 =	vld [tilespmem:s23+$0x10];
	v46 =	vbroadcast v3, $0x8;
	v25 =	vadd.f32 v25, v49;
	v26 =	vadd.f32 v26, v38  }
0x1ef: {  	v41 =	vbroadcast v3, $0x5;
	v45 =	vld [tilespmem:s25+$0x0];
	v23 =	vadd.f32 v23, v44;
	v18 =	vadd.f32 v18, v44  }
0x1f0: {  	v59 =	vld [tilespmem:s24+$0x30];
	v11 =	vadd.f32 v11, v46;
	v7 =	vadd.f32 v7, v14  }
0x1f1: {  	v63 =	vld [tilespmem:s24+$0x10];
	v10 =	vadd.f32 v10, v41;
	v29 =	vadd.f32 v29, v38  }
0x1f2: {  	v48 =	vld [tilespmem:s23+$0x30];
	v31 =	vadd.f32 v31, v34;
	v30 =	vadd.f32 v30, v38  }
0x1f3: {  	v43 =	vld [tilespmem:s28+$0x30];
	v55 =	vadd.f32 v28, v34;
	v35 =	vadd.f32 v35, v34  }
0x1f4: {  	v52 =	vld [tilespmem:s17+$0x10];
	v21 =	vadd.f32 v21, v49;
	v53 =	vadd.f32 v37, v49  }
0x1f5: {  	v58 =	vld [tilespmem:s19+$0x10];
	v17 =	vmin.f32 v17, v25;
	v57 =	vadd.f32 v42, v41;
	v27 =	vadd.f32 v51, v41  }
0x1f6: {  	v60 =	vld [tilespmem:s20+$0x20];
	s18 =	spop (v2sf);
	v34 =	vbroadcast v3, $0x7;
	v22 =	vadd.f32 v49, v45;
	v28 =	vadd.f32 v59, v44  }
0x1f7: {  	v40 =	vld [tilespmem:s18+$0x0];
	v42 =	vbroadcast v3, $0xC;
	v44 =	vadd.f32 v63, v44;
	v59 =	vadd.f32 v48, v41  }
0x1f8: {  	v56 =	vld [tilespmem:s18+$0x10];
	v17 =	vmin.f32 v17, v35;
	v21 =	vmin.f32 v24, v21;
	v19 =	vmin.f32 v19, v53  }
0x1f9: {  	v47 =	vld [tilespmem:s19+$0x20];
	v35 =	vadd.f32 v52, v5;
	v12 =	vadd.f32 v12, v42;
	v16 =	vmin.f32 v16, v22  }
0x1fa: {  	v61 =	vld [tilespmem:s18+$0x20];
	v22 =	vbroadcast v3, $0xF;
	v24 =	vadd.f32 v58, v46;
	v58 =	vadd.f32 v43, v38  }
0x1fb: {  	v63 =	vld [tilespmem:s16+$0x0];
	v17 =	vmin.f32 v17, v50;
	v21 =	vmin.f32 v21, v31;
	v19 =	vmin.f32 v19, v33  }
0x1fc: {  	v49 =	vld [tilespmem:s20+$0x30];
	v31 =	vbroadcast v3, $0x6;
	v16 =	vmin.f32 v16, v55;
	v17 =	vmin.f32 v17, v26  }
0x1fd: {  	v53 =	vld [tilespmem:s15+$0x20];
	s21 =	spop (v2sf);
	v20 =	vmin.f32 v21, v20;
	v21 =	vadd.f32 v56, v34;
	v40 =	vadd.f32 v40, v34  }
0x1fe: {  	v16 =	vmin.f32 v16, v32;
	v9 =	vadd.f32 v9, v22;
	v8 =	vadd.f32 v8, v22;
	v54 =	vld [tilespmem:s21+$0x30]  }
0x1ff: {  	v17 =	vmin.f32 v17, v23;
	v20 =	vmin.f32 v20, v30;
	v23 =	vadd.f32 v39, v31;
	v62 =	vld [tilespmem:s21+$0x10]  }
0x200: {  	v30 =	vbroadcast v3, $0x9;
	v15 =	vadd.f32 v15, v31;
	v52 =	vadd.f32 v60, v31;
	v55 =	vld [tilespmem:s21+$0x20]  }
0x201: {  	v16 =	vmin.f32 v16, v29;
	v56 =	vld [tilespmem:s21+$0x0];
	v3 =	vbroadcast v3, $0xD;
	v51 =	vadd.f32 v63, v42  }
0x202: {  	v60 =	vld [tilespmem:s22+$0x30];
	v26 =	vadd.f32 v49, v31;
	v17 =	vmin.f32 v17, v57;
	v16 =	vmin.f32 v16, v18  }
0x203: {  	v18 =	vadd.f32 v61, v34;
	v57 =	vld [tilespmem:s15+$0x0];
	v20 =	vmin.f32 v20, v44;
	v61 =	vadd.f32 v47, v46  }
0x204: {  	v44 =	vld [tilespmem:s12+$0x20];
	v17 =	vmin.f32 v17, v52;
	v20 =	vmin.f32 v20, v27;
	v50 =	vadd.f32 v53, v14  }
0x205: {  	v47 =	vld [tilespmem:s17+$0x0];
	v10 =	vmin.f32 v16, v10;
	v4 =	vadd.f32 v4, v3;
	v15 =	vmin.f32 v20, v15  }
0x206: {  	v53 =	vld [tilespmem:s14+$0x0];
	v17 =	vmin.f32 v17, v18;
	v10 =	vmin.f32 v10, v23;
	v15 =	vmin.f32 v15, v21  }
0x207: {  	v18 =	vld [tilespmem:s18+$0x30];
	v17 =	vmin.f32 v17, v61;
	v25 =	vadd.f32 v54, v30;
	v54 =	vadd.f32 v62, v30  }
0x208: {  	v10 =	vmin.f32 v10, v40;
	v62 =	vadd.f32 v55, v30;
	v45 =	vadd.f32 v56, v30  }
0x209: {  	v52 =	vld [tilespmem:s16+$0x10];
	v15 =	vmin.f32 v15, v24;
	v6 =	vadd.f32 v60, v6;
	v10 =	vmin.f32 v10, v11  }
0x20a: {  	v61 =	vld [tilespmem:s13+$0x30];
	v48 =	vadd.f32 v57, v14;
	v21 =	vadd.f32 v44, v22;
	v17 =	vmin.f32 v17, v62  }
0x20b: {  	v56 =	vld [tilespmem:s14+$0x10];
	v15 =	vmin.f32 v15, v54;
	v54 =	vadd.f32 v47, v5;
	v6 =	vmin.f32 v19, v6  }
0x20c: {  	v10 =	vmin.f32 v10, v45;
	v60 =	vadd.f32 v53, v3;
	v16 =	vadd.f32 v18, v34;
	v18 =	vld [tilespmem:s19+$0x30]  }
0x20d: {  	v55 =	vld [tilespmem:s17+$0x30];
	v17 =	vmin.f32 v17, v36;
	v15 =	vmin.f32 v15, v35;
	v6 =	vmin.f32 v6, v58  }
0x20e: {  	v19 =	vld [tilespmem:s15+$0x30];
	v17 =	vmin.f32 v17, v50;
	v10 =	vmin.f32 v10, v54;
	v6 =	vmin.f32 v6, v28  }
0x20f: {  	v7 =	vmin.f32 v15, v7;
	v15 =	vadd.f32 v52, v42;
	v12 =	vmin.f32 v17, v12;
	v17 =	vld [tilespmem:s13+$0x0]  }
0x210: {  	v57 =	vld [tilespmem:s16+$0x30];
	v62 =	vadd.f32 v61, v2;
	v10 =	vmin.f32 v10, v48;
	v6 =	vmin.f32 v6, v59  }
0x211: {  	v59 =	vld [tilespmem:s14+$0x30];
	v11 =	vadd.f32 v56, v3;
	v6 =	vmin.f32 v6, v26;
	v18 =	vadd.f32 v18, v46  }
0x212: {  	v58 =	vld [tilespmem:s13+$0x10];
	v5 =	vadd.f32 v55, v5;
	v4 =	vmin.f32 v12, v4;
	v6 =	vmin.f32 v6, v16  }
0x213: {  	v10 =	vmin.f32 v10, v51;
	v7 =	vmin.f32 v7, v15;
	v16 =	vld [tilespmem:s12+$0x30];
	v6 =	vmin.f32 v6, v18  }
0x214: {  	v14 =	vadd.f32 v19, v14;
	v17 =	vadd.f32 v17, v2;
	v6 =	vmin.f32 v6, v25  }
0x215: {  	v10 =	vmin.f32 v10, v60;
	v18 =	vadd.f32 v57, v42;
	v5 =	vmin.f32 v6, v5  }
.Ltmp19:
0x216: {  	v3 =	vadd.f32 v59, v3;
	v10 =	vmin.f32 v10, v17;
	v5 =	vmin.f32 v5, v14;
	(pc) =	sbr.rel .LBB2_29-.Ltmp19, $4  }
0x217: {  	v6 =	vmin.f32 v7, v11;
	v7 =	vadd.f32 v58, v2;
	v5 =	vmin.f32 v5, v18  }
0x218: {  	v2 =	vmin.f32 v4, v13;
	v63 =	vadd.f32 v16, v22;
	v3 =	vmin.f32 v5, v3  }
0x219: {  	v2 =	vmin.f32 v2, v21;
	v4 =	vmin.f32 v6, v7;
	v3 =	vmin.f32 v3, v62  }
0x21a: {  	v17 =	vmin.f32 v10, v8;
	v4 =	vmin.f32 v4, v9;
	v3 =	vmin.f32 v3, v63  }
.LBB2_25:
0x21b: {  	v4 =	vimm.f32 $+Inf;
	v2 =	vimm.f32 $+Inf;
	v3 =	vimm.f32 $+Inf  }
.LBB2_29:
0x21c: {  	v5 =	vld [tilespmem:s4+$0x10000];
	_ =	sdelay $0x4  }
0x21d: {  	v5 =	vmin.f32 v17, v5  }
0x21e: {  	[tilespmem:$0x10800] =	vst v5  }
0x21f: {  	v5 =	vld [tilespmem:s4+$0x10010];
	_ =	sdelay $0x4  }
0x220: {  	v4 =	vmin.f32 v4, v5  }
0x221: {  	[tilespmem:$0x10810] =	vst v4  }
0x222: {  	v4 =	vld [tilespmem:s4+$0x10020];
	_ =	sdelay $0x4  }
0x223: {  	v2 =	vmin.f32 v2, v4  }
0x224: {  	[tilespmem:$0x10820] =	vst v2  }
0x225: {  	v2 =	vld [tilespmem:s4+$0x10030];
	_ =	sdelay $0x4  }
0x226: {  	v2 =	vmin.f32 v3, v2  }
0x227: {  	[tilespmem:$0x10830] =	vst v2  }
0x228: {  	[spmem:s5] =	stream.linear.scatter [tilespmem:s10], [sflag:$0x1], $0x40, $0x38;
	[tilespmem:$0x12EA0] =	vst v63  }
0x229: {  	_ =	swait.ge [sflag:s8], $0x40  }
0x22a: {  	[sflag:s8] =	ssyncset.done $0x0  }
0x22b: {  	[sflag:s8] =	ssyncadd.s32 $0xFFFFFFC0  }
0x22c: {  	[bflag:$0x0] =	sbarrier.arrive $0xFFFF  }
0x22d: {  	[tilespmem:s11], [sflag:$0x1] =	stream.linear.gather [spmem:s3], $0x400, $0x38;
	[tilespmem:$0x12EA0] =	vst v63  }
0x22e: {  	_ =	swait.ge [sflag:s8], $0x400  }
0x22f: {  	[sflag:s8] =	ssyncset.done $0x0  }
0x230: {  	s12 =	simm.s32 $0x10020;
	[sflag:s8] =	ssyncadd.s32 $0xFFFFFC00  }
0x231: {  	s13 =	simm.s32 $0x10420;
	v2 =	vld [tilespmem:s12+$0xFFFFFFE0]  }
0x232: {  	v3 =	vld [tilespmem:s13+$0xFFFFFFE0];
	_ =	sdelay $0x4  }
0x233: {  	vm0 =	vlt.f32 v3, v2  }
0x234: {  	v2 =	vmpcnt.ones.xlane vm0;
	_ =	sdelay $0x1  }
0x235: {  	(v2sf) =	vpush v2, $0x0;
	_ =	sdelay $0x2  }
0x236: {  	s14 =	simm.s32 $0x0  }
0x237: {  	[tilespmem:s12+$0xFFFFFFE0] =	vst v3;
	v2 =	vor.u32 s14, v1  }
0x238: {  	[tilespmem:s14+$0x10860] =	vst.msk vm0, v2  }
0x239: {  	v2 =	vld [tilespmem:s13+$0xFFFFFFF0]  }
0x23a: {  	v3 =	vld [tilespmem:s12+$0xFFFFFFF0];
	_ =	sdelay $0x4  }
0x23b: {  	vm13 =	vlt.f32 v2, v3  }
0x23c: {  	v3 =	vmpcnt.ones.xlane vm13;
	_ =	sdelay $0x1  }
0x23d: {  	s15 =	spop (v2sf);
	(v2sf) =	vpush v3, $0x0;
	_ =	sdelay $0x3  }
0x23e: {  	s28 =	simm.s32 $0x10  }
0x23f: {  	[tilespmem:s12+$0xFFFFFFF0] =	vst v2;
	v2 =	vor.u32 s28, v1;
	s15 =	sadd.s32 $0x0, s15  }
0x240: {  	[tilespmem:s15+$0x10860] =	vst.msk vm13, v2  }
0x241: {  	v2 =	vld [tilespmem:s12+$0x0]  }
0x242: {  	v3 =	vld [tilespmem:s13+$0x0];
	_ =	sdelay $0x4  }
0x243: {  	vm14 =	vlt.f32 v3, v2  }
0x244: {  	v2 =	vmpcnt.ones.xlane vm14  }
0x245: {  	s29 =	simm.s32 $0x20;
	s16 =	spop (v2sf)  }
0x246: {  	[tilespmem:s12+$0x0] =	vst v3;
	(v2sf) =	vpush v2, $0x0;
	v2 =	vor.u32 s29, v1;
	s15 =	sadd.s32 s15, s16  }
0x247: {  	[tilespmem:s15+$0x10860] =	vst.msk vm14, v2  }
0x248: {  	v2 =	vld [tilespmem:s12+$0x10]  }
0x249: {  	v3 =	vld [tilespmem:s13+$0x10];
	_ =	sdelay $0x4  }
0x24a: {  	vm15 =	vlt.f32 v3, v2  }
0x24b: {  	[tilespmem:s12+$0x10] =	vst v3;
	v3 =	vmpcnt.ones.xlane vm15;
	_ =	sdelay $0x1  }
0x24c: {  	(v2sf) =	vpush v3, $0x0;
	_ =	sdelay $0x6  }
0x24d: {  	s30 =	simm.s32 $0x30;
	s31 =	spop (v2sf)  }
0x24e: {  	v2 =	vor.u32 s30, v1;
	s17 =	sadd.s32 s15, s31  }
0x24f: {  	s12 =	simm.s32 $0x10060;
	[tilespmem:s17+$0x10860] =	vst.msk vm15, v2  }
0x250: {  	s14 =	simm.s32 $0x10460;
	v2 =	vld [tilespmem:s12+$0xFFFFFFE0]  }
0x251: {  	s13 =	simm.s32 $0x40;
	s15 =	simm.s32 $0x80;
	v3 =	vld [tilespmem:s14+$0xFFFFFFE0]  }
.LBB2_30:
0x252: {  	_ =	sdelay $0x1  }
0x253: {  	p0 =	sne.s32 s15, $0x3C0;
	s16 =	smov.u32 s15;
	s15 =	sadd.s32 $0x40, s15  }
0x254: {  	s18 =	spop (v2sf)  }
0x255: {  	[tilespmem:s12+$0xFFFFFFE0] =	vst v3;
	vm0 =	vlt.f32 v3, v2;
	v2 =	vor.u32 s13, v1;
	s17 =	sadd.s32 s17, s18  }
0x256: {  	[tilespmem:s17+$0x10860] =	vst.msk vm0, v2;
	v2 =	vmpcnt.ones.xlane vm0  }
0x257: {  	v3 =	vld [tilespmem:s14+$0xFFFFFFF0]  }
0x258: {  	v4 =	vld [tilespmem:s12+$0xFFFFFFF0];
	(v2sf) =	vpush v2, $0x0;
	_ =	sdelay $0x4  }
0x259: {  	vm0 =	vlt.f32 v3, v4  }
0x25a: {  	v2 =	vmpcnt.ones.xlane vm0;
	_ =	sdelay $0x1  }
0x25b: {  	(v2sf) =	vpush v2, $0x0;
	_ =	sdelay $0x6  }
0x25c: {  	s18 =	sadd.s32 $0x10, s13;
	s19 =	spop (v2sf)  }
0x25d: {  	v2 =	vor.u32 s18, v1;
	s17 =	sadd.s32 s17, s19;
	[tilespmem:s12+$0xFFFFFFF0] =	vst v3  }
0x25e: {  	[tilespmem:s17+$0x10860] =	vst.msk vm0, v2  }
0x25f: {  	v2 =	vld [tilespmem:s12+$0x0]  }
0x260: {  	v3 =	vld [tilespmem:s14+$0x0];
	_ =	sdelay $0x3  }
0x261: {  	s18 =	sadd.s32 $0x20, s13;
	s19 =	spop (v2sf)  }
0x262: {  	s17 =	sadd.s32 s17, s19;
	[tilespmem:s12+$0x0] =	vst v3;
	vm0 =	vlt.f32 v3, v2;
	v2 =	vor.u32 s18, v1  }
0x263: {  	[tilespmem:s17+$0x10860] =	vst.msk vm0, v2;
	v2 =	vmpcnt.ones.xlane vm0  }
0x264: {  	v3 =	vld [tilespmem:s12+$0x10]  }
0x265: {  	v4 =	vld [tilespmem:s14+$0x10];
	(v2sf) =	vpush v2, $0x0;
	_ =	sdelay $0x4  }
0x266: {  	[tilespmem:s12+$0x10] =	vst v4;
	vm0 =	vlt.f32 v4, v3  }
0x267: {  	v2 =	vmpcnt.ones.xlane vm0;
	_ =	sdelay $0x1  }
0x268: {  	(v2sf) =	vpush v2, $0x0;
	_ =	sdelay $0x5  }
0x269: {  	s18 =	sadd.s32 $0x30, s13  }
.Ltmp20:
0x26a: {  	s13 =	smov.u32 s16;
	s19 =	spop (v2sf);
	(pc) =	sbr.rel @p0 .LBB2_30-.Ltmp20, $4  }
0x26b: {  	v2 =	vor.u32 s18, v1;
	s17 =	sadd.s32 s17, s19  }
0x26c: {  	s12 =	sadd.s32 $0x40, s12;
	[tilespmem:s17+$0x10860] =	vst.msk vm0, v2  }
0x26d: {  	s14 =	sadd.s32 $0x40, s14;
	v2 =	vld [tilespmem:s12+$0xFFFFFFE0]  }
0x26e: {  	v3 =	vld [tilespmem:s14+$0xFFFFFFE0]  }
0x26f: {  	_ =	sdelay $0x2  }
0x270: {  	s15 =	spop (v2sf)  }
0x271: {  	[tilespmem:s12+$0xFFFFFFE0] =	vst v3;
	vm0 =	vlt.f32 v3, v2;
	v2 =	vor.u32 s13, v1;
	s15 =	sadd.s32 s17, s15  }
0x272: {  	[tilespmem:s15+$0x10860] =	vst.msk vm0, v2;
	v2 =	vmpcnt.ones.xlane vm0  }
0x273: {  	v3 =	vld [tilespmem:s14+$0xFFFFFFF0]  }
0x274: {  	v4 =	vld [tilespmem:s12+$0xFFFFFFF0];
	(v2sf) =	vpush v2, $0x0;
	_ =	sdelay $0x4  }
0x275: {  	vm13 =	vlt.f32 v3, v4  }
0x276: {  	v2 =	vmpcnt.ones.xlane vm13;
	_ =	sdelay $0x1  }
0x277: {  	(v2sf) =	vpush v2, $0x0;
	_ =	sdelay $0x6  }
0x278: {  	s16 =	sadd.s32 $0x10, s13;
	s25 =	spop (v2sf)  }
0x279: {  	[tilespmem:s12+$0xFFFFFFF0] =	vst v3;
	v2 =	vor.u32 s16, v1;
	s15 =	sadd.s32 s15, s25  }
0x27a: {  	[tilespmem:s15+$0x10860] =	vst.msk vm13, v2  }
0x27b: {  	v2 =	vld [tilespmem:s12+$0x0]  }
0x27c: {  	v3 =	vld [tilespmem:s14+$0x0];
	_ =	sdelay $0x3  }
0x27d: {  	s26 =	sadd.s32 $0x20, s13;
	s28 =	spop (v2sf)  }
0x27e: {  	s15 =	sadd.s32 s15, s28;
	[tilespmem:s12+$0x0] =	vst v3;
	vm14 =	vlt.f32 v3, v2;
	v2 =	vor.u32 s26, v1  }
0x27f: {  	[tilespmem:s15+$0x10860] =	vst.msk vm14, v2  }
0x280: {  	v2 =	vld [tilespmem:s12+$0x10]  }
0x281: {  	v3 =	vld [tilespmem:s14+$0x10];
	_ =	sdelay $0x4  }
0x282: {  	v63 =	vmpcnt.ones.xlane vm14;
	vm15 =	vlt.f32 v3, v2  }
0x283: {  	v2 =	vmpcnt.ones.xlane vm15  }
0x284: {  	(v2sf) =	vpush v63, $0x0  }
0x285: {  	(v2sf) =	vpush v2, $0x0;
	_ =	sdelay $0xd  }
0x286: {  	s29 =	spop (v2sf)  }
0x287: {  	s14 =	sadd.s32 s15, s29;
	s30 =	spop (v2sf)  }
0x288: {  	s15 =	sadd.s32 s14, s30  }
0x289: {  	s31 =	sadd.s32 $0x30, s13;
	s16 =	simm.s32 $0x1;
	p0 =	sgt.s32 s15, $0x0  }
0x28a: {  	[tilespmem:s12+$0x10] =	vst v3;
	v2 =	vor.u32 s31, v1;
	[smem:$0x8] =	sst s15;
	s16 =	simm.s32 @!p0 $0x0  }
0x28b: {  	[tilespmem:s14+$0x10860] =	vst.msk vm15, v2;
	[smem:$0x0] =	sst s16  }
0x28c: {  	[bflag:$0x0] =	sbarrier.arrive $0xFFFF  }
.LBB2_32:
0x28d: {  	s7 =	sadd.s32 $0x1, s7  }
0x28e: {  	p0 =	sne.s32 s7, $0xF  }
.Ltmp21:
0x28f: {  	_ = 	snop;
	(pc) =	sbr.rel @!p0 .LBB2_33-.Ltmp21, $1  }
0x290: {  	_ =	sdelay $0x3  }
.Ltmp22:
0x291: {  	(pc) =	sbr.rel .LBB2_23-.Ltmp22, $2  }
0x292: {  	_ = 	snop  }
0x293: {  	s12 =	sld [smem:$0x0];
	_ =	sdelay $0x2  }
.LBB2_33:
0x294: {  	v1 =	vlaneseq.u32  }
0x295: {  	v2 =	vmul.u32 $0x88, v1;
	_ =	sdelay $0x1  }
0x296: {  	v3 =	vld [tilespmem:s4+$0x10000];
	v4 =	vadd.s32 $0x80, v2;
	_ =	sdelay $0x3  }
0x297: {  	s5 =	simm.s32 $0x10C60  }
0x298: {  	[tilespmem:v4+s5+$0x0] =	vst.idx.msk $0xffff, v3  }
0x299: {  	v62 =	vadd.s32 $0x900, v2;
	v3 =	vld [tilespmem:s4+$0x10010];
	_ =	sdelay $0x4  }
0x29a: {  	[tilespmem:v62+s5+$0x0] =	vst.idx.msk $0xffff, v3  }
0x29b: {  	v63 =	vadd.s32 $0x1180, v2;
	v3 =	vld [tilespmem:s4+$0x10020];
	_ =	sdelay $0x4  }
0x29c: {  	[tilespmem:v63+s5+$0x0] =	vst.idx.msk $0xffff, v3  }
0x29d: {  	v2 =	vadd.s32 $0x1A00, v2;
	v3 =	vld [tilespmem:s4+$0x10030];
	_ =	sdelay $0x4  }
0x29e: {  	s3 =	simm.s32 $0x0;
	s31 =	simm.s32 $0x1;
	[tilespmem:v2+s5+$0x0] =	vst.idx.msk $0xffff, v3  }
0x29f: {  	[hbm4b:s6+s3] =	stream.linear.scatter [tilespmem:s5], [sflag:$0x1], $0x2200, $0x38;
	[tilespmem:$0x12EA0] =	vst v63  }
0x2a0: {  	_ =	swait.ge [sflag:s31], $0x2200  }
0x2a1: {  	[sflag:s31] =	ssyncset.done $0x0  }
0x2a2: {  	p0 =	sne.s32 s2, $0x0;
	[sflag:s31] =	ssyncadd.s32 $0xFFFFDE00  }
0x2a3: {  	_ =	sfence.sel @p0 $0x180000  }
0x2a4: {  	[bflag:$0x0] =	sbarrier.arrive @p0 $0xFFFF  }
0x2a5: {  	_ =	strace @p0 $0x90000047  }
0x2a6: {  	[bflag:$0x2] =	sbarrier.arrive @p0 $0xFFFF  }
0x2a7: {  	_ =	shalt @p0  }
.LBB2_34:
0x2a8: {  	s2 =	simm.s32 $0x10000  }
0x2a9: {  	v4 =	vld [tilespmem:s2+$0x0];
	_ =	sdelay $0x2  }
0x2aa: {  	v2 =	vor.u32 s3, v1  }
0x2ab: {  	v3 =	vimm.f32 $-Inf;
	vm0 =	veq.s32 v2, v0  }
0x2ac: {  	s3 =	simm.s32 $0x10010;
	v2 =	vimm.f32 $0.0e+00;
	s2 =	simm.s32 $0x10;
	v3 =	vmax.f32 v3, v4;
	v4 =	vnsel vm0, $0x0, v4  }
.LBB2_35:
0x2ad: {  	v5 =	vld [tilespmem:s3+$0x0];
	p0 =	sne.s32 s2, $0x3F0;
	v2 =	vadd.f32 v4, v2;
	s4 =	smov.u32 s2;
	s2 =	sadd.s32 $0x10, s2  }
.Ltmp23:
0x2ae: {  	(pc) =	sbr.rel @p0 .LBB2_35-.Ltmp23, $4  }
0x2af: {  	_ = 	snop  }
0x2b0: {  	v4 =	vor.u32 s4, v1  }
0x2b1: {  	vm0 =	veq.s32 v4, v0  }
0x2b2: {  	s3 =	sadd.s32 $0x10, s3;
	v3 =	vmax.f32 v3, v5;
	v4 =	vnsel vm0, $0x0, v5  }
0x2b3: {  	v0 =	vadd.f32 v4, v2;
	_ =	sdelay $0x1  }
0x2b4: {  	(xrf2) =	vadd.scan.msk.f32 $0xffff, v0;
	_ =	sdelay $0x4  }
0x2b5: {  	(xrf0) =	vmax.scan.msk.f32 $0xffff, v3;
	_ =	sdelay $0x4  }
0x2b6: {  	v0, _, _ =	vpop (xrf2)  }
0x2b7: {  	v1, _, _ =	vpop (xrf0);
	v0 =	vbroadcast v0, $0xF  }
0x2b8: {  	vm0 =	vcmask $0x704;
	v1 =	vbroadcast v1, $0xF  }
0x2b9: {  	vm15 =	vcmask $0x3F04;
	v0 =	vnsel vm0, $0x0, v0  }
0x2ba: {  	v0 =	vsel vm15, v0, v1  }
0x2bb: {  	s2 =	simm.s32 $0x0;
	s3 =	simm.s32 $0x10850;
	s31 =	simm.s32 $0x1;
	[tilespmem:$0x10850] =	vst v0  }
0x2bc: {  	[hbm4b:s1+s2] =	stream.linear.scatter [tilespmem:s3], [sflag:$0x1], $0x10, $0x38;
	[tilespmem:$0x12EA0] =	vst v63  }
0x2bd: {  	_ =	swait.ge [sflag:s31], $0x10  }
0x2be: {  	[sflag:s31] =	ssyncset.done $0x0  }
0x2bf: {  	[sflag:s31] =	ssyncadd.s32 $0xFFFFFFF0  }
0x2c0: {  	_ =	sfence.sel $0x180000  }
0x2c1: {  	[bflag:$0x0] =	sbarrier.arrive $0xFFFF  }
0x2c2: {  	_ =	strace $0x90000047  }
0x2c3: {  	s0 =	sadd.s32 $0x100000, s0;
	[bflag:$0x2] =	sbarrier.arrive $0xFFFF  }
0x2c4: {  	[sflag:s0] =	ssyncadd.tile.s32 $0x1;
	_ =	shalt  }
.Lfunc_end2:
_tile_overlayer_lowered:
.L_overlay_start_2:
0x2c5: {  	(tag) =	ssettag $0x2  }
0x2c6: {  	s0 =	rddreg [dreg:$0x0];
	s2 =	stileid.u32  }
0x2c7: {  	s1 =	rddreg [dreg:$0x1];
	p0 =	sne.s32 s2, $0x0  }
0x2c8: {  	s3 =	rddreg [dreg:$0x2];
	[bflag:$0x3] =	sbarrier.arrive $0xFFFF;
	s2 =	simm.s32 @!p0 $0x1C01  }
0x2c9: {  	[timem:s3], [sflag:s2] =	dma.local @!p0 [hbm:s0], s1  }
0x2ca: {  	s0 =	simm.s32 @!p0 $0x1  }
0x2cb: {  	_ =	swait.ge @!p0 [sflag:s0], s1  }
0x2cc: {  	s1 =	ssub.s32 @!p0 $0x0, s1;
	[sflag:s0] =	ssyncset.done @!p0 $0x0  }
0x2cd: {  	[sflag:s0] =	ssyncadd.s32 @!p0 s1  }
0x2ce: {  	[bflag:$0x3] =	sbarrier.arrive $0xFFFF  }
0x2cf: {  	_ =	shalt  }

</sc_bundles>
